<compile_context>
chip_gen: v7x
topology: tpu7x:2x2x1
jax: 0.10.2.dev20260603
libtpu: 0.0.44.dev20260713+nightly
codegen_flags: <defaults>
</compile_context>

<pallas_src>
import functools

import jax
import jax.numpy as jnp
import numpy as np
from jax import lax
from jax.experimental import pallas as pl
from jax.experimental.pallas import tpu as pltpu
from jax.experimental.pallas import tpu_sc as plsc

_N = 10000
_E = 320000
_DM = 768
_NP = 10240
_RPAD = 2560
_RPT = _RPAD // 32
_RPT_CS = _RPAD // 16
_ROWS_PT = _NP // 16
_BLK = 1024
_G = _NP // _BLK

_mesh = plsc.VectorSubcoreMesh(core_axis_name="c", subcore_axis_name="s")
_sc_params = pltpu.CompilerParams(use_tc_tiling_on_sc=False)


def _sc_agg(table2, src2d, dst2d, dh, dtype=jnp.float32):
    lanes = 16 if dtype == jnp.float32 else 32

    @functools.partial(
        pl.kernel,
        out_type=jax.ShapeDtypeStruct((2, _NP, dh), dtype),
        mesh=_mesh,
        scratch_types=[
            pltpu.VMEM((_RPT_CS, 128), jnp.int32),
            pltpu.VMEM((_RPT_CS, 128), jnp.int32),
            pltpu.VMEM((4, 128, dh), dtype),
            pltpu.VMEM((128, dh), dtype),
            pltpu.VMEM_SHARED((_NP, dh), dtype),
        ] + [pltpu.SemaphoreType.DMA] * 4,
        compiler_params=_sc_params,
    )
    def k(table_hbm, src_hbm, dst_hbm, out_hbm, sidx, didx, rows4, zbuf, acc,
          *sems):
        c = lax.axis_index("c")
        s = lax.axis_index("s")
        gsems = sems

        @pl.loop(0, 128)
        def _(r):
            for kk in range(dh // lanes):
                zbuf[r, pl.ds(kk * lanes, lanes)] = jnp.zeros((lanes,), dtype)

        @pl.loop(0, 5)
        def _(t):
            pltpu.sync_copy(zbuf, acc.at[pl.ds(s * _ROWS_PT + t * 128, 128)])

        plsc.subcore_barrier()

        pltpu.sync_copy(src_hbm.at[pl.ds(s * _RPT_CS, _RPT_CS)], sidx)
        pltpu.sync_copy(dst_hbm.at[pl.ds(s * _RPT_CS, _RPT_CS)], didx)

        tbl = table_hbm.at[c]
        for b in range(4):
            pltpu.async_copy(tbl.at[sidx.at[b]], rows4.at[b], gsems[b])

        @pl.loop(0, _RPT_CS, step=4)
        def _(j):
            for b in range(4):
                g = j + b
                pltpu.make_async_copy(tbl.at[sidx.at[g]], rows4.at[b],
                                      gsems[b]).wait()
                pltpu.sync_copy(rows4.at[b], acc.at[didx.at[g]], add=True)

                @pl.when(g + 4 < _RPT_CS)
                def _():
                    pltpu.async_copy(tbl.at[sidx.at[g + 4]], rows4.at[b],
                                     gsems[b])

        plsc.subcore_barrier()

        @pl.loop(0, 5)
        def _(t):
            sl = pl.ds(s * _ROWS_PT + t * 128, 128)
            pltpu.sync_copy(acc.at[sl], zbuf)
            pltpu.sync_copy(zbuf, out_hbm.at[c, sl])

    return k(table2, src2d, dst2d)


def _sc_deg(dst2d):

    @functools.partial(
        pl.kernel,
        out_type=jax.ShapeDtypeStruct((2, _NP), jnp.float32),
        mesh=_mesh,
        scratch_types=[
            pltpu.VMEM((_RPT, 128), jnp.int32),
            pltpu.VMEM((128,), jnp.float32),
            pltpu.VMEM((128,), jnp.float32),
            pltpu.VMEM_SHARED((_NP,), jnp.float32),
        ] + [pltpu.SemaphoreType.DMA] * 4,
        compiler_params=_sc_params,
    )
    def k(dst_hbm, out_hbm, didx, ones, buf, acc, *sems):
        c = lax.axis_index("c")
        s = lax.axis_index("s")
        wid = c * 16 + s

        for kk in range(8):
            ones[pl.ds(kk * 16, 16)] = jnp.ones((16,), jnp.float32)
            buf[pl.ds(kk * 16, 16)] = jnp.zeros((16,), jnp.float32)

        @pl.loop(0, 5)
        def _(t):
            pltpu.sync_copy(buf, acc.at[pl.ds(s * _ROWS_PT + t * 128, 128)])

        plsc.subcore_barrier()

        pltpu.sync_copy(dst_hbm.at[pl.ds(wid * _RPT, _RPT)], didx)

        @pl.loop(0, _RPT, step=4)
        def _(j):
            for b in range(4):
                g = j + b

                @pl.when(g >= 4)
                def _():
                    pltpu.make_async_copy(ones, acc.at[didx.at[g - 4]],
                                          sems[b]).wait()
                pltpu.async_copy(ones, acc.at[didx.at[g]], sems[b], add=True)

        for b in range(4):
            pltpu.make_async_copy(ones, acc.at[didx.at[_RPT - 4 + b]],
                                  sems[b]).wait()

        plsc.subcore_barrier()

        @pl.loop(0, 5)
        def _(t):
            sl = pl.ds(s * _ROWS_PT + t * 128, 128)
            pltpu.sync_copy(acc.at[sl], buf)
            pltpu.sync_copy(buf, out_hbm.at[c, sl])

    return k(dst2d)


def _bf(a):
    return a.astype(jnp.bfloat16)


def _dot(a, w):
    return jnp.dot(_bf(a), w, preferred_element_type=jnp.float32)


def _ln(h, g, b):
    n = h.shape[1]
    jones = jnp.ones((n, 8), jnp.bfloat16)
    mu = jnp.dot(_bf(h), jones, preferred_element_type=jnp.float32)[:, :1] / n
    dd = h - mu
    db = _bf(dd)
    s2 = jnp.dot(db * db, jones, preferred_element_type=jnp.float32)[:, :1]
    return dd * lax.rsqrt(s2 / n + 1e-5) * g + b


def _gelu_new(h):
    c = float(np.sqrt(2.0 / np.pi))
    return 0.5 * h * (1.0 + jnp.tanh(c * (h + 0.044715 * h * h * h)))


def _tc_prep_body(d0, d1, xr, odis, oh):
    deg = d0[0] + d1[0] + 1.0
    dis = lax.rsqrt(deg)
    odis[...] = dis
    x = xr[...]
    oh[0] = _bf(x[:, :64] * dis)
    oh[1] = _bf(x[:, 64:] * dis)


def _tc_big_body(a0, a1, xr, disr, w1, b1, g1, e1, wv, bv, wo, bo, g2, e2,
                 wfc, bfc, wp, bp, w2, o_ref):
    dis = disr[...]
    agg = jnp.concatenate([a0[0], a1[0]], axis=1).astype(jnp.float32)
    u = dis * agg + (dis * dis) * xr[...]
    h = jax.nn.relu(_dot(u, w1[...]) + b1[...])
    for l in range(2):
        a = _ln(h, g1[l], e1[l])
        v = _dot(a, wv[l]) + bv[l]
        h = h + _dot(v, wo[l]) + bo[l]
        m = _ln(h, g2[l], e2[l])
        f = _gelu_new(_bf(_dot(m, wfc[l]) + bfc[l]))
        h = h + jnp.dot(f, wp[l], preferred_element_type=jnp.float32) + bp[l]
    r = jax.nn.relu(h)
    hwd = _dot(r, w2[...]) * dis
    o_ref[0] = _bf(hwd[:, :32])
    o_ref[1] = _bf(hwd[:, 32:])


def _tc_fin_body(q0, q1, h0, h1, disr, b2r, o_ref):
    f32 = jnp.float32
    dis = disr[...]
    z0 = dis * (q0[0].astype(f32) + h0[0].astype(f32))
    z1 = dis * (q1[0].astype(f32) + h1[0].astype(f32))
    z = jnp.concatenate([z0, z1], axis=1) + b2r[...]
    col = lax.broadcasted_iota(jnp.int32, z.shape, 1)
    zm = jnp.where(col < 40, z, -1e30)
    mx = jnp.max(zm, axis=1, keepdims=True)
    lse = jnp.log(jnp.sum(jnp.exp(zm - mx), axis=1, keepdims=True)) + mx
    o_ref[...] = (z - lse)[:, :40]


def _row_spec(d):
    return pl.BlockSpec((_BLK, d), lambda i: (i, 0))


def _full(shape):
    nd = len(shape)
    return pl.BlockSpec(shape, lambda i, _nd=nd: (0,) * _nd)


def _part_spec(j, d):
    return pl.BlockSpec((1, _BLK, d), lambda i, _j=j: (_j, i, 0))


def kernel(x, edge_index, W1, b1, ln1_g, ln1_b, Wqkv, bqkv, Wo, bo,
           ln2_g, ln2_b, Wfc, bfc, Wp, bp, W2, b2):
    f32 = jnp.float32
    src, dst = edge_index[0], edge_index[1]
    pad_e = _RPAD * 128 - _E
    padv = jnp.full((pad_e,), _N, jnp.int32)
    src2d = jnp.concatenate([src, padv]).reshape(_RPAD, 128)
    dst2d = jnp.concatenate([dst, padv]).reshape(_RPAD, 128)
    xp = jnp.pad(x, ((0, _NP - _N), (0, 0)))

    degp = _sc_deg(dst2d)
    degp3 = degp[:, :, None]

    dis2, hs0s = pl.pallas_call(
        _tc_prep_body,
        grid=(_G,),
        in_specs=[_part_spec(0, 1), _part_spec(1, 1), _row_spec(128)],
        out_specs=[_row_spec(1), pl.BlockSpec((2, _BLK, 64),
                                              lambda i: (0, i, 0))],
        out_shape=[jax.ShapeDtypeStruct((_NP, 1), f32),
                   jax.ShapeDtypeStruct((2, _NP, 64), jnp.bfloat16)],
    )(degp3, degp3, xp)

    ap = _sc_agg(hs0s, src2d, dst2d, 64, jnp.bfloat16)

    Wv = _bf(Wqkv[:, :, 2 * _DM:])
    bv = bqkv[:, 2 * _DM:]
    W2p = _bf(jnp.pad(W2, ((0, 0), (0, 24))))
    b2p = jnp.pad(b2, (0, 24))[None]

    hwds = pl.pallas_call(
        _tc_big_body,
        grid=(_G,),
        in_specs=[
            _part_spec(0, 64), _part_spec(1, 64),
            _row_spec(128), _row_spec(1),
            _full((128, _DM)), _full((1, _DM)),
            _full((2, _DM)), _full((2, _DM)),
            _full((2, _DM, _DM)), _full((2, _DM)),
            _full((2, _DM, _DM)), _full((2, _DM)),
            _full((2, _DM)), _full((2, _DM)),
            _full((2, _DM, 3072)), _full((2, 3072)),
            _full((2, 3072, _DM)), _full((2, _DM)),
            _full((_DM, 64)),
        ],
        out_specs=pl.BlockSpec((2, _BLK, 32), lambda i: (0, i, 0)),
        out_shape=jax.ShapeDtypeStruct((2, _NP, 32), jnp.bfloat16),
    )(ap, ap, xp, dis2, _bf(W1), b1[None], ln1_g, ln1_b, Wv, bv,
      _bf(Wo), bo, ln2_g, ln2_b, _bf(Wfc), bfc, _bf(Wp), bp, W2p)

    qp = _sc_agg(hwds, src2d, dst2d, 32, jnp.bfloat16)

    out = pl.pallas_call(
        _tc_fin_body,
        grid=(_G,),
        in_specs=[
            _part_spec(0, 32), _part_spec(1, 32),
            _part_spec(0, 32), _part_spec(1, 32),
            _row_spec(1), _full((1, 64)),
        ],
        out_specs=_row_spec(40),
        out_shape=jax.ShapeDtypeStruct((_NP, 40), f32),
    )(qp, qp, hwds, hwds, dis2, b2p)

    return out[:_N]

# --- scband reference (transcript-rebuilt; emitter-appended) ---
"""Pipeline reference for scband-graph-gpt-classification-88888643158721 (READ-ONLY COPY).

The authoritative reference and input builder live on the scoring server;
editing this copy changes nothing except your own understanding.
"""

import jax, jax.numpy as jnp
import numpy as np

N = 10000
E = 320000
D_IN = 128
D_MODEL = 768
N_HEADS = 12
N_LAYERS = 2
D_FF = 3072
N_CLASSES = 40


def setup_inputs(seed: int = 0) -> dict:
    key = jax.random.key(seed)
    ks = jax.random.split(key, 16)
    x = jax.random.normal(ks[0], (N, D_IN), dtype=jnp.float32)
    edge_index = jax.random.randint(ks[1], (2, E), 0, N, dtype=jnp.int32)
    s = 0.02
    W1 = s * jax.random.normal(ks[2], (D_IN, D_MODEL), dtype=jnp.float32)
    b1 = jnp.zeros((D_MODEL,), jnp.float32)
    ln1_g = jnp.ones((N_LAYERS, D_MODEL), jnp.float32)
    ln1_b = jnp.zeros((N_LAYERS, D_MODEL), jnp.float32)
    Wqkv = s * jax.random.normal(ks[3], (N_LAYERS, D_MODEL, 3 * D_MODEL), dtype=jnp.float32)
    bqkv = jnp.zeros((N_LAYERS, 3 * D_MODEL), jnp.float32)
    Wo = s * jax.random.normal(ks[4], (N_LAYERS, D_MODEL, D_MODEL), dtype=jnp.float32)
    bo = jnp.zeros((N_LAYERS, D_MODEL), jnp.float32)
    ln2_g = jnp.ones((N_LAYERS, D_MODEL), jnp.float32)
    ln2_b = jnp.zeros((N_LAYERS, D_MODEL), jnp.float32)
    Wfc = s * jax.random.normal(ks[5], (N_LAYERS, D_MODEL, D_FF), dtype=jnp.float32)
    bfc = jnp.zeros((N_LAYERS, D_FF), jnp.float32)
    Wp = s * jax.random.normal(ks[6], (N_LAYERS, D_FF, D_MODEL), dtype=jnp.float32)
    bp = jnp.zeros((N_LAYERS, D_MODEL), jnp.float32)
    W2 = s * jax.random.normal(ks[7], (D_MODEL, N_CLASSES), dtype=jnp.float32)
    b2 = jnp.zeros((N_CLASSES,), jnp.float32)
    return {"x": x, "edge_index": edge_index, "W1": W1, "b1": b1,
            "ln1_g": ln1_g, "ln1_b": ln1_b, "Wqkv": Wqkv, "bqkv": bqkv,
            "Wo": Wo, "bo": bo, "ln2_g": ln2_g, "ln2_b": ln2_b,
            "Wfc": Wfc, "bfc": bfc, "Wp": Wp, "bp": bp, "W2": W2, "b2": b2}


def reference(x, edge_index, W1, b1, ln1_g, ln1_b, Wqkv, bqkv, Wo, bo,
              ln2_g, ln2_b, Wfc, bfc, Wp, bp, W2, b2):
    n = x.shape[0]
    loop = jnp.arange(n, dtype=edge_index.dtype)
    src = jnp.concatenate([edge_index[0], loop])
    dst = jnp.concatenate([edge_index[1], loop])
    deg = jax.ops.segment_sum(jnp.ones(src.shape[0], x.dtype), dst, num_segments=n)
    dis = jax.lax.rsqrt(jnp.maximum(deg, 1e-12))
    norm = dis[src] * dis[dst]

    def gcn(h, W, b):
        h = h @ W
        msg = h[src] * norm[:, None]
        return jax.ops.segment_sum(msg, dst, num_segments=n) + b

    def ln(h, g, b):
        mu = h.mean(-1, keepdims=True)
        v = ((h - mu) ** 2).mean(-1, keepdims=True)
        return (h - mu) / jnp.sqrt(v + 1e-5) * g + b

    def gelu_new(h):
        return 0.5 * h * (1.0 + jnp.tanh(np.sqrt(2.0 / np.pi) * (h + 0.044715 * h ** 3)))

    h = jax.nn.relu(gcn(x, W1, b1))
    dh = D_MODEL // N_HEADS
    for l in range(N_LAYERS):
        a = ln(h, ln1_g[l], ln1_b[l])
        qkv = a @ Wqkv[l] + bqkv[l]
        q, k, v = jnp.split(qkv, 3, axis=-1)
        qh = q.reshape(n, N_HEADS, dh)
        kh = k.reshape(n, N_HEADS, dh)
        vh = v.reshape(n, N_HEADS, dh)
        scores = jnp.einsum('nhd,nhd->nh', qh, kh) / np.sqrt(dh)
        w = jax.nn.softmax(scores[..., None], axis=-1)  # seq_len=1 keys
        ctx = (w * vh).reshape(n, D_MODEL)
        h = h + ctx @ Wo[l] + bo[l]
        m = ln(h, ln2_g[l], ln2_b[l])
        h = h + gelu_new(m @ Wfc[l] + bfc[l]) @ Wp[l] + bp[l]
    h = jax.nn.relu(h)
    out = gcn(h, W2, b2)
    return jax.nn.log_softmax(out, axis=1)

if __name__ == "__main__":
    import jax
    _d = setup_inputs()
    print(jax.jit(kernel)(*tuple(_d.values())))

</pallas_src>

<mosaic_0001>
#map = affine_map<(d0, d1) -> (0, 0)>
module attributes {stable_mosaic.version = 14 : i64} {
  func.func @k(%arg0: i32, %arg1: i32, %arg2: memref<2560x128xi32, #tpu.memory_space<hbm>>, %arg3: memref<2x10240xf32, #tpu.memory_space<hbm>>, %arg4: memref<80x128xi32, #tpu.memory_space<vmem>>, %arg5: memref<128xf32, #tpu.memory_space<vmem>>, %arg6: memref<128xf32, #tpu.memory_space<vmem>>, %arg7: memref<10240xf32, #tpu.memory_space<vmem_shared>>, %arg8: memref<!tpu.dma_semaphore, #tpu.memory_space<semaphore_mem>>, %arg9: memref<!tpu.dma_semaphore, #tpu.memory_space<semaphore_mem>>, %arg10: memref<!tpu.dma_semaphore, #tpu.memory_space<semaphore_mem>>, %arg11: memref<!tpu.dma_semaphore, #tpu.memory_space<semaphore_mem>>) attributes {dimension_semantics = [#tpu.dimension_semantics<core_parallel>, #tpu.dimension_semantics<subcore_parallel>], iteration_bounds = array<i64: 2, 16>, scalar_prefetch = 0 : i64, scratch_operands = 8 : i64, tpu.core_type = #tpu.core_type<sc_vector_subcore>, window_params = [{transform_indices = #map}, {transform_indices = #map}]} {
    %mul3A = arith.constant 16 : i32
    %mul3A_0 = arith.muli %arg0, %mul3A : i32
    %add3A = arith.addi %mul3A_0, %arg1 : i32
    %broadcast_in_dim3A = arith.constant 1.000000e+00 : f32
    %broadcast_in_dim3A_1 = vector.broadcast %broadcast_in_dim3A : f32 to vector<16xf32>
    %swap3A = arith.constant 0 : index
    %swap3A_2 = tpu.vector_load %arg5[%swap3A] {strides = array<i32>} : memref<128xf32, #tpu.memory_space<vmem>>, vector<16xf32>,
    %swap3A_3 = vector.shape_cast %swap3A_2 : vector<16xf32> to vector<16xf32>
    %swap3A_4 = vector.shape_cast %broadcast_in_dim3A_1 : vector<16xf32> to vector<16xf32>
    tpu.vector_store %arg5[%swap3A], %swap3A_4 {strides = array<i32>} : memref<128xf32, #tpu.memory_space<vmem>>, vector<16xf32>,
    %broadcast_in_dim3A_5 = arith.constant 0.000000e+00 : f32
    %broadcast_in_dim3A_6 = vector.broadcast %broadcast_in_dim3A_5 : f32 to vector<16xf32>
    %swap3A_7 = arith.constant 0 : index
    %swap3A_8 = tpu.vector_load %arg6[%swap3A_7] {strides = array<i32>} : memref<128xf32, #tpu.memory_space<vmem>>, vector<16xf32>,
    %swap3A_9 = vector.shape_cast %swap3A_8 : vector<16xf32> to vector<16xf32>
    %swap3A_10 = vector.shape_cast %broadcast_in_dim3A_6 : vector<16xf32> to vector<16xf32>
    tpu.vector_store %arg6[%swap3A_7], %swap3A_10 {strides = array<i32>} : memref<128xf32, #tpu.memory_space<vmem>>, vector<16xf32>,
    %broadcast_in_dim3A_11 = arith.constant 1.000000e+00 : f32
    %broadcast_in_dim3A_12 = vector.broadcast %broadcast_in_dim3A_11 : f32 to vector<16xf32>
    %swap3A_13 = arith.constant 16 : index
    %swap3A_14 = tpu.vector_load %arg5[%swap3A_13] {strides = array<i32>} : memref<128xf32, #tpu.memory_space<vmem>>, vector<16xf32>,
    %swap3A_15 = vector.shape_cast %swap3A_14 : vector<16xf32> to vector<16xf32>
    %swap3A_16 = vector.shape_cast %broadcast_in_dim3A_12 : vector<16xf32> to vector<16xf32>
    tpu.vector_store %arg5[%swap3A_13], %swap3A_16 {strides = array<i32>} : memref<128xf32, #tpu.memory_space<vmem>>, vector<16xf32>,
    %broadcast_in_dim3A_17 = arith.constant 0.000000e+00 : f32
    %broadcast_in_dim3A_18 = vector.broadcast %broadcast_in_dim3A_17 : f32 to vector<16xf32>
    %swap3A_19 = arith.constant 16 : index
    %swap3A_20 = tpu.vector_load %arg6[%swap3A_19] {strides = array<i32>} : memref<128xf32, #tpu.memory_space<vmem>>, vector<16xf32>,
    %swap3A_21 = vector.shape_cast %swap3A_20 : vector<16xf32> to vector<16xf32>
    %swap3A_22 = vector.shape_cast %broadcast_in_dim3A_18 : vector<16xf32> to vector<16xf32>
    tpu.vector_store %arg6[%swap3A_19], %swap3A_22 {strides = array<i32>} : memref<128xf32, #tpu.memory_space<vmem>>, vector<16xf32>,
    %broadcast_in_dim3A_23 = arith.constant 1.000000e+00 : f32
    %broadcast_in_dim3A_24 = vector.broadcast %broadcast_in_dim3A_23 : f32 to vector<16xf32>
    %swap3A_25 = arith.constant 32 : index
    %swap3A_26 = tpu.vector_load %arg5[%swap3A_25] {strides = array<i32>} : memref<128xf32, #tpu.memory_space<vmem>>, vector<16xf32>,
    %swap3A_27 = vector.shape_cast %swap3A_26 : vector<16xf32> to vector<16xf32>
    %swap3A_28 = vector.shape_cast %broadcast_in_dim3A_24 : vector<16xf32> to vector<16xf32>
    tpu.vector_store %arg5[%swap3A_25], %swap3A_28 {strides = array<i32>} : memref<128xf32, #tpu.memory_space<vmem>>, vector<16xf32>,
    %broadcast_in_dim3A_29 = arith.constant 0.000000e+00 : f32
    %broadcast_in_dim3A_30 = vector.broadcast %broadcast_in_dim3A_29 : f32 to vector<16xf32>
    %swap3A_31 = arith.constant 32 : index
    %swap3A_32 = tpu.vector_load %arg6[%swap3A_31] {strides = array<i32>} : memref<128xf32, #tpu.memory_space<vmem>>, vector<16xf32>,
    %swap3A_33 = vector.shape_cast %swap3A_32 : vector<16xf32> to vector<16xf32>
    %swap3A_34 = vector.shape_cast %broadcast_in_dim3A_30 : vector<16xf32> to vector<16xf32>
    tpu.vector_store %arg6[%swap3A_31], %swap3A_34 {strides = array<i32>} : memref<128xf32, #tpu.memory_space<vmem>>, vector<16xf32>,
    %broadcast_in_dim3A_35 = arith.constant 1.000000e+00 : f32
    %broadcast_in_dim3A_36 = vector.broadcast %broadcast_in_dim3A_35 : f32 to vector<16xf32>
    %swap3A_37 = arith.constant 48 : index
    %swap3A_38 = tpu.vector_load %arg5[%swap3A_37] {strides = array<i32>} : memref<128xf32, #tpu.memory_space<vmem>>, vector<16xf32>,
    %swap3A_39 = vector.shape_cast %swap3A_38 : vector<16xf32> to vector<16xf32>
    %swap3A_40 = vector.shape_cast %broadcast_in_dim3A_36 : vector<16xf32> to vector<16xf32>
    tpu.vector_store %arg5[%swap3A_37], %swap3A_40 {strides = array<i32>} : memref<128xf32, #tpu.memory_space<vmem>>, vector<16xf32>,
    %broadcast_in_dim3A_41 = arith.constant 0.000000e+00 : f32
    %broadcast_in_dim3A_42 = vector.broadcast %broadcast_in_dim3A_41 : f32 to vector<16xf32>
    %swap3A_43 = arith.constant 48 : index
    %swap3A_44 = tpu.vector_load %arg6[%swap3A_43] {strides = array<i32>} : memref<128xf32, #tpu.memory_space<vmem>>, vector<16xf32>,
    %swap3A_45 = vector.shape_cast %swap3A_44 : vector<16xf32> to vector<16xf32>
    %swap3A_46 = vector.shape_cast %broadcast_in_dim3A_42 : vector<16xf32> to vector<16xf32>
    tpu.vector_store %arg6[%swap3A_43], %swap3A_46 {strides = array<i32>} : memref<128xf32, #tpu.memory_space<vmem>>, vector<16xf32>,
    %broadcast_in_dim3A_47 = arith.constant 1.000000e+00 : f32
    %broadcast_in_dim3A_48 = vector.broadcast %broadcast_in_dim3A_47 : f32 to vector<16xf32>
    %swap3A_49 = arith.constant 64 : index
    %swap3A_50 = tpu.vector_load %arg5[%swap3A_49] {strides = array<i32>} : memref<128xf32, #tpu.memory_space<vmem>>, vector<16xf32>,
    %swap3A_51 = vector.shape_cast %swap3A_50 : vector<16xf32> to vector<16xf32>
    %swap3A_52 = vector.shape_cast %broadcast_in_dim3A_48 : vector<16xf32> to vector<16xf32>
    tpu.vector_store %arg5[%swap3A_49], %swap3A_52 {strides = array<i32>} : memref<128xf32, #tpu.memory_space<vmem>>, vector<16xf32>,
    %broadcast_in_dim3A_53 = arith.constant 0.000000e+00 : f32
    %broadcast_in_dim3A_54 = vector.broadcast %broadcast_in_dim3A_53 : f32 to vector<16xf32>
    %swap3A_55 = arith.constant 64 : index
    %swap3A_56 = tpu.vector_load %arg6[%swap3A_55] {strides = array<i32>} : memref<128xf32, #tpu.memory_space<vmem>>, vector<16xf32>,
    %swap3A_57 = vector.shape_cast %swap3A_56 : vector<16xf32> to vector<16xf32>
    %swap3A_58 = vector.shape_cast %broadcast_in_dim3A_54 : vector<16xf32> to vector<16xf32>
    tpu.vector_store %arg6[%swap3A_55], %swap3A_58 {strides = array<i32>} : memref<128xf32, #tpu.memory_space<vmem>>, vector<16xf32>,
    %broadcast_in_dim3A_59 = arith.constant 1.000000e+00 : f32
    %broadcast_in_dim3A_60 = vector.broadcast %broadcast_in_dim3A_59 : f32 to vector<16xf32>
    %swap3A_61 = arith.constant 80 : index
    %swap3A_62 = tpu.vector_load %arg5[%swap3A_61] {strides = array<i32>} : memref<128xf32, #tpu.memory_space<vmem>>, vector<16xf32>,
    %swap3A_63 = vector.shape_cast %swap3A_62 : vector<16xf32> to vector<16xf32>
    %swap3A_64 = vector.shape_cast %broadcast_in_dim3A_60 : vector<16xf32> to vector<16xf32>
    tpu.vector_store %arg5[%swap3A_61], %swap3A_64 {strides = array<i32>} : memref<128xf32, #tpu.memory_space<vmem>>, vector<16xf32>,
    %broadcast_in_dim3A_65 = arith.constant 0.000000e+00 : f32
    %broadcast_in_dim3A_66 = vector.broadcast %broadcast_in_dim3A_65 : f32 to vector<16xf32>
    %swap3A_67 = arith.constant 80 : index
    %swap3A_68 = tpu.vector_load %arg6[%swap3A_67] {strides = array<i32>} : memref<128xf32, #tpu.memory_space<vmem>>, vector<16xf32>,
    %swap3A_69 = vector.shape_cast %swap3A_68 : vector<16xf32> to vector<16xf32>
    %swap3A_70 = vector.shape_cast %broadcast_in_dim3A_66 : vector<16xf32> to vector<16xf32>
    tpu.vector_store %arg6[%swap3A_67], %swap3A_70 {strides = array<i32>} : memref<128xf32, #tpu.memory_space<vmem>>, vector<16xf32>,
    %broadcast_in_dim3A_71 = arith.constant 1.000000e+00 : f32
    %broadcast_in_dim3A_72 = vector.broadcast %broadcast_in_dim3A_71 : f32 to vector<16xf32>
    %swap3A_73 = arith.constant 96 : index
    %swap3A_74 = tpu.vector_load %arg5[%swap3A_73] {strides = array<i32>} : memref<128xf32, #tpu.memory_space<vmem>>, vector<16xf32>,
    %swap3A_75 = vector.shape_cast %swap3A_74 : vector<16xf32> to vector<16xf32>
    %swap3A_76 = vector.shape_cast %broadcast_in_dim3A_72 : vector<16xf32> to vector<16xf32>
    tpu.vector_store %arg5[%swap3A_73], %swap3A_76 {strides = array<i32>} : memref<128xf32, #tpu.memory_space<vmem>>, vector<16xf32>,
    %broadcast_in_dim3A_77 = arith.constant 0.000000e+00 : f32
    %broadcast_in_dim3A_78 = vector.broadcast %broadcast_in_dim3A_77 : f32 to vector<16xf32>
    %swap3A_79 = arith.constant 96 : index
    %swap3A_80 = tpu.vector_load %arg6[%swap3A_79] {strides = array<i32>} : memref<128xf32, #tpu.memory_space<vmem>>, vector<16xf32>,
    %swap3A_81 = vector.shape_cast %swap3A_80 : vector<16xf32> to vector<16xf32>
    %swap3A_82 = vector.shape_cast %broadcast_in_dim3A_78 : vector<16xf32> to vector<16xf32>
    tpu.vector_store %arg6[%swap3A_79], %swap3A_82 {strides = array<i32>} : memref<128xf32, #tpu.memory_space<vmem>>, vector<16xf32>,
    %broadcast_in_dim3A_83 = arith.constant 1.000000e+00 : f32
    %broadcast_in_dim3A_84 = vector.broadcast %broadcast_in_dim3A_83 : f32 to vector<16xf32>
    %swap3A_85 = arith.constant 112 : index
    %swap3A_86 = tpu.vector_load %arg5[%swap3A_85] {strides = array<i32>} : memref<128xf32, #tpu.memory_space<vmem>>, vector<16xf32>,
    %swap3A_87 = vector.shape_cast %swap3A_86 : vector<16xf32> to vector<16xf32>
    %swap3A_88 = vector.shape_cast %broadcast_in_dim3A_84 : vector<16xf32> to vector<16xf32>
    tpu.vector_store %arg5[%swap3A_85], %swap3A_88 {strides = array<i32>} : memref<128xf32, #tpu.memory_space<vmem>>, vector<16xf32>,
    %broadcast_in_dim3A_89 = arith.constant 0.000000e+00 : f32
    %broadcast_in_dim3A_90 = vector.broadcast %broadcast_in_dim3A_89 : f32 to vector<16xf32>
    %swap3A_91 = arith.constant 112 : index
    %swap3A_92 = tpu.vector_load %arg6[%swap3A_91] {strides = array<i32>} : memref<128xf32, #tpu.memory_space<vmem>>, vector<16xf32>,
    %swap3A_93 = vector.shape_cast %swap3A_92 : vector<16xf32> to vector<16xf32>
    %swap3A_94 = vector.shape_cast %broadcast_in_dim3A_90 : vector<16xf32> to vector<16xf32>
    tpu.vector_store %arg6[%swap3A_91], %swap3A_94 {strides = array<i32>} : memref<128xf32, #tpu.memory_space<vmem>>, vector<16xf32>,
    %scan3A = arith.constant 0 : i32
    %scan3A_95 = arith.constant 5 : i32
    %scan3A_96 = arith.addi %scan3A, %scan3A_95 : i32
    %scan3A_97 = arith.constant 1 : i32
    scf.for %scan3A_135 = %scan3A to %scan3A_96 step %scan3A_97  : i32 {
      %mul3A_136 = arith.constant 1 : i32
      %mul3A_137 = arith.muli %scan3A_135, %mul3A_136 : i32
      %add3A_138 = arith.constant 0 : i32
      %add3A_139 = arith.addi %add3A_138, %mul3A_137 : i32
      %mul3A_140 = arith.constant 640 : i32
      %mul3A_141 = arith.muli %arg1, %mul3A_140 : i32
      %mul3A_142 = arith.constant 128 : i32
      %mul3A_143 = arith.muli %add3A_139, %mul3A_142 : i32
      %add3A_144 = arith.addi %mul3A_141, %mul3A_143 : i32
      "tpu.region"() ({
        %run_scoped3A = tpu.sem_alloc : memref<!tpu.dma_semaphore, #tpu.memory_space<semaphore_mem>>
        %dma_start3A = tpu.memref_slice %arg7[%add3A_144] : memref<10240xf32, #tpu.memory_space<vmem_shared>> -> memref<128xf32, #tpu.memory_space<vmem_shared>>
        %dma_start3A_145 = tpu.memref_slice %arg7[%add3A_144] : memref<10240xf32, #tpu.memory_space<vmem_shared>> -> memref<128xf32, #tpu.memory_space<vmem_shared>>
        tpu.enqueue_dma source(%arg6 : memref<128xf32, #tpu.memory_space<vmem>>) target(%dma_start3A_145 : memref<128xf32, #tpu.memory_space<vmem_shared>>) target_semaphore(%run_scoped3A : memref<!tpu.dma_semaphore, #tpu.memory_space<semaphore_mem>>)
        %dma_wait3A_146 = tpu.memref_slice %arg7[%add3A_144] : memref<10240xf32, #tpu.memory_space<vmem_shared>> -> memref<128xf32, #tpu.memory_space<vmem_shared>>
        %dma_wait3A_147 = tpu.memref_slice %arg7[%add3A_144] : memref<10240xf32, #tpu.memory_space<vmem_shared>> -> memref<128xf32, #tpu.memory_space<vmem_shared>>
        tpu.wait_dma2 semaphore(%run_scoped3A : memref<!tpu.dma_semaphore, #tpu.memory_space<semaphore_mem>>) src(%arg6 : memref<128xf32, #tpu.memory_space<vmem>>) dst(%dma_wait3A_147 : memref<128xf32, #tpu.memory_space<vmem_shared>>)
        tpu.yield
      }) : () -> ()
    }
    %scan3A_98 = arith.constant 5 : i32
    %barrier3A = arith.constant 0 : index
    tpu.barrier barrier_id(%barrier3A)
    %mul3A_99 = arith.constant 80 : i32
    %mul3A_100 = arith.muli %add3A, %mul3A_99 : i32
    "tpu.region"() ({
      %run_scoped3A = tpu.sem_alloc : memref<!tpu.dma_semaphore, #tpu.memory_space<semaphore_mem>>
      %dma_start3A = arith.constant 0 : i32
      %dma_start3A_135 = tpu.memref_slice %arg2[%mul3A_100, %dma_start3A] : memref<2560x128xi32, #tpu.memory_space<hbm>> -> memref<80x128xi32, #tpu.memory_space<hbm>>
      %dma_start3A_136 = arith.constant 0 : i32
      %dma_start3A_137 = tpu.memref_slice %arg2[%mul3A_100, %dma_start3A_136] : memref<2560x128xi32, #tpu.memory_space<hbm>> -> memref<80x128xi32, #tpu.memory_space<hbm>>
      tpu.enqueue_dma source(%dma_start3A_137 : memref<80x128xi32, #tpu.memory_space<hbm>>) target(%arg4 : memref<80x128xi32, #tpu.memory_space<vmem>>) target_semaphore(%run_scoped3A : memref<!tpu.dma_semaphore, #tpu.memory_space<semaphore_mem>>)
      %dma_wait3A_138 = arith.constant 0 : i32
      %dma_wait3A_139 = tpu.memref_slice %arg2[%mul3A_100, %dma_wait3A_138] : memref<2560x128xi32, #tpu.memory_space<hbm>> -> memref<80x128xi32, #tpu.memory_space<hbm>>
      %dma_wait3A_140 = arith.constant 0 : i32
      %dma_wait3A_141 = tpu.memref_slice %arg2[%mul3A_100, %dma_wait3A_140] : memref<2560x128xi32, #tpu.memory_space<hbm>> -> memref<80x128xi32, #tpu.memory_space<hbm>>
      tpu.wait_dma2 semaphore(%run_scoped3A : memref<!tpu.dma_semaphore, #tpu.memory_space<semaphore_mem>>) src(%dma_wait3A_141 : memref<80x128xi32, #tpu.memory_space<hbm>>) dst(%arg4 : memref<80x128xi32, #tpu.memory_space<vmem>>)
      tpu.yield
    }) : () -> ()
    %scan3A_101 = arith.constant 0 : i32
    %scan3A_102 = arith.constant 20 : i32
    %scan3A_103 = arith.addi %scan3A_101, %scan3A_102 : i32
    %scan3A_104 = arith.constant 1 : i32
    scf.for %scan3A_135 = %scan3A_101 to %scan3A_103 step %scan3A_104  : i32 {
      %mul3A_136 = arith.constant 4 : i32
      %mul3A_137 = arith.muli %scan3A_135, %mul3A_136 : i32
      %add3A_138 = arith.constant 0 : i32
      %add3A_139 = arith.addi %add3A_138, %mul3A_137 : i32
      %add3A_140 = arith.constant 0 : i32
      %add3A_141 = arith.addi %add3A_139, %add3A_140 : i32
      %ge3A = arith.constant 4 : i32
      %ge3A_142 = arith.cmpi sge, %add3A_141, %ge3A : i32
      %convert_element_type3A = arith.extui %ge3A_142 : i1 to i32
      %cond3A = arith.constant 0 : i32
      %cond3A_143 = arith.cmpi ne, %convert_element_type3A, %cond3A : i32
      scf.if %cond3A_143 {
        %sub3A = arith.constant 4 : i32
        %sub3A_184 = arith.subi %add3A_141, %sub3A : i32
        %dma_wait3A_185 = arith.constant 0 : i32
        %dma_wait3A_186 = tpu.memref_slice %arg4[%sub3A_184, %dma_wait3A_185] : memref<80x128xi32, #tpu.memory_space<vmem>> -> memref<1x128xi32, #tpu.memory_space<vmem>>
        %dma_wait3A_187 = tpu.memref_squeeze %dma_wait3A_186 : memref<1x128xi32, #tpu.memory_space<vmem>> -> memref<128xi32, #tpu.memory_space<vmem>>
        %dma_wait3A_188 = arith.constant 0 : i32
        %dma_wait3A_189 = tpu.memref_slice %arg7[%dma_wait3A_188] : memref<10240xf32, #tpu.memory_space<vmem_shared>> -> memref<10240xf32, #tpu.memory_space<vmem_shared>>
        tpu.wait_indirect_dma semaphore(%arg8 : memref<!tpu.dma_semaphore, #tpu.memory_space<semaphore_mem>>) src(%arg5 : memref<128xf32, #tpu.memory_space<vmem>>) dst(%dma_wait3A_189 : memref<10240xf32, #tpu.memory_space<vmem_shared>>)
      } else {
      }
      %dma_start3A = arith.constant 0 : i32
      %dma_start3A_144 = tpu.memref_slice %arg4[%add3A_141, %dma_start3A] : memref<80x128xi32, #tpu.memory_space<vmem>> -> memref<1x128xi32, #tpu.memory_space<vmem>>
      %dma_start3A_145 = tpu.memref_squeeze %dma_start3A_144 : memref<1x128xi32, #tpu.memory_space<vmem>> -> memref<128xi32, #tpu.memory_space<vmem>>
      %dma_start3A_146 = arith.constant 0 : i32
      %dma_start3A_147 = tpu.memref_slice %arg7[%dma_start3A_146] : memref<10240xf32, #tpu.memory_space<vmem_shared>> -> memref<10240xf32, #tpu.memory_space<vmem_shared>>
      tpu.enqueue_indirect_dma source(%arg5 : memref<128xf32, #tpu.memory_space<vmem>>) target(%dma_start3A_147 : memref<10240xf32, #tpu.memory_space<vmem_shared>>) offsets(%dma_start3A_145 : memref<128xi32, #tpu.memory_space<vmem>>) semaphore(%arg8 : memref<!tpu.dma_semaphore, #tpu.memory_space<semaphore_mem>>) {add = true}
      %add3A_148 = arith.constant 1 : i32
      %add3A_149 = arith.addi %add3A_139, %add3A_148 : i32
      %ge3A_150 = arith.constant 4 : i32
      %ge3A_151 = arith.cmpi sge, %add3A_149, %ge3A_150 : i32
      %convert_element_type3A_152 = arith.extui %ge3A_151 : i1 to i32
      %cond3A_153 = arith.constant 0 : i32
      %cond3A_154 = arith.cmpi ne, %convert_element_type3A_152, %cond3A_153 : i32
      scf.if %cond3A_154 {
        %sub3A = arith.constant 4 : i32
        %sub3A_184 = arith.subi %add3A_149, %sub3A : i32
        %dma_wait3A_185 = arith.constant 0 : i32
        %dma_wait3A_186 = tpu.memref_slice %arg4[%sub3A_184, %dma_wait3A_185] : memref<80x128xi32, #tpu.memory_space<vmem>> -> memref<1x128xi32, #tpu.memory_space<vmem>>
        %dma_wait3A_187 = tpu.memref_squeeze %dma_wait3A_186 : memref<1x128xi32, #tpu.memory_space<vmem>> -> memref<128xi32, #tpu.memory_space<vmem>>
        %dma_wait3A_188 = arith.constant 0 : i32
        %dma_wait3A_189 = tpu.memref_slice %arg7[%dma_wait3A_188] : memref<10240xf32, #tpu.memory_space<vmem_shared>> -> memref<10240xf32, #tpu.memory_space<vmem_shared>>
        tpu.wait_indirect_dma semaphore(%arg9 : memref<!tpu.dma_semaphore, #tpu.memory_space<semaphore_mem>>) src(%arg5 : memref<128xf32, #tpu.memory_space<vmem>>) dst(%dma_wait3A_189 : memref<10240xf32, #tpu.memory_space<vmem_shared>>)
      } else {
      }
      %dma_start3A_155 = arith.constant 0 : i32
      %dma_start3A_156 = tpu.memref_slice %arg4[%add3A_149, %dma_start3A_155] : memref<80x128xi32, #tpu.memory_space<vmem>> -> memref<1x128xi32, #tpu.memory_space<vmem>>
      %dma_start3A_157 = tpu.memref_squeeze %dma_start3A_156 : memref<1x128xi32, #tpu.memory_space<vmem>> -> memref<128xi32, #tpu.memory_space<vmem>>
      %dma_start3A_158 = arith.constant 0 : i32
      %dma_start3A_159 = tpu.memref_slice %arg7[%dma_start3A_158] : memref<10240xf32, #tpu.memory_space<vmem_shared>> -> memref<10240xf32, #tpu.memory_space<vmem_shared>>
      tpu.enqueue_indirect_dma source(%arg5 : memref<128xf32, #tpu.memory_space<vmem>>) target(%dma_start3A_159 : memref<10240xf32, #tpu.memory_space<vmem_shared>>) offsets(%dma_start3A_157 : memref<128xi32, #tpu.memory_space<vmem>>) semaphore(%arg9 : memref<!tpu.dma_semaphore, #tpu.memory_space<semaphore_mem>>) {add = true}
      %add3A_160 = arith.constant 2 : i32
      %add3A_161 = arith.addi %add3A_139, %add3A_160 : i32
      %ge3A_162 = arith.constant 4 : i32
      %ge3A_163 = arith.cmpi sge, %add3A_161, %ge3A_162 : i32
      %convert_element_type3A_164 = arith.extui %ge3A_163 : i1 to i32
      %cond3A_165 = arith.constant 0 : i32
      %cond3A_166 = arith.cmpi ne, %convert_element_type3A_164, %cond3A_165 : i32
      scf.if %cond3A_166 {
        %sub3A = arith.constant 4 : i32
        %sub3A_184 = arith.subi %add3A_161, %sub3A : i32
        %dma_wait3A_185 = arith.constant 0 : i32
        %dma_wait3A_186 = tpu.memref_slice %arg4[%sub3A_184, %dma_wait3A_185] : memref<80x128xi32, #tpu.memory_space<vmem>> -> memref<1x128xi32, #tpu.memory_space<vmem>>
        %dma_wait3A_187 = tpu.memref_squeeze %dma_wait3A_186 : memref<1x128xi32, #tpu.memory_space<vmem>> -> memref<128xi32, #tpu.memory_space<vmem>>
        %dma_wait3A_188 = arith.constant 0 : i32
        %dma_wait3A_189 = tpu.memref_slice %arg7[%dma_wait3A_188] : memref<10240xf32, #tpu.memory_space<vmem_shared>> -> memref<10240xf32, #tpu.memory_space<vmem_shared>>
        tpu.wait_indirect_dma semaphore(%arg10 : memref<!tpu.dma_semaphore, #tpu.memory_space<semaphore_mem>>) src(%arg5 : memref<128xf32, #tpu.memory_space<vmem>>) dst(%dma_wait3A_189 : memref<10240xf32, #tpu.memory_space<vmem_shared>>)
      } else {
      }
      %dma_start3A_167 = arith.constant 0 : i32
      %dma_start3A_168 = tpu.memref_slice %arg4[%add3A_161, %dma_start3A_167] : memref<80x128xi32, #tpu.memory_space<vmem>> -> memref<1x128xi32, #tpu.memory_space<vmem>>
      %dma_start3A_169 = tpu.memref_squeeze %dma_start3A_168 : memref<1x128xi32, #tpu.memory_space<vmem>> -> memref<128xi32, #tpu.memory_space<vmem>>
      %dma_start3A_170 = arith.constant 0 : i32
      %dma_start3A_171 = tpu.memref_slice %arg7[%dma_start3A_170] : memref<10240xf32, #tpu.memory_space<vmem_shared>> -> memref<10240xf32, #tpu.memory_space<vmem_shared>>
      tpu.enqueue_indirect_dma source(%arg5 : memref<128xf32, #tpu.memory_space<vmem>>) target(%dma_start3A_171 : memref<10240xf32, #tpu.memory_space<vmem_shared>>) offsets(%dma_start3A_169 : memref<128xi32, #tpu.memory_space<vmem>>) semaphore(%arg10 : memref<!tpu.dma_semaphore, #tpu.memory_space<semaphore_mem>>) {add = true}
      %add3A_172 = arith.constant 3 : i32
      %add3A_173 = arith.addi %add3A_139, %add3A_172 : i32
      %ge3A_174 = arith.constant 4 : i32
      %ge3A_175 = arith.cmpi sge, %add3A_173, %ge3A_174 : i32
      %convert_element_type3A_176 = arith.extui %ge3A_175 : i1 to i32
      %cond3A_177 = arith.constant 0 : i32
      %cond3A_178 = arith.cmpi ne, %convert_element_type3A_176, %cond3A_177 : i32
      scf.if %cond3A_178 {
        %sub3A = arith.constant 4 : i32
        %sub3A_184 = arith.subi %add3A_173, %sub3A : i32
        %dma_wait3A_185 = arith.constant 0 : i32
        %dma_wait3A_186 = tpu.memref_slice %arg4[%sub3A_184, %dma_wait3A_185] : memref<80x128xi32, #tpu.memory_space<vmem>> -> memref<1x128xi32, #tpu.memory_space<vmem>>
        %dma_wait3A_187 = tpu.memref_squeeze %dma_wait3A_186 : memref<1x128xi32, #tpu.memory_space<vmem>> -> memref<128xi32, #tpu.memory_space<vmem>>
        %dma_wait3A_188 = arith.constant 0 : i32
        %dma_wait3A_189 = tpu.memref_slice %arg7[%dma_wait3A_188] : memref<10240xf32, #tpu.memory_space<vmem_shared>> -> memref<10240xf32, #tpu.memory_space<vmem_shared>>
        tpu.wait_indirect_dma semaphore(%arg11 : memref<!tpu.dma_semaphore, #tpu.memory_space<semaphore_mem>>) src(%arg5 : memref<128xf32, #tpu.memory_space<vmem>>) dst(%dma_wait3A_189 : memref<10240xf32, #tpu.memory_space<vmem_shared>>)
      } else {
      }
      %dma_start3A_179 = arith.constant 0 : i32
      %dma_start3A_180 = tpu.memref_slice %arg4[%add3A_173, %dma_start3A_179] : memref<80x128xi32, #tpu.memory_space<vmem>> -> memref<1x128xi32, #tpu.memory_space<vmem>>
      %dma_start3A_181 = tpu.memref_squeeze %dma_start3A_180 : memref<1x128xi32, #tpu.memory_space<vmem>> -> memref<128xi32, #tpu.memory_space<vmem>>
      %dma_start3A_182 = arith.constant 0 : i32
      %dma_start3A_183 = tpu.memref_slice %arg7[%dma_start3A_182] : memref<10240xf32, #tpu.memory_space<vmem_shared>> -> memref<10240xf32, #tpu.memory_space<vmem_shared>>
      tpu.enqueue_indirect_dma source(%arg5 : memref<128xf32, #tpu.memory_space<vmem>>) target(%dma_start3A_183 : memref<10240xf32, #tpu.memory_space<vmem_shared>>) offsets(%dma_start3A_181 : memref<128xi32, #tpu.memory_space<vmem>>) semaphore(%arg11 : memref<!tpu.dma_semaphore, #tpu.memory_space<semaphore_mem>>) {add = true}
    }
    %scan3A_105 = arith.constant 20 : i32
    %dma_wait3A = arith.constant 76 : i32
    %dma_wait3A_106 = arith.constant 0 : i32
    %dma_wait3A_107 = tpu.memref_slice %arg4[%dma_wait3A, %dma_wait3A_106] : memref<80x128xi32, #tpu.memory_space<vmem>> -> memref<1x128xi32, #tpu.memory_space<vmem>>
    %dma_wait3A_108 = tpu.memref_squeeze %dma_wait3A_107 : memref<1x128xi32, #tpu.memory_space<vmem>> -> memref<128xi32, #tpu.memory_space<vmem>>
    %dma_wait3A_109 = arith.constant 0 : i32
    %dma_wait3A_110 = tpu.memref_slice %arg7[%dma_wait3A_109] : memref<10240xf32, #tpu.memory_space<vmem_shared>> -> memref<10240xf32, #tpu.memory_space<vmem_shared>>
    tpu.wait_indirect_dma semaphore(%arg8 : memref<!tpu.dma_semaphore, #tpu.memory_space<semaphore_mem>>) src(%arg5 : memref<128xf32, #tpu.memory_space<vmem>>) dst(%dma_wait3A_110 : memref<10240xf32, #tpu.memory_space<vmem_shared>>)
    %dma_wait3A_111 = arith.constant 77 : i32
    %dma_wait3A_112 = arith.constant 0 : i32
    %dma_wait3A_113 = tpu.memref_slice %arg4[%dma_wait3A_111, %dma_wait3A_112] : memref<80x128xi32, #tpu.memory_space<vmem>> -> memref<1x128xi32, #tpu.memory_space<vmem>>
    %dma_wait3A_114 = tpu.memref_squeeze %dma_wait3A_113 : memref<1x128xi32, #tpu.memory_space<vmem>> -> memref<128xi32, #tpu.memory_space<vmem>>
    %dma_wait3A_115 = arith.constant 0 : i32
    %dma_wait3A_116 = tpu.memref_slice %arg7[%dma_wait3A_115] : memref<10240xf32, #tpu.memory_space<vmem_shared>> -> memref<10240xf32, #tpu.memory_space<vmem_shared>>
    tpu.wait_indirect_dma semaphore(%arg9 : memref<!tpu.dma_semaphore, #tpu.memory_space<semaphore_mem>>) src(%arg5 : memref<128xf32, #tpu.memory_space<vmem>>) dst(%dma_wait3A_116 : memref<10240xf32, #tpu.memory_space<vmem_shared>>)
    %dma_wait3A_117 = arith.constant 78 : i32
    %dma_wait3A_118 = arith.constant 0 : i32
    %dma_wait3A_119 = tpu.memref_slice %arg4[%dma_wait3A_117, %dma_wait3A_118] : memref<80x128xi32, #tpu.memory_space<vmem>> -> memref<1x128xi32, #tpu.memory_space<vmem>>
    %dma_wait3A_120 = tpu.memref_squeeze %dma_wait3A_119 : memref<1x128xi32, #tpu.memory_space<vmem>> -> memref<128xi32, #tpu.memory_space<vmem>>
    %dma_wait3A_121 = arith.constant 0 : i32
    %dma_wait3A_122 = tpu.memref_slice %arg7[%dma_wait3A_121] : memref<10240xf32, #tpu.memory_space<vmem_shared>> -> memref<10240xf32, #tpu.memory_space<vmem_shared>>
    tpu.wait_indirect_dma semaphore(%arg10 : memref<!tpu.dma_semaphore, #tpu.memory_space<semaphore_mem>>) src(%arg5 : memref<128xf32, #tpu.memory_space<vmem>>) dst(%dma_wait3A_122 : memref<10240xf32, #tpu.memory_space<vmem_shared>>)
    %dma_wait3A_123 = arith.constant 79 : i32
    %dma_wait3A_124 = arith.constant 0 : i32
    %dma_wait3A_125 = tpu.memref_slice %arg4[%dma_wait3A_123, %dma_wait3A_124] : memref<80x128xi32, #tpu.memory_space<vmem>> -> memref<1x128xi32, #tpu.memory_space<vmem>>
    %dma_wait3A_126 = tpu.memref_squeeze %dma_wait3A_125 : memref<1x128xi32, #tpu.memory_space<vmem>> -> memref<128xi32, #tpu.memory_space<vmem>>
    %dma_wait3A_127 = arith.constant 0 : i32
    %dma_wait3A_128 = tpu.memref_slice %arg7[%dma_wait3A_127] : memref<10240xf32, #tpu.memory_space<vmem_shared>> -> memref<10240xf32, #tpu.memory_space<vmem_shared>>
    tpu.wait_indirect_dma semaphore(%arg11 : memref<!tpu.dma_semaphore, #tpu.memory_space<semaphore_mem>>) src(%arg5 : memref<128xf32, #tpu.memory_space<vmem>>) dst(%dma_wait3A_128 : memref<10240xf32, #tpu.memory_space<vmem_shared>>)
    %barrier3A_129 = arith.constant 0 : index
    tpu.barrier barrier_id(%barrier3A_129)
    %scan3A_130 = arith.constant 0 : i32
    %scan3A_131 = arith.constant 5 : i32
    %scan3A_132 = arith.addi %scan3A_130, %scan3A_131 : i32
    %scan3A_133 = arith.constant 1 : i32
    scf.for %scan3A_135 = %scan3A_130 to %scan3A_132 step %scan3A_133  : i32 {
      %mul3A_136 = arith.constant 1 : i32
      %mul3A_137 = arith.muli %scan3A_135, %mul3A_136 : i32
      %add3A_138 = arith.constant 0 : i32
      %add3A_139 = arith.addi %add3A_138, %mul3A_137 : i32
      %mul3A_140 = arith.constant 640 : i32
      %mul3A_141 = arith.muli %arg1, %mul3A_140 : i32
      %mul3A_142 = arith.constant 128 : i32
      %mul3A_143 = arith.muli %add3A_139, %mul3A_142 : i32
      %add3A_144 = arith.addi %mul3A_141, %mul3A_143 : i32
      "tpu.region"() ({
        %run_scoped3A = tpu.sem_alloc : memref<!tpu.dma_semaphore, #tpu.memory_space<semaphore_mem>>
        %dma_start3A = tpu.memref_slice %arg7[%add3A_144] : memref<10240xf32, #tpu.memory_space<vmem_shared>> -> memref<128xf32, #tpu.memory_space<vmem_shared>>
        %dma_start3A_145 = tpu.memref_slice %arg7[%add3A_144] : memref<10240xf32, #tpu.memory_space<vmem_shared>> -> memref<128xf32, #tpu.memory_space<vmem_shared>>
        tpu.enqueue_dma source(%dma_start3A_145 : memref<128xf32, #tpu.memory_space<vmem_shared>>) target(%arg6 : memref<128xf32, #tpu.memory_space<vmem>>) target_semaphore(%run_scoped3A : memref<!tpu.dma_semaphore, #tpu.memory_space<semaphore_mem>>)
        %dma_wait3A_146 = tpu.memref_slice %arg7[%add3A_144] : memref<10240xf32, #tpu.memory_space<vmem_shared>> -> memref<128xf32, #tpu.memory_space<vmem_shared>>
        %dma_wait3A_147 = tpu.memref_slice %arg7[%add3A_144] : memref<10240xf32, #tpu.memory_space<vmem_shared>> -> memref<128xf32, #tpu.memory_space<vmem_shared>>
        tpu.wait_dma2 semaphore(%run_scoped3A : memref<!tpu.dma_semaphore, #tpu.memory_space<semaphore_mem>>) src(%dma_wait3A_147 : memref<128xf32, #tpu.memory_space<vmem_shared>>) dst(%arg6 : memref<128xf32, #tpu.memory_space<vmem>>)
        tpu.yield
      }) : () -> ()
      "tpu.region"() ({
        %run_scoped3A = tpu.sem_alloc : memref<!tpu.dma_semaphore, #tpu.memory_space<semaphore_mem>>
        %dma_start3A = tpu.memref_slice %arg3[%arg0, %add3A_144] : memref<2x10240xf32, #tpu.memory_space<hbm>> -> memref<1x128xf32, #tpu.memory_space<hbm>>
        %dma_start3A_145 = tpu.memref_squeeze %dma_start3A : memref<1x128xf32, #tpu.memory_space<hbm>> -> memref<128xf32, #tpu.memory_space<hbm>>
        %dma_start3A_146 = tpu.memref_slice %arg3[%arg0, %add3A_144] : memref<2x10240xf32, #tpu.memory_space<hbm>> -> memref<1x128xf32, #tpu.memory_space<hbm>>
        %dma_start3A_147 = tpu.memref_squeeze %dma_start3A_146 : memref<1x128xf32, #tpu.memory_space<hbm>> -> memref<128xf32, #tpu.memory_space<hbm>>
        tpu.enqueue_dma source(%arg6 : memref<128xf32, #tpu.memory_space<vmem>>) target(%dma_start3A_147 : memref<128xf32, #tpu.memory_space<hbm>>) target_semaphore(%run_scoped3A : memref<!tpu.dma_semaphore, #tpu.memory_space<semaphore_mem>>)
        %dma_wait3A_148 = tpu.memref_slice %arg3[%arg0, %add3A_144] : memref<2x10240xf32, #tpu.memory_space<hbm>> -> memref<1x128xf32, #tpu.memory_space<hbm>>
        %dma_wait3A_149 = tpu.memref_squeeze %dma_wait3A_148 : memref<1x128xf32, #tpu.memory_space<hbm>> -> memref<128xf32, #tpu.memory_space<hbm>>
        %dma_wait3A_150 = tpu.memref_slice %arg3[%arg0, %add3A_144] : memref<2x10240xf32, #tpu.memory_space<hbm>> -> memref<1x128xf32, #tpu.memory_space<hbm>>
        %dma_wait3A_151 = tpu.memref_squeeze %dma_wait3A_150 : memref<1x128xf32, #tpu.memory_space<hbm>> -> memref<128xf32, #tpu.memory_space<hbm>>
        tpu.wait_dma2 semaphore(%run_scoped3A : memref<!tpu.dma_semaphore, #tpu.memory_space<semaphore_mem>>) src(%arg6 : memref<128xf32, #tpu.memory_space<vmem>>) dst(%dma_wait3A_151 : memref<128xf32, #tpu.memory_space<hbm>>)
        tpu.yield
      }) : () -> ()
    }
    %scan3A_134 = arith.constant 5 : i32
    return
  }
}

#map = affine_map<(d0, d1) -> (0, 0, 0)>
#map1 = affine_map<(d0, d1) -> (0, 0)>
module attributes {stable_mosaic.version = 14 : i64} {
  func.func @k(%arg0: i32, %arg1: i32, %arg2: memref<2x10240x32xbf16, #tpu.memory_space<hbm>>, %arg3: memref<2560x128xi32, #tpu.memory_space<hbm>>, %arg4: memref<2560x128xi32, #tpu.memory_space<hbm>>, %arg5: memref<2x10240x32xbf16, #tpu.memory_space<hbm>>, %arg6: memref<160x128xi32, #tpu.memory_space<vmem>>, %arg7: memref<160x128xi32, #tpu.memory_space<vmem>>, %arg8: memref<4x128x32xbf16, #tpu.memory_space<vmem>>, %arg9: memref<128x32xbf16, #tpu.memory_space<vmem>>, %arg10: memref<10240x32xbf16, #tpu.memory_space<vmem_shared>>, %arg11: memref<!tpu.dma_semaphore, #tpu.memory_space<semaphore_mem>>, %arg12: memref<!tpu.dma_semaphore, #tpu.memory_space<semaphore_mem>>, %arg13: memref<!tpu.dma_semaphore, #tpu.memory_space<semaphore_mem>>, %arg14: memref<!tpu.dma_semaphore, #tpu.memory_space<semaphore_mem>>) attributes {dimension_semantics = [#tpu.dimension_semantics<core_parallel>, #tpu.dimension_semantics<subcore_parallel>], iteration_bounds = array<i64: 2, 16>, scalar_prefetch = 0 : i64, scratch_operands = 9 : i64, tpu.core_type = #tpu.core_type<sc_vector_subcore>, window_params = [{transform_indices = #map}, {transform_indices = #map1}, {transform_indices = #map1}, {transform_indices = #map}]} {
    %scan3A = arith.constant 0 : i32
    %scan3A_0 = arith.constant 128 : i32
    %scan3A_1 = arith.addi %scan3A, %scan3A_0 : i32
    %scan3A_2 = arith.constant 1 : i32
    scf.for %scan3A_86 = %scan3A to %scan3A_1 step %scan3A_2  : i32 {
      %mul3A_87 = arith.constant 1 : i32
      %mul3A_88 = arith.muli %scan3A_86, %mul3A_87 : i32
      %add3A = arith.constant 0 : i32
      %add3A_89 = arith.addi %add3A, %mul3A_88 : i32
      %broadcast_in_dim3A = arith.constant 0.000000e+00 : bf16
      %broadcast_in_dim3A_90 = vector.broadcast %broadcast_in_dim3A : bf16 to vector<32xbf16>
      %swap3A = arith.index_cast %add3A_89 : i32 to index
      %swap3A_91 = arith.constant 0 : index
      %swap3A_92 = tpu.vector_load %arg9[%swap3A, %swap3A_91] {strides = array<i32>} : memref<128x32xbf16, #tpu.memory_space<vmem>>, vector<1x32xbf16>,
      %swap3A_93 = vector.shape_cast %swap3A_92 : vector<1x32xbf16> to vector<32xbf16>
      %swap3A_94 = vector.shape_cast %broadcast_in_dim3A_90 : vector<32xbf16> to vector<1x32xbf16>
      tpu.vector_store %arg9[%swap3A, %swap3A_91], %swap3A_94 {strides = array<i32>} : memref<128x32xbf16, #tpu.memory_space<vmem>>, vector<1x32xbf16>,
    }
    %scan3A_3 = arith.constant 128 : i32
    %scan3A_4 = arith.constant 0 : i32
    %scan3A_5 = arith.constant 5 : i32
    %scan3A_6 = arith.addi %scan3A_4, %scan3A_5 : i32
    %scan3A_7 = arith.constant 1 : i32
    scf.for %scan3A_86 = %scan3A_4 to %scan3A_6 step %scan3A_7  : i32 {
      %mul3A_87 = arith.constant 1 : i32
      %mul3A_88 = arith.muli %scan3A_86, %mul3A_87 : i32
      %add3A = arith.constant 0 : i32
      %add3A_89 = arith.addi %add3A, %mul3A_88 : i32
      %mul3A_90 = arith.constant 640 : i32
      %mul3A_91 = arith.muli %arg1, %mul3A_90 : i32
      %mul3A_92 = arith.constant 128 : i32
      %mul3A_93 = arith.muli %add3A_89, %mul3A_92 : i32
      %add3A_94 = arith.addi %mul3A_91, %mul3A_93 : i32
      "tpu.region"() ({
        %run_scoped3A = tpu.sem_alloc : memref<!tpu.dma_semaphore, #tpu.memory_space<semaphore_mem>>
        %dma_start3A_95 = arith.constant 0 : i32
        %dma_start3A_96 = tpu.memref_slice %arg10[%add3A_94, %dma_start3A_95] : memref<10240x32xbf16, #tpu.memory_space<vmem_shared>> -> memref<128x32xbf16, #tpu.memory_space<vmem_shared>>
        %dma_start3A_97 = arith.constant 0 : i32
        %dma_start3A_98 = tpu.memref_slice %arg10[%add3A_94, %dma_start3A_97] : memref<10240x32xbf16, #tpu.memory_space<vmem_shared>> -> memref<128x32xbf16, #tpu.memory_space<vmem_shared>>
        tpu.enqueue_dma source(%arg9 : memref<128x32xbf16, #tpu.memory_space<vmem>>) target(%dma_start3A_98 : memref<128x32xbf16, #tpu.memory_space<vmem_shared>>) target_semaphore(%run_scoped3A : memref<!tpu.dma_semaphore, #tpu.memory_space<semaphore_mem>>)
        %dma_wait3A = arith.constant 0 : i32
        %dma_wait3A_99 = tpu.memref_slice %arg10[%add3A_94, %dma_wait3A] : memref<10240x32xbf16, #tpu.memory_space<vmem_shared>> -> memref<128x32xbf16, #tpu.memory_space<vmem_shared>>
        %dma_wait3A_100 = arith.constant 0 : i32
        %dma_wait3A_101 = tpu.memref_slice %arg10[%add3A_94, %dma_wait3A_100] : memref<10240x32xbf16, #tpu.memory_space<vmem_shared>> -> memref<128x32xbf16, #tpu.memory_space<vmem_shared>>
        tpu.wait_dma2 semaphore(%run_scoped3A : memref<!tpu.dma_semaphore, #tpu.memory_space<semaphore_mem>>) src(%arg9 : memref<128x32xbf16, #tpu.memory_space<vmem>>) dst(%dma_wait3A_101 : memref<128x32xbf16, #tpu.memory_space<vmem_shared>>)
        tpu.yield
      }) : () -> ()
    }
    %scan3A_8 = arith.constant 5 : i32
    %barrier3A = arith.constant 0 : index
    tpu.barrier barrier_id(%barrier3A)
    %mul3A = arith.constant 160 : i32
    %mul3A_9 = arith.muli %arg1, %mul3A : i32
    "tpu.region"() ({
      %run_scoped3A = tpu.sem_alloc : memref<!tpu.dma_semaphore, #tpu.memory_space<semaphore_mem>>
      %dma_start3A_86 = arith.constant 0 : i32
      %dma_start3A_87 = tpu.memref_slice %arg3[%mul3A_9, %dma_start3A_86] : memref<2560x128xi32, #tpu.memory_space<hbm>> -> memref<160x128xi32, #tpu.memory_space<hbm>>
      %dma_start3A_88 = arith.constant 0 : i32
      %dma_start3A_89 = tpu.memref_slice %arg3[%mul3A_9, %dma_start3A_88] : memref<2560x128xi32, #tpu.memory_space<hbm>> -> memref<160x128xi32, #tpu.memory_space<hbm>>
      tpu.enqueue_dma source(%dma_start3A_89 : memref<160x128xi32, #tpu.memory_space<hbm>>) target(%arg6 : memref<160x128xi32, #tpu.memory_space<vmem>>) target_semaphore(%run_scoped3A : memref<!tpu.dma_semaphore, #tpu.memory_space<semaphore_mem>>)
      %dma_wait3A = arith.constant 0 : i32
      %dma_wait3A_90 = tpu.memref_slice %arg3[%mul3A_9, %dma_wait3A] : memref<2560x128xi32, #tpu.memory_space<hbm>> -> memref<160x128xi32, #tpu.memory_space<hbm>>
      %dma_wait3A_91 = arith.constant 0 : i32
      %dma_wait3A_92 = tpu.memref_slice %arg3[%mul3A_9, %dma_wait3A_91] : memref<2560x128xi32, #tpu.memory_space<hbm>> -> memref<160x128xi32, #tpu.memory_space<hbm>>
      tpu.wait_dma2 semaphore(%run_scoped3A : memref<!tpu.dma_semaphore, #tpu.memory_space<semaphore_mem>>) src(%dma_wait3A_92 : memref<160x128xi32, #tpu.memory_space<hbm>>) dst(%arg6 : memref<160x128xi32, #tpu.memory_space<vmem>>)
      tpu.yield
    }) : () -> ()
    %mul3A_10 = arith.constant 160 : i32
    %mul3A_11 = arith.muli %arg1, %mul3A_10 : i32
    "tpu.region"() ({
      %run_scoped3A = tpu.sem_alloc : memref<!tpu.dma_semaphore, #tpu.memory_space<semaphore_mem>>
      %dma_start3A_86 = arith.constant 0 : i32
      %dma_start3A_87 = tpu.memref_slice %arg4[%mul3A_11, %dma_start3A_86] : memref<2560x128xi32, #tpu.memory_space<hbm>> -> memref<160x128xi32, #tpu.memory_space<hbm>>
      %dma_start3A_88 = arith.constant 0 : i32
      %dma_start3A_89 = tpu.memref_slice %arg4[%mul3A_11, %dma_start3A_88] : memref<2560x128xi32, #tpu.memory_space<hbm>> -> memref<160x128xi32, #tpu.memory_space<hbm>>
      tpu.enqueue_dma source(%dma_start3A_89 : memref<160x128xi32, #tpu.memory_space<hbm>>) target(%arg7 : memref<160x128xi32, #tpu.memory_space<vmem>>) target_semaphore(%run_scoped3A : memref<!tpu.dma_semaphore, #tpu.memory_space<semaphore_mem>>)
      %dma_wait3A = arith.constant 0 : i32
      %dma_wait3A_90 = tpu.memref_slice %arg4[%mul3A_11, %dma_wait3A] : memref<2560x128xi32, #tpu.memory_space<hbm>> -> memref<160x128xi32, #tpu.memory_space<hbm>>
      %dma_wait3A_91 = arith.constant 0 : i32
      %dma_wait3A_92 = tpu.memref_slice %arg4[%mul3A_11, %dma_wait3A_91] : memref<2560x128xi32, #tpu.memory_space<hbm>> -> memref<160x128xi32, #tpu.memory_space<hbm>>
      tpu.wait_dma2 semaphore(%run_scoped3A : memref<!tpu.dma_semaphore, #tpu.memory_space<semaphore_mem>>) src(%dma_wait3A_92 : memref<160x128xi32, #tpu.memory_space<hbm>>) dst(%arg7 : memref<160x128xi32, #tpu.memory_space<vmem>>)
      tpu.yield
    }) : () -> ()
    %dma_start3A = arith.constant 0 : i32
    %dma_start3A_12 = arith.constant 0 : i32
    %dma_start3A_13 = arith.constant 0 : i32
    %dma_start3A_14 = arith.constant 0 : i32
    %dma_start3A_15 = tpu.memref_slice %arg8[%dma_start3A_12, %dma_start3A_13, %dma_start3A_14] : memref<4x128x32xbf16, #tpu.memory_space<vmem>> -> memref<1x128x32xbf16, #tpu.memory_space<vmem>>
    %dma_start3A_16 = tpu.memref_squeeze %dma_start3A_15 : memref<1x128x32xbf16, #tpu.memory_space<vmem>> -> memref<128x32xbf16, #tpu.memory_space<vmem>>
    %dma_start3A_17 = arith.constant 0 : i32
    %dma_start3A_18 = tpu.memref_slice %arg6[%dma_start3A, %dma_start3A_17] : memref<160x128xi32, #tpu.memory_space<vmem>> -> memref<1x128xi32, #tpu.memory_space<vmem>>
    %dma_start3A_19 = tpu.memref_squeeze %dma_start3A_18 : memref<1x128xi32, #tpu.memory_space<vmem>> -> memref<128xi32, #tpu.memory_space<vmem>>
    %dma_start3A_20 = arith.constant 0 : i32
    %dma_start3A_21 = arith.constant 0 : i32
    %dma_start3A_22 = tpu.memref_slice %arg2[%arg0, %dma_start3A_20, %dma_start3A_21] : memref<2x10240x32xbf16, #tpu.memory_space<hbm>> -> memref<1x10240x32xbf16, #tpu.memory_space<hbm>>
    %dma_start3A_23 = tpu.memref_squeeze %dma_start3A_22 : memref<1x10240x32xbf16, #tpu.memory_space<hbm>> -> memref<10240x32xbf16, #tpu.memory_space<hbm>>
    %dma_start3A_24 = arith.constant 0 : i32
    %dma_start3A_25 = arith.constant 0 : i32
    %dma_start3A_26 = tpu.memref_slice %dma_start3A_23[%dma_start3A_24, %dma_start3A_25] : memref<10240x32xbf16, #tpu.memory_space<hbm>> -> memref<10240x32xbf16, #tpu.memory_space<hbm>>
    tpu.enqueue_indirect_dma source(%dma_start3A_26 : memref<10240x32xbf16, #tpu.memory_space<hbm>>) target(%dma_start3A_16 : memref<128x32xbf16, #tpu.memory_space<vmem>>) offsets(%dma_start3A_19 : memref<128xi32, #tpu.memory_space<vmem>>) semaphore(%arg11 : memref<!tpu.dma_semaphore, #tpu.memory_space<semaphore_mem>>)
    %dma_start3A_27 = arith.constant 1 : i32
    %dma_start3A_28 = arith.constant 1 : i32
    %dma_start3A_29 = arith.constant 0 : i32
    %dma_start3A_30 = arith.constant 0 : i32
    %dma_start3A_31 = tpu.memref_slice %arg8[%dma_start3A_28, %dma_start3A_29, %dma_start3A_30] : memref<4x128x32xbf16, #tpu.memory_space<vmem>> -> memref<1x128x32xbf16, #tpu.memory_space<vmem>>
    %dma_start3A_32 = tpu.memref_squeeze %dma_start3A_31 : memref<1x128x32xbf16, #tpu.memory_space<vmem>> -> memref<128x32xbf16, #tpu.memory_space<vmem>>
    %dma_start3A_33 = arith.constant 0 : i32
    %dma_start3A_34 = tpu.memref_slice %arg6[%dma_start3A_27, %dma_start3A_33] : memref<160x128xi32, #tpu.memory_space<vmem>> -> memref<1x128xi32, #tpu.memory_space<vmem>>
    %dma_start3A_35 = tpu.memref_squeeze %dma_start3A_34 : memref<1x128xi32, #tpu.memory_space<vmem>> -> memref<128xi32, #tpu.memory_space<vmem>>
    %dma_start3A_36 = arith.constant 0 : i32
    %dma_start3A_37 = arith.constant 0 : i32
    %dma_start3A_38 = tpu.memref_slice %arg2[%arg0, %dma_start3A_36, %dma_start3A_37] : memref<2x10240x32xbf16, #tpu.memory_space<hbm>> -> memref<1x10240x32xbf16, #tpu.memory_space<hbm>>
    %dma_start3A_39 = tpu.memref_squeeze %dma_start3A_38 : memref<1x10240x32xbf16, #tpu.memory_space<hbm>> -> memref<10240x32xbf16, #tpu.memory_space<hbm>>
    %dma_start3A_40 = arith.constant 0 : i32
    %dma_start3A_41 = arith.constant 0 : i32
    %dma_start3A_42 = tpu.memref_slice %dma_start3A_39[%dma_start3A_40, %dma_start3A_41] : memref<10240x32xbf16, #tpu.memory_space<hbm>> -> memref<10240x32xbf16, #tpu.memory_space<hbm>>
    tpu.enqueue_indirect_dma source(%dma_start3A_42 : memref<10240x32xbf16, #tpu.memory_space<hbm>>) target(%dma_start3A_32 : memref<128x32xbf16, #tpu.memory_space<vmem>>) offsets(%dma_start3A_35 : memref<128xi32, #tpu.memory_space<vmem>>) semaphore(%arg12 : memref<!tpu.dma_semaphore, #tpu.memory_space<semaphore_mem>>)
    %dma_start3A_43 = arith.constant 2 : i32
    %dma_start3A_44 = arith.constant 2 : i32
    %dma_start3A_45 = arith.constant 0 : i32
    %dma_start3A_46 = arith.constant 0 : i32
    %dma_start3A_47 = tpu.memref_slice %arg8[%dma_start3A_44, %dma_start3A_45, %dma_start3A_46] : memref<4x128x32xbf16, #tpu.memory_space<vmem>> -> memref<1x128x32xbf16, #tpu.memory_space<vmem>>
    %dma_start3A_48 = tpu.memref_squeeze %dma_start3A_47 : memref<1x128x32xbf16, #tpu.memory_space<vmem>> -> memref<128x32xbf16, #tpu.memory_space<vmem>>
    %dma_start3A_49 = arith.constant 0 : i32
    %dma_start3A_50 = tpu.memref_slice %arg6[%dma_start3A_43, %dma_start3A_49] : memref<160x128xi32, #tpu.memory_space<vmem>> -> memref<1x128xi32, #tpu.memory_space<vmem>>
    %dma_start3A_51 = tpu.memref_squeeze %dma_start3A_50 : memref<1x128xi32, #tpu.memory_space<vmem>> -> memref<128xi32, #tpu.memory_space<vmem>>
    %dma_start3A_52 = arith.constant 0 : i32
    %dma_start3A_53 = arith.constant 0 : i32
    %dma_start3A_54 = tpu.memref_slice %arg2[%arg0, %dma_start3A_52, %dma_start3A_53] : memref<2x10240x32xbf16, #tpu.memory_space<hbm>> -> memref<1x10240x32xbf16, #tpu.memory_space<hbm>>
    %dma_start3A_55 = tpu.memref_squeeze %dma_start3A_54 : memref<1x10240x32xbf16, #tpu.memory_space<hbm>> -> memref<10240x32xbf16, #tpu.memory_space<hbm>>
    %dma_start3A_56 = arith.constant 0 : i32
    %dma_start3A_57 = arith.constant 0 : i32
    %dma_start3A_58 = tpu.memref_slice %dma_start3A_55[%dma_start3A_56, %dma_start3A_57] : memref<10240x32xbf16, #tpu.memory_space<hbm>> -> memref<10240x32xbf16, #tpu.memory_space<hbm>>
    tpu.enqueue_indirect_dma source(%dma_start3A_58 : memref<10240x32xbf16, #tpu.memory_space<hbm>>) target(%dma_start3A_48 : memref<128x32xbf16, #tpu.memory_space<vmem>>) offsets(%dma_start3A_51 : memref<128xi32, #tpu.memory_space<vmem>>) semaphore(%arg13 : memref<!tpu.dma_semaphore, #tpu.memory_space<semaphore_mem>>)
    %dma_start3A_59 = arith.constant 3 : i32
    %dma_start3A_60 = arith.constant 3 : i32
    %dma_start3A_61 = arith.constant 0 : i32
    %dma_start3A_62 = arith.constant 0 : i32
    %dma_start3A_63 = tpu.memref_slice %arg8[%dma_start3A_60, %dma_start3A_61, %dma_start3A_62] : memref<4x128x32xbf16, #tpu.memory_space<vmem>> -> memref<1x128x32xbf16, #tpu.memory_space<vmem>>
    %dma_start3A_64 = tpu.memref_squeeze %dma_start3A_63 : memref<1x128x32xbf16, #tpu.memory_space<vmem>> -> memref<128x32xbf16, #tpu.memory_space<vmem>>
    %dma_start3A_65 = arith.constant 0 : i32
    %dma_start3A_66 = tpu.memref_slice %arg6[%dma_start3A_59, %dma_start3A_65] : memref<160x128xi32, #tpu.memory_space<vmem>> -> memref<1x128xi32, #tpu.memory_space<vmem>>
    %dma_start3A_67 = tpu.memref_squeeze %dma_start3A_66 : memref<1x128xi32, #tpu.memory_space<vmem>> -> memref<128xi32, #tpu.memory_space<vmem>>
    %dma_start3A_68 = arith.constant 0 : i32
    %dma_start3A_69 = arith.constant 0 : i32
    %dma_start3A_70 = tpu.memref_slice %arg2[%arg0, %dma_start3A_68, %dma_start3A_69] : memref<2x10240x32xbf16, #tpu.memory_space<hbm>> -> memref<1x10240x32xbf16, #tpu.memory_space<hbm>>
    %dma_start3A_71 = tpu.memref_squeeze %dma_start3A_70 : memref<1x10240x32xbf16, #tpu.memory_space<hbm>> -> memref<10240x32xbf16, #tpu.memory_space<hbm>>
    %dma_start3A_72 = arith.constant 0 : i32
    %dma_start3A_73 = arith.constant 0 : i32
    %dma_start3A_74 = tpu.memref_slice %dma_start3A_71[%dma_start3A_72, %dma_start3A_73] : memref<10240x32xbf16, #tpu.memory_space<hbm>> -> memref<10240x32xbf16, #tpu.memory_space<hbm>>
    tpu.enqueue_indirect_dma source(%dma_start3A_74 : memref<10240x32xbf16, #tpu.memory_space<hbm>>) target(%dma_start3A_64 : memref<128x32xbf16, #tpu.memory_space<vmem>>) offsets(%dma_start3A_67 : memref<128xi32, #tpu.memory_space<vmem>>) semaphore(%arg14 : memref<!tpu.dma_semaphore, #tpu.memory_space<semaphore_mem>>)
    %scan3A_75 = arith.constant 0 : i32
    %scan3A_76 = arith.constant 40 : i32
    %scan3A_77 = arith.addi %scan3A_75, %scan3A_76 : i32
    %scan3A_78 = arith.constant 1 : i32
    scf.for %scan3A_86 = %scan3A_75 to %scan3A_77 step %scan3A_78  : i32 {
      %mul3A_87 = arith.constant 4 : i32
      %mul3A_88 = arith.muli %scan3A_86, %mul3A_87 : i32
      %add3A = arith.constant 0 : i32
      %add3A_89 = arith.addi %add3A, %mul3A_88 : i32
      %add3A_90 = arith.constant 0 : i32
      %add3A_91 = arith.addi %add3A_89, %add3A_90 : i32
      %dma_wait3A = arith.constant 0 : i32
      %dma_wait3A_92 = arith.constant 0 : i32
      %dma_wait3A_93 = arith.constant 0 : i32
      %dma_wait3A_94 = tpu.memref_slice %arg8[%dma_wait3A, %dma_wait3A_92, %dma_wait3A_93] : memref<4x128x32xbf16, #tpu.memory_space<vmem>> -> memref<1x128x32xbf16, #tpu.memory_space<vmem>>
      %dma_wait3A_95 = tpu.memref_squeeze %dma_wait3A_94 : memref<1x128x32xbf16, #tpu.memory_space<vmem>> -> memref<128x32xbf16, #tpu.memory_space<vmem>>
      %dma_wait3A_96 = arith.constant 0 : i32
      %dma_wait3A_97 = tpu.memref_slice %arg6[%add3A_91, %dma_wait3A_96] : memref<160x128xi32, #tpu.memory_space<vmem>> -> memref<1x128xi32, #tpu.memory_space<vmem>>
      %dma_wait3A_98 = tpu.memref_squeeze %dma_wait3A_97 : memref<1x128xi32, #tpu.memory_space<vmem>> -> memref<128xi32, #tpu.memory_space<vmem>>
      %dma_wait3A_99 = arith.constant 0 : i32
      %dma_wait3A_100 = arith.constant 0 : i32
      %dma_wait3A_101 = tpu.memref_slice %arg2[%arg0, %dma_wait3A_99, %dma_wait3A_100] : memref<2x10240x32xbf16, #tpu.memory_space<hbm>> -> memref<1x10240x32xbf16, #tpu.memory_space<hbm>>
      %dma_wait3A_102 = tpu.memref_squeeze %dma_wait3A_101 : memref<1x10240x32xbf16, #tpu.memory_space<hbm>> -> memref<10240x32xbf16, #tpu.memory_space<hbm>>
      %dma_wait3A_103 = arith.constant 0 : i32
      %dma_wait3A_104 = arith.constant 0 : i32
      %dma_wait3A_105 = tpu.memref_slice %dma_wait3A_102[%dma_wait3A_103, %dma_wait3A_104] : memref<10240x32xbf16, #tpu.memory_space<hbm>> -> memref<10240x32xbf16, #tpu.memory_space<hbm>>
      tpu.wait_indirect_dma semaphore(%arg11 : memref<!tpu.dma_semaphore, #tpu.memory_space<semaphore_mem>>) src(%dma_wait3A_105 : memref<10240x32xbf16, #tpu.memory_space<hbm>>) dst(%dma_wait3A_95 : memref<128x32xbf16, #tpu.memory_space<vmem>>)
      %run_scoped3A = arith.constant 0 : i32
      "tpu.region"() ({
        %run_scoped3A_185 = tpu.sem_alloc : memref<!tpu.dma_semaphore, #tpu.memory_space<semaphore_mem>>
        %dma_start3A_186 = arith.constant 0 : i32
        %dma_start3A_187 = arith.constant 0 : i32
        %dma_start3A_188 = tpu.memref_slice %arg8[%run_scoped3A, %dma_start3A_186, %dma_start3A_187] : memref<4x128x32xbf16, #tpu.memory_space<vmem>> -> memref<1x128x32xbf16, #tpu.memory_space<vmem>>
        %dma_start3A_189 = tpu.memref_squeeze %dma_start3A_188 : memref<1x128x32xbf16, #tpu.memory_space<vmem>> -> memref<128x32xbf16, #tpu.memory_space<vmem>>
        %dma_start3A_190 = arith.constant 0 : i32
        %dma_start3A_191 = tpu.memref_slice %arg7[%add3A_91, %dma_start3A_190] : memref<160x128xi32, #tpu.memory_space<vmem>> -> memref<1x128xi32, #tpu.memory_space<vmem>>
        %dma_start3A_192 = tpu.memref_squeeze %dma_start3A_191 : memref<1x128xi32, #tpu.memory_space<vmem>> -> memref<128xi32, #tpu.memory_space<vmem>>
        %dma_start3A_193 = arith.constant 0 : i32
        %dma_start3A_194 = arith.constant 0 : i32
        %dma_start3A_195 = tpu.memref_slice %arg10[%dma_start3A_193, %dma_start3A_194] : memref<10240x32xbf16, #tpu.memory_space<vmem_shared>> -> memref<10240x32xbf16, #tpu.memory_space<vmem_shared>>
        tpu.enqueue_indirect_dma source(%dma_start3A_189 : memref<128x32xbf16, #tpu.memory_space<vmem>>) target(%dma_start3A_195 : memref<10240x32xbf16, #tpu.memory_space<vmem_shared>>) offsets(%dma_start3A_192 : memref<128xi32, #tpu.memory_space<vmem>>) semaphore(%run_scoped3A_185 : memref<!tpu.dma_semaphore, #tpu.memory_space<semaphore_mem>>) {add = true}
        %dma_wait3A_196 = arith.constant 0 : i32
        %dma_wait3A_197 = arith.constant 0 : i32
        %dma_wait3A_198 = tpu.memref_slice %arg8[%run_scoped3A, %dma_wait3A_196, %dma_wait3A_197] : memref<4x128x32xbf16, #tpu.memory_space<vmem>> -> memref<1x128x32xbf16, #tpu.memory_space<vmem>>
        %dma_wait3A_199 = tpu.memref_squeeze %dma_wait3A_198 : memref<1x128x32xbf16, #tpu.memory_space<vmem>> -> memref<128x32xbf16, #tpu.memory_space<vmem>>
        %dma_wait3A_200 = arith.constant 0 : i32
        %dma_wait3A_201 = tpu.memref_slice %arg7[%add3A_91, %dma_wait3A_200] : memref<160x128xi32, #tpu.memory_space<vmem>> -> memref<1x128xi32, #tpu.memory_space<vmem>>
        %dma_wait3A_202 = tpu.memref_squeeze %dma_wait3A_201 : memref<1x128xi32, #tpu.memory_space<vmem>> -> memref<128xi32, #tpu.memory_space<vmem>>
        %dma_wait3A_203 = arith.constant 0 : i32
        %dma_wait3A_204 = arith.constant 0 : i32
        %dma_wait3A_205 = tpu.memref_slice %arg10[%dma_wait3A_203, %dma_wait3A_204] : memref<10240x32xbf16, #tpu.memory_space<vmem_shared>> -> memref<10240x32xbf16, #tpu.memory_space<vmem_shared>>
        tpu.wait_indirect_dma semaphore(%run_scoped3A_185 : memref<!tpu.dma_semaphore, #tpu.memory_space<semaphore_mem>>) src(%dma_wait3A_199 : memref<128x32xbf16, #tpu.memory_space<vmem>>) dst(%dma_wait3A_205 : memref<10240x32xbf16, #tpu.memory_space<vmem_shared>>)
        tpu.yield
      }) : () -> ()
      %add3A_106 = arith.constant 4 : i32
      %add3A_107 = arith.addi %add3A_91, %add3A_106 : i32
      %lt3A = arith.constant 160 : i32
      %lt3A_108 = arith.cmpi slt, %add3A_107, %lt3A : i32
      %convert_element_type3A = arith.extui %lt3A_108 : i1 to i32
      %cond3A = arith.constant 0 : i32
      %cond3A_109 = arith.cmpi ne, %convert_element_type3A, %cond3A : i32
      scf.if %cond3A_109 {
        %add3A_185 = arith.constant 4 : i32
        %add3A_186 = arith.addi %add3A_91, %add3A_185 : i32
        %dma_start3A_187 = arith.constant 0 : i32
        %dma_start3A_188 = arith.constant 0 : i32
        %dma_start3A_189 = arith.constant 0 : i32
        %dma_start3A_190 = tpu.memref_slice %arg8[%dma_start3A_187, %dma_start3A_188, %dma_start3A_189] : memref<4x128x32xbf16, #tpu.memory_space<vmem>> -> memref<1x128x32xbf16, #tpu.memory_space<vmem>>
        %dma_start3A_191 = tpu.memref_squeeze %dma_start3A_190 : memref<1x128x32xbf16, #tpu.memory_space<vmem>> -> memref<128x32xbf16, #tpu.memory_space<vmem>>
        %dma_start3A_192 = arith.constant 0 : i32
        %dma_start3A_193 = tpu.memref_slice %arg6[%add3A_186, %dma_start3A_192] : memref<160x128xi32, #tpu.memory_space<vmem>> -> memref<1x128xi32, #tpu.memory_space<vmem>>
        %dma_start3A_194 = tpu.memref_squeeze %dma_start3A_193 : memref<1x128xi32, #tpu.memory_space<vmem>> -> memref<128xi32, #tpu.memory_space<vmem>>
        %dma_start3A_195 = arith.constant 0 : i32
        %dma_start3A_196 = arith.constant 0 : i32
        %dma_start3A_197 = tpu.memref_slice %arg2[%arg0, %dma_start3A_195, %dma_start3A_196] : memref<2x10240x32xbf16, #tpu.memory_space<hbm>> -> memref<1x10240x32xbf16, #tpu.memory_space<hbm>>
        %dma_start3A_198 = tpu.memref_squeeze %dma_start3A_197 : memref<1x10240x32xbf16, #tpu.memory_space<hbm>> -> memref<10240x32xbf16, #tpu.memory_space<hbm>>
        %dma_start3A_199 = arith.constant 0 : i32
        %dma_start3A_200 = arith.constant 0 : i32
        %dma_start3A_201 = tpu.memref_slice %dma_start3A_198[%dma_start3A_199, %dma_start3A_200] : memref<10240x32xbf16, #tpu.memory_space<hbm>> -> memref<10240x32xbf16, #tpu.memory_space<hbm>>
        tpu.enqueue_indirect_dma source(%dma_start3A_201 : memref<10240x32xbf16, #tpu.memory_space<hbm>>) target(%dma_start3A_191 : memref<128x32xbf16, #tpu.memory_space<vmem>>) offsets(%dma_start3A_194 : memref<128xi32, #tpu.memory_space<vmem>>) semaphore(%arg11 : memref<!tpu.dma_semaphore, #tpu.memory_space<semaphore_mem>>)
      } else {
      }
      %add3A_110 = arith.constant 1 : i32
      %add3A_111 = arith.addi %add3A_89, %add3A_110 : i32
      %dma_wait3A_112 = arith.constant 1 : i32
      %dma_wait3A_113 = arith.constant 0 : i32
      %dma_wait3A_114 = arith.constant 0 : i32
      %dma_wait3A_115 = tpu.memref_slice %arg8[%dma_wait3A_112, %dma_wait3A_113, %dma_wait3A_114] : memref<4x128x32xbf16, #tpu.memory_space<vmem>> -> memref<1x128x32xbf16, #tpu.memory_space<vmem>>
      %dma_wait3A_116 = tpu.memref_squeeze %dma_wait3A_115 : memref<1x128x32xbf16, #tpu.memory_space<vmem>> -> memref<128x32xbf16, #tpu.memory_space<vmem>>
      %dma_wait3A_117 = arith.constant 0 : i32
      %dma_wait3A_118 = tpu.memref_slice %arg6[%add3A_111, %dma_wait3A_117] : memref<160x128xi32, #tpu.memory_space<vmem>> -> memref<1x128xi32, #tpu.memory_space<vmem>>
      %dma_wait3A_119 = tpu.memref_squeeze %dma_wait3A_118 : memref<1x128xi32, #tpu.memory_space<vmem>> -> memref<128xi32, #tpu.memory_space<vmem>>
      %dma_wait3A_120 = arith.constant 0 : i32
      %dma_wait3A_121 = arith.constant 0 : i32
      %dma_wait3A_122 = tpu.memref_slice %arg2[%arg0, %dma_wait3A_120, %dma_wait3A_121] : memref<2x10240x32xbf16, #tpu.memory_space<hbm>> -> memref<1x10240x32xbf16, #tpu.memory_space<hbm>>
      %dma_wait3A_123 = tpu.memref_squeeze %dma_wait3A_122 : memref<1x10240x32xbf16, #tpu.memory_space<hbm>> -> memref<10240x32xbf16, #tpu.memory_space<hbm>>
      %dma_wait3A_124 = arith.constant 0 : i32
      %dma_wait3A_125 = arith.constant 0 : i32
      %dma_wait3A_126 = tpu.memref_slice %dma_wait3A_123[%dma_wait3A_124, %dma_wait3A_125] : memref<10240x32xbf16, #tpu.memory_space<hbm>> -> memref<10240x32xbf16, #tpu.memory_space<hbm>>
      tpu.wait_indirect_dma semaphore(%arg12 : memref<!tpu.dma_semaphore, #tpu.memory_space<semaphore_mem>>) src(%dma_wait3A_126 : memref<10240x32xbf16, #tpu.memory_space<hbm>>) dst(%dma_wait3A_116 : memref<128x32xbf16, #tpu.memory_space<vmem>>)
      %run_scoped3A_127 = arith.constant 1 : i32
      "tpu.region"() ({
        %run_scoped3A_185 = tpu.sem_alloc : memref<!tpu.dma_semaphore, #tpu.memory_space<semaphore_mem>>
        %dma_start3A_186 = arith.constant 0 : i32
        %dma_start3A_187 = arith.constant 0 : i32
        %dma_start3A_188 = tpu.memref_slice %arg8[%run_scoped3A_127, %dma_start3A_186, %dma_start3A_187] : memref<4x128x32xbf16, #tpu.memory_space<vmem>> -> memref<1x128x32xbf16, #tpu.memory_space<vmem>>
        %dma_start3A_189 = tpu.memref_squeeze %dma_start3A_188 : memref<1x128x32xbf16, #tpu.memory_space<vmem>> -> memref<128x32xbf16, #tpu.memory_space<vmem>>
        %dma_start3A_190 = arith.constant 0 : i32
        %dma_start3A_191 = tpu.memref_slice %arg7[%add3A_111, %dma_start3A_190] : memref<160x128xi32, #tpu.memory_space<vmem>> -> memref<1x128xi32, #tpu.memory_space<vmem>>
        %dma_start3A_192 = tpu.memref_squeeze %dma_start3A_191 : memref<1x128xi32, #tpu.memory_space<vmem>> -> memref<128xi32, #tpu.memory_space<vmem>>
        %dma_start3A_193 = arith.constant 0 : i32
        %dma_start3A_194 = arith.constant 0 : i32
        %dma_start3A_195 = tpu.memref_slice %arg10[%dma_start3A_193, %dma_start3A_194] : memref<10240x32xbf16, #tpu.memory_space<vmem_shared>> -> memref<10240x32xbf16, #tpu.memory_space<vmem_shared>>
        tpu.enqueue_indirect_dma source(%dma_start3A_189 : memref<128x32xbf16, #tpu.memory_space<vmem>>) target(%dma_start3A_195 : memref<10240x32xbf16, #tpu.memory_space<vmem_shared>>) offsets(%dma_start3A_192 : memref<128xi32, #tpu.memory_space<vmem>>) semaphore(%run_scoped3A_185 : memref<!tpu.dma_semaphore, #tpu.memory_space<semaphore_mem>>) {add = true}
        %dma_wait3A_196 = arith.constant 0 : i32
        %dma_wait3A_197 = arith.constant 0 : i32
        %dma_wait3A_198 = tpu.memref_slice %arg8[%run_scoped3A_127, %dma_wait3A_196, %dma_wait3A_197] : memref<4x128x32xbf16, #tpu.memory_space<vmem>> -> memref<1x128x32xbf16, #tpu.memory_space<vmem>>
        %dma_wait3A_199 = tpu.memref_squeeze %dma_wait3A_198 : memref<1x128x32xbf16, #tpu.memory_space<vmem>> -> memref<128x32xbf16, #tpu.memory_space<vmem>>
        %dma_wait3A_200 = arith.constant 0 : i32
        %dma_wait3A_201 = tpu.memref_slice %arg7[%add3A_111, %dma_wait3A_200] : memref<160x128xi32, #tpu.memory_space<vmem>> -> memref<1x128xi32, #tpu.memory_space<vmem>>
        %dma_wait3A_202 = tpu.memref_squeeze %dma_wait3A_201 : memref<1x128xi32, #tpu.memory_space<vmem>> -> memref<128xi32, #tpu.memory_space<vmem>>
        %dma_wait3A_203 = arith.constant 0 : i32
        %dma_wait3A_204 = arith.constant 0 : i32
        %dma_wait3A_205 = tpu.memref_slice %arg10[%dma_wait3A_203, %dma_wait3A_204] : memref<10240x32xbf16, #tpu.memory_space<vmem_shared>> -> memref<10240x32xbf16, #tpu.memory_space<vmem_shared>>
        tpu.wait_indirect_dma semaphore(%run_scoped3A_185 : memref<!tpu.dma_semaphore, #tpu.memory_space<semaphore_mem>>) src(%dma_wait3A_199 : memref<128x32xbf16, #tpu.memory_space<vmem>>) dst(%dma_wait3A_205 : memref<10240x32xbf16, #tpu.memory_space<vmem_shared>>)
        tpu.yield
      }) : () -> ()
      %add3A_128 = arith.constant 4 : i32
      %add3A_129 = arith.addi %add3A_111, %add3A_128 : i32
      %lt3A_130 = arith.constant 160 : i32
      %lt3A_131 = arith.cmpi slt, %add3A_129, %lt3A_130 : i32
      %convert_element_type3A_132 = arith.extui %lt3A_131 : i1 to i32
      %cond3A_133 = arith.constant 0 : i32
      %cond3A_134 = arith.cmpi ne, %convert_element_type3A_132, %cond3A_133 : i32
      scf.if %cond3A_134 {
        %add3A_185 = arith.constant 4 : i32
        %add3A_186 = arith.addi %add3A_111, %add3A_185 : i32
        %dma_start3A_187 = arith.constant 1 : i32
        %dma_start3A_188 = arith.constant 0 : i32
        %dma_start3A_189 = arith.constant 0 : i32
        %dma_start3A_190 = tpu.memref_slice %arg8[%dma_start3A_187, %dma_start3A_188, %dma_start3A_189] : memref<4x128x32xbf16, #tpu.memory_space<vmem>> -> memref<1x128x32xbf16, #tpu.memory_space<vmem>>
        %dma_start3A_191 = tpu.memref_squeeze %dma_start3A_190 : memref<1x128x32xbf16, #tpu.memory_space<vmem>> -> memref<128x32xbf16, #tpu.memory_space<vmem>>
        %dma_start3A_192 = arith.constant 0 : i32
        %dma_start3A_193 = tpu.memref_slice %arg6[%add3A_186, %dma_start3A_192] : memref<160x128xi32, #tpu.memory_space<vmem>> -> memref<1x128xi32, #tpu.memory_space<vmem>>
        %dma_start3A_194 = tpu.memref_squeeze %dma_start3A_193 : memref<1x128xi32, #tpu.memory_space<vmem>> -> memref<128xi32, #tpu.memory_space<vmem>>
        %dma_start3A_195 = arith.constant 0 : i32
        %dma_start3A_196 = arith.constant 0 : i32
        %dma_start3A_197 = tpu.memref_slice %arg2[%arg0, %dma_start3A_195, %dma_start3A_196] : memref<2x10240x32xbf16, #tpu.memory_space<hbm>> -> memref<1x10240x32xbf16, #tpu.memory_space<hbm>>
        %dma_start3A_198 = tpu.memref_squeeze %dma_start3A_197 : memref<1x10240x32xbf16, #tpu.memory_space<hbm>> -> memref<10240x32xbf16, #tpu.memory_space<hbm>>
        %dma_start3A_199 = arith.constant 0 : i32
        %dma_start3A_200 = arith.constant 0 : i32
        %dma_start3A_201 = tpu.memref_slice %dma_start3A_198[%dma_start3A_199, %dma_start3A_200] : memref<10240x32xbf16, #tpu.memory_space<hbm>> -> memref<10240x32xbf16, #tpu.memory_space<hbm>>
        tpu.enqueue_indirect_dma source(%dma_start3A_201 : memref<10240x32xbf16, #tpu.memory_space<hbm>>) target(%dma_start3A_191 : memref<128x32xbf16, #tpu.memory_space<vmem>>) offsets(%dma_start3A_194 : memref<128xi32, #tpu.memory_space<vmem>>) semaphore(%arg12 : memref<!tpu.dma_semaphore, #tpu.memory_space<semaphore_mem>>)
      } else {
      }
      %add3A_135 = arith.constant 2 : i32
      %add3A_136 = arith.addi %add3A_89, %add3A_135 : i32
      %dma_wait3A_137 = arith.constant 2 : i32
      %dma_wait3A_138 = arith.constant 0 : i32
      %dma_wait3A_139 = arith.constant 0 : i32
      %dma_wait3A_140 = tpu.memref_slice %arg8[%dma_wait3A_137, %dma_wait3A_138, %dma_wait3A_139] : memref<4x128x32xbf16, #tpu.memory_space<vmem>> -> memref<1x128x32xbf16, #tpu.memory_space<vmem>>
      %dma_wait3A_141 = tpu.memref_squeeze %dma_wait3A_140 : memref<1x128x32xbf16, #tpu.memory_space<vmem>> -> memref<128x32xbf16, #tpu.memory_space<vmem>>
      %dma_wait3A_142 = arith.constant 0 : i32
      %dma_wait3A_143 = tpu.memref_slice %arg6[%add3A_136, %dma_wait3A_142] : memref<160x128xi32, #tpu.memory_space<vmem>> -> memref<1x128xi32, #tpu.memory_space<vmem>>
      %dma_wait3A_144 = tpu.memref_squeeze %dma_wait3A_143 : memref<1x128xi32, #tpu.memory_space<vmem>> -> memref<128xi32, #tpu.memory_space<vmem>>
      %dma_wait3A_145 = arith.constant 0 : i32
      %dma_wait3A_146 = arith.constant 0 : i32
      %dma_wait3A_147 = tpu.memref_slice %arg2[%arg0, %dma_wait3A_145, %dma_wait3A_146] : memref<2x10240x32xbf16, #tpu.memory_space<hbm>> -> memref<1x10240x32xbf16, #tpu.memory_space<hbm>>
      %dma_wait3A_148 = tpu.memref_squeeze %dma_wait3A_147 : memref<1x10240x32xbf16, #tpu.memory_space<hbm>> -> memref<10240x32xbf16, #tpu.memory_space<hbm>>
      %dma_wait3A_149 = arith.constant 0 : i32
      %dma_wait3A_150 = arith.constant 0 : i32
      %dma_wait3A_151 = tpu.memref_slice %dma_wait3A_148[%dma_wait3A_149, %dma_wait3A_150] : memref<10240x32xbf16, #tpu.memory_space<hbm>> -> memref<10240x32xbf16, #tpu.memory_space<hbm>>
      tpu.wait_indirect_dma semaphore(%arg13 : memref<!tpu.dma_semaphore, #tpu.memory_space<semaphore_mem>>) src(%dma_wait3A_151 : memref<10240x32xbf16, #tpu.memory_space<hbm>>) dst(%dma_wait3A_141 : memref<128x32xbf16, #tpu.memory_space<vmem>>)
      %run_scoped3A_152 = arith.constant 2 : i32
      "tpu.region"() ({
        %run_scoped3A_185 = tpu.sem_alloc : memref<!tpu.dma_semaphore, #tpu.memory_space<semaphore_mem>>
        %dma_start3A_186 = arith.constant 0 : i32
        %dma_start3A_187 = arith.constant 0 : i32
        %dma_start3A_188 = tpu.memref_slice %arg8[%run_scoped3A_152, %dma_start3A_186, %dma_start3A_187] : memref<4x128x32xbf16, #tpu.memory_space<vmem>> -> memref<1x128x32xbf16, #tpu.memory_space<vmem>>
        %dma_start3A_189 = tpu.memref_squeeze %dma_start3A_188 : memref<1x128x32xbf16, #tpu.memory_space<vmem>> -> memref<128x32xbf16, #tpu.memory_space<vmem>>
        %dma_start3A_190 = arith.constant 0 : i32
        %dma_start3A_191 = tpu.memref_slice %arg7[%add3A_136, %dma_start3A_190] : memref<160x128xi32, #tpu.memory_space<vmem>> -> memref<1x128xi32, #tpu.memory_space<vmem>>
        %dma_start3A_192 = tpu.memref_squeeze %dma_start3A_191 : memref<1x128xi32, #tpu.memory_space<vmem>> -> memref<128xi32, #tpu.memory_space<vmem>>
        %dma_start3A_193 = arith.constant 0 : i32
        %dma_start3A_194 = arith.constant 0 : i32
        %dma_start3A_195 = tpu.memref_slice %arg10[%dma_start3A_193, %dma_start3A_194] : memref<10240x32xbf16, #tpu.memory_space<vmem_shared>> -> memref<10240x32xbf16, #tpu.memory_space<vmem_shared>>
        tpu.enqueue_indirect_dma source(%dma_start3A_189 : memref<128x32xbf16, #tpu.memory_space<vmem>>) target(%dma_start3A_195 : memref<10240x32xbf16, #tpu.memory_space<vmem_shared>>) offsets(%dma_start3A_192 : memref<128xi32, #tpu.memory_space<vmem>>) semaphore(%run_scoped3A_185 : memref<!tpu.dma_semaphore, #tpu.memory_space<semaphore_mem>>) {add = true}
        %dma_wait3A_196 = arith.constant 0 : i32
        %dma_wait3A_197 = arith.constant 0 : i32
        %dma_wait3A_198 = tpu.memref_slice %arg8[%run_scoped3A_152, %dma_wait3A_196, %dma_wait3A_197] : memref<4x128x32xbf16, #tpu.memory_space<vmem>> -> memref<1x128x32xbf16, #tpu.memory_space<vmem>>
        %dma_wait3A_199 = tpu.memref_squeeze %dma_wait3A_198 : memref<1x128x32xbf16, #tpu.memory_space<vmem>> -> memref<128x32xbf16, #tpu.memory_space<vmem>>
        %dma_wait3A_200 = arith.constant 0 : i32
        %dma_wait3A_201 = tpu.memref_slice %arg7[%add3A_136, %dma_wait3A_200] : memref<160x128xi32, #tpu.memory_space<vmem>> -> memref<1x128xi32, #tpu.memory_space<vmem>>
        %dma_wait3A_202 = tpu.memref_squeeze %dma_wait3A_201 : memref<1x128xi32, #tpu.memory_space<vmem>> -> memref<128xi32, #tpu.memory_space<vmem>>
        %dma_wait3A_203 = arith.constant 0 : i32
        %dma_wait3A_204 = arith.constant 0 : i32
        %dma_wait3A_205 = tpu.memref_slice %arg10[%dma_wait3A_203, %dma_wait3A_204] : memref<10240x32xbf16, #tpu.memory_space<vmem_shared>> -> memref<10240x32xbf16, #tpu.memory_space<vmem_shared>>
        tpu.wait_indirect_dma semaphore(%run_scoped3A_185 : memref<!tpu.dma_semaphore, #tpu.memory_space<semaphore_mem>>) src(%dma_wait3A_199 : memref<128x32xbf16, #tpu.memory_space<vmem>>) dst(%dma_wait3A_205 : memref<10240x32xbf16, #tpu.memory_space<vmem_shared>>)
        tpu.yield
      }) : () -> ()
      %add3A_153 = arith.constant 4 : i32
      %add3A_154 = arith.addi %add3A_136, %add3A_153 : i32
      %lt3A_155 = arith.constant 160 : i32
      %lt3A_156 = arith.cmpi slt, %add3A_154, %lt3A_155 : i32
      %convert_element_type3A_157 = arith.extui %lt3A_156 : i1 to i32
      %cond3A_158 = arith.constant 0 : i32
      %cond3A_159 = arith.cmpi ne, %convert_element_type3A_157, %cond3A_158 : i32
      scf.if %cond3A_159 {
        %add3A_185 = arith.constant 4 : i32
        %add3A_186 = arith.addi %add3A_136, %add3A_185 : i32
        %dma_start3A_187 = arith.constant 2 : i32
        %dma_start3A_188 = arith.constant 0 : i32
        %dma_start3A_189 = arith.constant 0 : i32
        %dma_start3A_190 = tpu.memref_slice %arg8[%dma_start3A_187, %dma_start3A_188, %dma_start3A_189] : memref<4x128x32xbf16, #tpu.memory_space<vmem>> -> memref<1x128x32xbf16, #tpu.memory_space<vmem>>
        %dma_start3A_191 = tpu.memref_squeeze %dma_start3A_190 : memref<1x128x32xbf16, #tpu.memory_space<vmem>> -> memref<128x32xbf16, #tpu.memory_space<vmem>>
        %dma_start3A_192 = arith.constant 0 : i32
        %dma_start3A_193 = tpu.memref_slice %arg6[%add3A_186, %dma_start3A_192] : memref<160x128xi32, #tpu.memory_space<vmem>> -> memref<1x128xi32, #tpu.memory_space<vmem>>
        %dma_start3A_194 = tpu.memref_squeeze %dma_start3A_193 : memref<1x128xi32, #tpu.memory_space<vmem>> -> memref<128xi32, #tpu.memory_space<vmem>>
        %dma_start3A_195 = arith.constant 0 : i32
        %dma_start3A_196 = arith.constant 0 : i32
        %dma_start3A_197 = tpu.memref_slice %arg2[%arg0, %dma_start3A_195, %dma_start3A_196] : memref<2x10240x32xbf16, #tpu.memory_space<hbm>> -> memref<1x10240x32xbf16, #tpu.memory_space<hbm>>
        %dma_start3A_198 = tpu.memref_squeeze %dma_start3A_197 : memref<1x10240x32xbf16, #tpu.memory_space<hbm>> -> memref<10240x32xbf16, #tpu.memory_space<hbm>>
        %dma_start3A_199 = arith.constant 0 : i32
        %dma_start3A_200 = arith.constant 0 : i32
        %dma_start3A_201 = tpu.memref_slice %dma_start3A_198[%dma_start3A_199, %dma_start3A_200] : memref<10240x32xbf16, #tpu.memory_space<hbm>> -> memref<10240x32xbf16, #tpu.memory_space<hbm>>
        tpu.enqueue_indirect_dma source(%dma_start3A_201 : memref<10240x32xbf16, #tpu.memory_space<hbm>>) target(%dma_start3A_191 : memref<128x32xbf16, #tpu.memory_space<vmem>>) offsets(%dma_start3A_194 : memref<128xi32, #tpu.memory_space<vmem>>) semaphore(%arg13 : memref<!tpu.dma_semaphore, #tpu.memory_space<semaphore_mem>>)
      } else {
      }
      %add3A_160 = arith.constant 3 : i32
      %add3A_161 = arith.addi %add3A_89, %add3A_160 : i32
      %dma_wait3A_162 = arith.constant 3 : i32
      %dma_wait3A_163 = arith.constant 0 : i32
      %dma_wait3A_164 = arith.constant 0 : i32
      %dma_wait3A_165 = tpu.memref_slice %arg8[%dma_wait3A_162, %dma_wait3A_163, %dma_wait3A_164] : memref<4x128x32xbf16, #tpu.memory_space<vmem>> -> memref<1x128x32xbf16, #tpu.memory_space<vmem>>
      %dma_wait3A_166 = tpu.memref_squeeze %dma_wait3A_165 : memref<1x128x32xbf16, #tpu.memory_space<vmem>> -> memref<128x32xbf16, #tpu.memory_space<vmem>>
      %dma_wait3A_167 = arith.constant 0 : i32
      %dma_wait3A_168 = tpu.memref_slice %arg6[%add3A_161, %dma_wait3A_167] : memref<160x128xi32, #tpu.memory_space<vmem>> -> memref<1x128xi32, #tpu.memory_space<vmem>>
      %dma_wait3A_169 = tpu.memref_squeeze %dma_wait3A_168 : memref<1x128xi32, #tpu.memory_space<vmem>> -> memref<128xi32, #tpu.memory_space<vmem>>
      %dma_wait3A_170 = arith.constant 0 : i32
      %dma_wait3A_171 = arith.constant 0 : i32
      %dma_wait3A_172 = tpu.memref_slice %arg2[%arg0, %dma_wait3A_170, %dma_wait3A_171] : memref<2x10240x32xbf16, #tpu.memory_space<hbm>> -> memref<1x10240x32xbf16, #tpu.memory_space<hbm>>
      %dma_wait3A_173 = tpu.memref_squeeze %dma_wait3A_172 : memref<1x10240x32xbf16, #tpu.memory_space<hbm>> -> memref<10240x32xbf16, #tpu.memory_space<hbm>>
      %dma_wait3A_174 = arith.constant 0 : i32
      %dma_wait3A_175 = arith.constant 0 : i32
      %dma_wait3A_176 = tpu.memref_slice %dma_wait3A_173[%dma_wait3A_174, %dma_wait3A_175] : memref<10240x32xbf16, #tpu.memory_space<hbm>> -> memref<10240x32xbf16, #tpu.memory_space<hbm>>
      tpu.wait_indirect_dma semaphore(%arg14 : memref<!tpu.dma_semaphore, #tpu.memory_space<semaphore_mem>>) src(%dma_wait3A_176 : memref<10240x32xbf16, #tpu.memory_space<hbm>>) dst(%dma_wait3A_166 : memref<128x32xbf16, #tpu.memory_space<vmem>>)
      %run_scoped3A_177 = arith.constant 3 : i32
      "tpu.region"() ({
        %run_scoped3A_185 = tpu.sem_alloc : memref<!tpu.dma_semaphore, #tpu.memory_space<semaphore_mem>>
        %dma_start3A_186 = arith.constant 0 : i32
        %dma_start3A_187 = arith.constant 0 : i32
        %dma_start3A_188 = tpu.memref_slice %arg8[%run_scoped3A_177, %dma_start3A_186, %dma_start3A_187] : memref<4x128x32xbf16, #tpu.memory_space<vmem>> -> memref<1x128x32xbf16, #tpu.memory_space<vmem>>
        %dma_start3A_189 = tpu.memref_squeeze %dma_start3A_188 : memref<1x128x32xbf16, #tpu.memory_space<vmem>> -> memref<128x32xbf16, #tpu.memory_space<vmem>>
        %dma_start3A_190 = arith.constant 0 : i32
        %dma_start3A_191 = tpu.memref_slice %arg7[%add3A_161, %dma_start3A_190] : memref<160x128xi32, #tpu.memory_space<vmem>> -> memref<1x128xi32, #tpu.memory_space<vmem>>
        %dma_start3A_192 = tpu.memref_squeeze %dma_start3A_191 : memref<1x128xi32, #tpu.memory_space<vmem>> -> memref<128xi32, #tpu.memory_space<vmem>>
        %dma_start3A_193 = arith.constant 0 : i32
        %dma_start3A_194 = arith.constant 0 : i32
        %dma_start3A_195 = tpu.memref_slice %arg10[%dma_start3A_193, %dma_start3A_194] : memref<10240x32xbf16, #tpu.memory_space<vmem_shared>> -> memref<10240x32xbf16, #tpu.memory_space<vmem_shared>>
        tpu.enqueue_indirect_dma source(%dma_start3A_189 : memref<128x32xbf16, #tpu.memory_space<vmem>>) target(%dma_start3A_195 : memref<10240x32xbf16, #tpu.memory_space<vmem_shared>>) offsets(%dma_start3A_192 : memref<128xi32, #tpu.memory_space<vmem>>) semaphore(%run_scoped3A_185 : memref<!tpu.dma_semaphore, #tpu.memory_space<semaphore_mem>>) {add = true}
        %dma_wait3A_196 = arith.constant 0 : i32
        %dma_wait3A_197 = arith.constant 0 : i32
        %dma_wait3A_198 = tpu.memref_slice %arg8[%run_scoped3A_177, %dma_wait3A_196, %dma_wait3A_197] : memref<4x128x32xbf16, #tpu.memory_space<vmem>> -> memref<1x128x32xbf16, #tpu.memory_space<vmem>>
        %dma_wait3A_199 = tpu.memref_squeeze %dma_wait3A_198 : memref<1x128x32xbf16, #tpu.memory_space<vmem>> -> memref<128x32xbf16, #tpu.memory_space<vmem>>
        %dma_wait3A_200 = arith.constant 0 : i32
        %dma_wait3A_201 = tpu.memref_slice %arg7[%add3A_161, %dma_wait3A_200] : memref<160x128xi32, #tpu.memory_space<vmem>> -> memref<1x128xi32, #tpu.memory_space<vmem>>
        %dma_wait3A_202 = tpu.memref_squeeze %dma_wait3A_201 : memref<1x128xi32, #tpu.memory_space<vmem>> -> memref<128xi32, #tpu.memory_space<vmem>>
        %dma_wait3A_203 = arith.constant 0 : i32
        %dma_wait3A_204 = arith.constant 0 : i32
        %dma_wait3A_205 = tpu.memref_slice %arg10[%dma_wait3A_203, %dma_wait3A_204] : memref<10240x32xbf16, #tpu.memory_space<vmem_shared>> -> memref<10240x32xbf16, #tpu.memory_space<vmem_shared>>
        tpu.wait_indirect_dma semaphore(%run_scoped3A_185 : memref<!tpu.dma_semaphore, #tpu.memory_space<semaphore_mem>>) src(%dma_wait3A_199 : memref<128x32xbf16, #tpu.memory_space<vmem>>) dst(%dma_wait3A_205 : memref<10240x32xbf16, #tpu.memory_space<vmem_shared>>)
        tpu.yield
      }) : () -> ()
      %add3A_178 = arith.constant 4 : i32
      %add3A_179 = arith.addi %add3A_161, %add3A_178 : i32
      %lt3A_180 = arith.constant 160 : i32
      %lt3A_181 = arith.cmpi slt, %add3A_179, %lt3A_180 : i32
      %convert_element_type3A_182 = arith.extui %lt3A_181 : i1 to i32
      %cond3A_183 = arith.constant 0 : i32
      %cond3A_184 = arith.cmpi ne, %convert_element_type3A_182, %cond3A_183 : i32
      scf.if %cond3A_184 {
        %add3A_185 = arith.constant 4 : i32
        %add3A_186 = arith.addi %add3A_161, %add3A_185 : i32
        %dma_start3A_187 = arith.constant 3 : i32
        %dma_start3A_188 = arith.constant 0 : i32
        %dma_start3A_189 = arith.constant 0 : i32
        %dma_start3A_190 = tpu.memref_slice %arg8[%dma_start3A_187, %dma_start3A_188, %dma_start3A_189] : memref<4x128x32xbf16, #tpu.memory_space<vmem>> -> memref<1x128x32xbf16, #tpu.memory_space<vmem>>
        %dma_start3A_191 = tpu.memref_squeeze %dma_start3A_190 : memref<1x128x32xbf16, #tpu.memory_space<vmem>> -> memref<128x32xbf16, #tpu.memory_space<vmem>>
        %dma_start3A_192 = arith.constant 0 : i32
        %dma_start3A_193 = tpu.memref_slice %arg6[%add3A_186, %dma_start3A_192] : memref<160x128xi32, #tpu.memory_space<vmem>> -> memref<1x128xi32, #tpu.memory_space<vmem>>
        %dma_start3A_194 = tpu.memref_squeeze %dma_start3A_193 : memref<1x128xi32, #tpu.memory_space<vmem>> -> memref<128xi32, #tpu.memory_space<vmem>>
        %dma_start3A_195 = arith.constant 0 : i32
        %dma_start3A_196 = arith.constant 0 : i32
        %dma_start3A_197 = tpu.memref_slice %arg2[%arg0, %dma_start3A_195, %dma_start3A_196] : memref<2x10240x32xbf16, #tpu.memory_space<hbm>> -> memref<1x10240x32xbf16, #tpu.memory_space<hbm>>
        %dma_start3A_198 = tpu.memref_squeeze %dma_start3A_197 : memref<1x10240x32xbf16, #tpu.memory_space<hbm>> -> memref<10240x32xbf16, #tpu.memory_space<hbm>>
        %dma_start3A_199 = arith.constant 0 : i32
        %dma_start3A_200 = arith.constant 0 : i32
        %dma_start3A_201 = tpu.memref_slice %dma_start3A_198[%dma_start3A_199, %dma_start3A_200] : memref<10240x32xbf16, #tpu.memory_space<hbm>> -> memref<10240x32xbf16, #tpu.memory_space<hbm>>
        tpu.enqueue_indirect_dma source(%dma_start3A_201 : memref<10240x32xbf16, #tpu.memory_space<hbm>>) target(%dma_start3A_191 : memref<128x32xbf16, #tpu.memory_space<vmem>>) offsets(%dma_start3A_194 : memref<128xi32, #tpu.memory_space<vmem>>) semaphore(%arg14 : memref<!tpu.dma_semaphore, #tpu.memory_space<semaphore_mem>>)
      } else {
      }
    }
    %scan3A_79 = arith.constant 40 : i32
    %barrier3A_80 = arith.constant 0 : index
    tpu.barrier barrier_id(%barrier3A_80)
    %scan3A_81 = arith.constant 0 : i32
    %scan3A_82 = arith.constant 5 : i32
    %scan3A_83 = arith.addi %scan3A_81, %scan3A_82 : i32
    %scan3A_84 = arith.constant 1 : i32
    scf.for %scan3A_86 = %scan3A_81 to %scan3A_83 step %scan3A_84  : i32 {
      %mul3A_87 = arith.constant 1 : i32
      %mul3A_88 = arith.muli %scan3A_86, %mul3A_87 : i32
      %add3A = arith.constant 0 : i32
      %add3A_89 = arith.addi %add3A, %mul3A_88 : i32
      %mul3A_90 = arith.constant 640 : i32
      %mul3A_91 = arith.muli %arg1, %mul3A_90 : i32
      %mul3A_92 = arith.constant 128 : i32
      %mul3A_93 = arith.muli %add3A_89, %mul3A_92 : i32
      %add3A_94 = arith.addi %mul3A_91, %mul3A_93 : i32
      "tpu.region"() ({
        %run_scoped3A = tpu.sem_alloc : memref<!tpu.dma_semaphore, #tpu.memory_space<semaphore_mem>>
        %dma_start3A_95 = arith.constant 0 : i32
        %dma_start3A_96 = tpu.memref_slice %arg10[%add3A_94, %dma_start3A_95] : memref<10240x32xbf16, #tpu.memory_space<vmem_shared>> -> memref<128x32xbf16, #tpu.memory_space<vmem_shared>>
        %dma_start3A_97 = arith.constant 0 : i32
        %dma_start3A_98 = tpu.memref_slice %arg10[%add3A_94, %dma_start3A_97] : memref<10240x32xbf16, #tpu.memory_space<vmem_shared>> -> memref<128x32xbf16, #tpu.memory_space<vmem_shared>>
        tpu.enqueue_dma source(%dma_start3A_98 : memref<128x32xbf16, #tpu.memory_space<vmem_shared>>) target(%arg9 : memref<128x32xbf16, #tpu.memory_space<vmem>>) target_semaphore(%run_scoped3A : memref<!tpu.dma_semaphore, #tpu.memory_space<semaphore_mem>>)
        %dma_wait3A = arith.constant 0 : i32
        %dma_wait3A_99 = tpu.memref_slice %arg10[%add3A_94, %dma_wait3A] : memref<10240x32xbf16, #tpu.memory_space<vmem_shared>> -> memref<128x32xbf16, #tpu.memory_space<vmem_shared>>
        %dma_wait3A_100 = arith.constant 0 : i32
        %dma_wait3A_101 = tpu.memref_slice %arg10[%add3A_94, %dma_wait3A_100] : memref<10240x32xbf16, #tpu.memory_space<vmem_shared>> -> memref<128x32xbf16, #tpu.memory_space<vmem_shared>>
        tpu.wait_dma2 semaphore(%run_scoped3A : memref<!tpu.dma_semaphore, #tpu.memory_space<semaphore_mem>>) src(%dma_wait3A_101 : memref<128x32xbf16, #tpu.memory_space<vmem_shared>>) dst(%arg9 : memref<128x32xbf16, #tpu.memory_space<vmem>>)
        tpu.yield
      }) : () -> ()
      "tpu.region"() ({
        %run_scoped3A = tpu.sem_alloc : memref<!tpu.dma_semaphore, #tpu.memory_space<semaphore_mem>>
        %dma_start3A_95 = arith.constant 0 : i32
        %dma_start3A_96 = tpu.memref_slice %arg5[%arg0, %add3A_94, %dma_start3A_95] : memref<2x10240x32xbf16, #tpu.memory_space<hbm>> -> memref<1x128x32xbf16, #tpu.memory_space<hbm>>
        %dma_start3A_97 = tpu.memref_squeeze %dma_start3A_96 : memref<1x128x32xbf16, #tpu.memory_space<hbm>> -> memref<128x32xbf16, #tpu.memory_space<hbm>>
        %dma_start3A_98 = arith.constant 0 : i32
        %dma_start3A_99 = tpu.memref_slice %arg5[%arg0, %add3A_94, %dma_start3A_98] : memref<2x10240x32xbf16, #tpu.memory_space<hbm>> -> memref<1x128x32xbf16, #tpu.memory_space<hbm>>
        %dma_start3A_100 = tpu.memref_squeeze %dma_start3A_99 : memref<1x128x32xbf16, #tpu.memory_space<hbm>> -> memref<128x32xbf16, #tpu.memory_space<hbm>>
        tpu.enqueue_dma source(%arg9 : memref<128x32xbf16, #tpu.memory_space<vmem>>) target(%dma_start3A_100 : memref<128x32xbf16, #tpu.memory_space<hbm>>) target_semaphore(%run_scoped3A : memref<!tpu.dma_semaphore, #tpu.memory_space<semaphore_mem>>)
        %dma_wait3A = arith.constant 0 : i32
        %dma_wait3A_101 = tpu.memref_slice %arg5[%arg0, %add3A_94, %dma_wait3A] : memref<2x10240x32xbf16, #tpu.memory_space<hbm>> -> memref<1x128x32xbf16, #tpu.memory_space<hbm>>
        %dma_wait3A_102 = tpu.memref_squeeze %dma_wait3A_101 : memref<1x128x32xbf16, #tpu.memory_space<hbm>> -> memref<128x32xbf16, #tpu.memory_space<hbm>>
        %dma_wait3A_103 = arith.constant 0 : i32
        %dma_wait3A_104 = tpu.memref_slice %arg5[%arg0, %add3A_94, %dma_wait3A_103] : memref<2x10240x32xbf16, #tpu.memory_space<hbm>> -> memref<1x128x32xbf16, #tpu.memory_space<hbm>>
        %dma_wait3A_105 = tpu.memref_squeeze %dma_wait3A_104 : memref<1x128x32xbf16, #tpu.memory_space<hbm>> -> memref<128x32xbf16, #tpu.memory_space<hbm>>
        tpu.wait_dma2 semaphore(%run_scoped3A : memref<!tpu.dma_semaphore, #tpu.memory_space<semaphore_mem>>) src(%arg9 : memref<128x32xbf16, #tpu.memory_space<vmem>>) dst(%dma_wait3A_105 : memref<128x32xbf16, #tpu.memory_space<hbm>>)
        tpu.yield
      }) : () -> ()
    }
    %scan3A_85 = arith.constant 5 : i32
    return
  }
}

#map = affine_map<(d0, d1) -> (0, 0, 0)>
#map1 = affine_map<(d0, d1) -> (0, 0)>
module attributes {stable_mosaic.version = 14 : i64} {
  func.func @k(%arg0: i32, %arg1: i32, %arg2: memref<2x10240x64xbf16, #tpu.memory_space<hbm>>, %arg3: memref<2560x128xi32, #tpu.memory_space<hbm>>, %arg4: memref<2560x128xi32, #tpu.memory_space<hbm>>, %arg5: memref<2x10240x64xbf16, #tpu.memory_space<hbm>>, %arg6: memref<160x128xi32, #tpu.memory_space<vmem>>, %arg7: memref<160x128xi32, #tpu.memory_space<vmem>>, %arg8: memref<4x128x64xbf16, #tpu.memory_space<vmem>>, %arg9: memref<128x64xbf16, #tpu.memory_space<vmem>>, %arg10: memref<10240x64xbf16, #tpu.memory_space<vmem_shared>>, %arg11: memref<!tpu.dma_semaphore, #tpu.memory_space<semaphore_mem>>, %arg12: memref<!tpu.dma_semaphore, #tpu.memory_space<semaphore_mem>>, %arg13: memref<!tpu.dma_semaphore, #tpu.memory_space<semaphore_mem>>, %arg14: memref<!tpu.dma_semaphore, #tpu.memory_space<semaphore_mem>>) attributes {dimension_semantics = [#tpu.dimension_semantics<core_parallel>, #tpu.dimension_semantics<subcore_parallel>], iteration_bounds = array<i64: 2, 16>, scalar_prefetch = 0 : i64, scratch_operands = 9 : i64, tpu.core_type = #tpu.core_type<sc_vector_subcore>, window_params = [{transform_indices = #map}, {transform_indices = #map1}, {transform_indices = #map1}, {transform_indices = #map}]} {
    %scan3A = arith.constant 0 : i32
    %scan3A_0 = arith.constant 128 : i32
    %scan3A_1 = arith.addi %scan3A, %scan3A_0 : i32
    %scan3A_2 = arith.constant 1 : i32
    scf.for %scan3A_86 = %scan3A to %scan3A_1 step %scan3A_2  : i32 {
      %mul3A_87 = arith.constant 1 : i32
      %mul3A_88 = arith.muli %scan3A_86, %mul3A_87 : i32
      %add3A = arith.constant 0 : i32
      %add3A_89 = arith.addi %add3A, %mul3A_88 : i32
      %broadcast_in_dim3A = arith.constant 0.000000e+00 : bf16
      %broadcast_in_dim3A_90 = vector.broadcast %broadcast_in_dim3A : bf16 to vector<32xbf16>
      %swap3A = arith.index_cast %add3A_89 : i32 to index
      %swap3A_91 = arith.constant 0 : index
      %swap3A_92 = tpu.vector_load %arg9[%swap3A, %swap3A_91] {strides = array<i32>} : memref<128x64xbf16, #tpu.memory_space<vmem>>, vector<1x32xbf16>,
      %swap3A_93 = vector.shape_cast %swap3A_92 : vector<1x32xbf16> to vector<32xbf16>
      %swap3A_94 = vector.shape_cast %broadcast_in_dim3A_90 : vector<32xbf16> to vector<1x32xbf16>
      tpu.vector_store %arg9[%swap3A, %swap3A_91], %swap3A_94 {strides = array<i32>} : memref<128x64xbf16, #tpu.memory_space<vmem>>, vector<1x32xbf16>,
      %broadcast_in_dim3A_95 = arith.constant 0.000000e+00 : bf16
      %broadcast_in_dim3A_96 = vector.broadcast %broadcast_in_dim3A_95 : bf16 to vector<32xbf16>
      %swap3A_97 = arith.index_cast %add3A_89 : i32 to index
      %swap3A_98 = arith.constant 32 : index
      %swap3A_99 = tpu.vector_load %arg9[%swap3A_97, %swap3A_98] {strides = array<i32>} : memref<128x64xbf16, #tpu.memory_space<vmem>>, vector<1x32xbf16>,
      %swap3A_100 = vector.shape_cast %swap3A_99 : vector<1x32xbf16> to vector<32xbf16>
      %swap3A_101 = vector.shape_cast %broadcast_in_dim3A_96 : vector<32xbf16> to vector<1x32xbf16>
      tpu.vector_store %arg9[%swap3A_97, %swap3A_98], %swap3A_101 {strides = array<i32>} : memref<128x64xbf16, #tpu.memory_space<vmem>>, vector<1x32xbf16>,
    }
    %scan3A_3 = arith.constant 128 : i32
    %scan3A_4 = arith.constant 0 : i32
    %scan3A_5 = arith.constant 5 : i32
    %scan3A_6 = arith.addi %scan3A_4, %scan3A_5 : i32
    %scan3A_7 = arith.constant 1 : i32
    scf.for %scan3A_86 = %scan3A_4 to %scan3A_6 step %scan3A_7  : i32 {
      %mul3A_87 = arith.constant 1 : i32
      %mul3A_88 = arith.muli %scan3A_86, %mul3A_87 : i32
      %add3A = arith.constant 0 : i32
      %add3A_89 = arith.addi %add3A, %mul3A_88 : i32
      %mul3A_90 = arith.constant 640 : i32
      %mul3A_91 = arith.muli %arg1, %mul3A_90 : i32
      %mul3A_92 = arith.constant 128 : i32
      %mul3A_93 = arith.muli %add3A_89, %mul3A_92 : i32
      %add3A_94 = arith.addi %mul3A_91, %mul3A_93 : i32
      "tpu.region"() ({
        %run_scoped3A = tpu.sem_alloc : memref<!tpu.dma_semaphore, #tpu.memory_space<semaphore_mem>>
        %dma_start3A_95 = arith.constant 0 : i32
        %dma_start3A_96 = tpu.memref_slice %arg10[%add3A_94, %dma_start3A_95] : memref<10240x64xbf16, #tpu.memory_space<vmem_shared>> -> memref<128x64xbf16, #tpu.memory_space<vmem_shared>>
        %dma_start3A_97 = arith.constant 0 : i32
        %dma_start3A_98 = tpu.memref_slice %arg10[%add3A_94, %dma_start3A_97] : memref<10240x64xbf16, #tpu.memory_space<vmem_shared>> -> memref<128x64xbf16, #tpu.memory_space<vmem_shared>>
        tpu.enqueue_dma source(%arg9 : memref<128x64xbf16, #tpu.memory_space<vmem>>) target(%dma_start3A_98 : memref<128x64xbf16, #tpu.memory_space<vmem_shared>>) target_semaphore(%run_scoped3A : memref<!tpu.dma_semaphore, #tpu.memory_space<semaphore_mem>>)
        %dma_wait3A = arith.constant 0 : i32
        %dma_wait3A_99 = tpu.memref_slice %arg10[%add3A_94, %dma_wait3A] : memref<10240x64xbf16, #tpu.memory_space<vmem_shared>> -> memref<128x64xbf16, #tpu.memory_space<vmem_shared>>
        %dma_wait3A_100 = arith.constant 0 : i32
        %dma_wait3A_101 = tpu.memref_slice %arg10[%add3A_94, %dma_wait3A_100] : memref<10240x64xbf16, #tpu.memory_space<vmem_shared>> -> memref<128x64xbf16, #tpu.memory_space<vmem_shared>>
        tpu.wait_dma2 semaphore(%run_scoped3A : memref<!tpu.dma_semaphore, #tpu.memory_space<semaphore_mem>>) src(%arg9 : memref<128x64xbf16, #tpu.memory_space<vmem>>) dst(%dma_wait3A_101 : memref<128x64xbf16, #tpu.memory_space<vmem_shared>>)
        tpu.yield
      }) : () -> ()
    }
    %scan3A_8 = arith.constant 5 : i32
    %barrier3A = arith.constant 0 : index
    tpu.barrier barrier_id(%barrier3A)
    %mul3A = arith.constant 160 : i32
    %mul3A_9 = arith.muli %arg1, %mul3A : i32
    "tpu.region"() ({
      %run_scoped3A = tpu.sem_alloc : memref<!tpu.dma_semaphore, #tpu.memory_space<semaphore_mem>>
      %dma_start3A_86 = arith.constant 0 : i32
      %dma_start3A_87 = tpu.memref_slice %arg3[%mul3A_9, %dma_start3A_86] : memref<2560x128xi32, #tpu.memory_space<hbm>> -> memref<160x128xi32, #tpu.memory_space<hbm>>
      %dma_start3A_88 = arith.constant 0 : i32
      %dma_start3A_89 = tpu.memref_slice %arg3[%mul3A_9, %dma_start3A_88] : memref<2560x128xi32, #tpu.memory_space<hbm>> -> memref<160x128xi32, #tpu.memory_space<hbm>>
      tpu.enqueue_dma source(%dma_start3A_89 : memref<160x128xi32, #tpu.memory_space<hbm>>) target(%arg6 : memref<160x128xi32, #tpu.memory_space<vmem>>) target_semaphore(%run_scoped3A : memref<!tpu.dma_semaphore, #tpu.memory_space<semaphore_mem>>)
      %dma_wait3A = arith.constant 0 : i32
      %dma_wait3A_90 = tpu.memref_slice %arg3[%mul3A_9, %dma_wait3A] : memref<2560x128xi32, #tpu.memory_space<hbm>> -> memref<160x128xi32, #tpu.memory_space<hbm>>
      %dma_wait3A_91 = arith.constant 0 : i32
      %dma_wait3A_92 = tpu.memref_slice %arg3[%mul3A_9, %dma_wait3A_91] : memref<2560x128xi32, #tpu.memory_space<hbm>> -> memref<160x128xi32, #tpu.memory_space<hbm>>
      tpu.wait_dma2 semaphore(%run_scoped3A : memref<!tpu.dma_semaphore, #tpu.memory_space<semaphore_mem>>) src(%dma_wait3A_92 : memref<160x128xi32, #tpu.memory_space<hbm>>) dst(%arg6 : memref<160x128xi32, #tpu.memory_space<vmem>>)
      tpu.yield
    }) : () -> ()
    %mul3A_10 = arith.constant 160 : i32
    %mul3A_11 = arith.muli %arg1, %mul3A_10 : i32
    "tpu.region"() ({
      %run_scoped3A = tpu.sem_alloc : memref<!tpu.dma_semaphore, #tpu.memory_space<semaphore_mem>>
      %dma_start3A_86 = arith.constant 0 : i32
      %dma_start3A_87 = tpu.memref_slice %arg4[%mul3A_11, %dma_start3A_86] : memref<2560x128xi32, #tpu.memory_space<hbm>> -> memref<160x128xi32, #tpu.memory_space<hbm>>
      %dma_start3A_88 = arith.constant 0 : i32
      %dma_start3A_89 = tpu.memref_slice %arg4[%mul3A_11, %dma_start3A_88] : memref<2560x128xi32, #tpu.memory_space<hbm>> -> memref<160x128xi32, #tpu.memory_space<hbm>>
      tpu.enqueue_dma source(%dma_start3A_89 : memref<160x128xi32, #tpu.memory_space<hbm>>) target(%arg7 : memref<160x128xi32, #tpu.memory_space<vmem>>) target_semaphore(%run_scoped3A : memref<!tpu.dma_semaphore, #tpu.memory_space<semaphore_mem>>)
      %dma_wait3A = arith.constant 0 : i32
      %dma_wait3A_90 = tpu.memref_slice %arg4[%mul3A_11, %dma_wait3A] : memref<2560x128xi32, #tpu.memory_space<hbm>> -> memref<160x128xi32, #tpu.memory_space<hbm>>
      %dma_wait3A_91 = arith.constant 0 : i32
      %dma_wait3A_92 = tpu.memref_slice %arg4[%mul3A_11, %dma_wait3A_91] : memref<2560x128xi32, #tpu.memory_space<hbm>> -> memref<160x128xi32, #tpu.memory_space<hbm>>
      tpu.wait_dma2 semaphore(%run_scoped3A : memref<!tpu.dma_semaphore, #tpu.memory_space<semaphore_mem>>) src(%dma_wait3A_92 : memref<160x128xi32, #tpu.memory_space<hbm>>) dst(%arg7 : memref<160x128xi32, #tpu.memory_space<vmem>>)
      tpu.yield
    }) : () -> ()
    %dma_start3A = arith.constant 0 : i32
    %dma_start3A_12 = arith.constant 0 : i32
    %dma_start3A_13 = arith.constant 0 : i32
    %dma_start3A_14 = arith.constant 0 : i32
    %dma_start3A_15 = tpu.memref_slice %arg8[%dma_start3A_12, %dma_start3A_13, %dma_start3A_14] : memref<4x128x64xbf16, #tpu.memory_space<vmem>> -> memref<1x128x64xbf16, #tpu.memory_space<vmem>>
    %dma_start3A_16 = tpu.memref_squeeze %dma_start3A_15 : memref<1x128x64xbf16, #tpu.memory_space<vmem>> -> memref<128x64xbf16, #tpu.memory_space<vmem>>
    %dma_start3A_17 = arith.constant 0 : i32
    %dma_start3A_18 = tpu.memref_slice %arg6[%dma_start3A, %dma_start3A_17] : memref<160x128xi32, #tpu.memory_space<vmem>> -> memref<1x128xi32, #tpu.memory_space<vmem>>
    %dma_start3A_19 = tpu.memref_squeeze %dma_start3A_18 : memref<1x128xi32, #tpu.memory_space<vmem>> -> memref<128xi32, #tpu.memory_space<vmem>>
    %dma_start3A_20 = arith.constant 0 : i32
    %dma_start3A_21 = arith.constant 0 : i32
    %dma_start3A_22 = tpu.memref_slice %arg2[%arg0, %dma_start3A_20, %dma_start3A_21] : memref<2x10240x64xbf16, #tpu.memory_space<hbm>> -> memref<1x10240x64xbf16, #tpu.memory_space<hbm>>
    %dma_start3A_23 = tpu.memref_squeeze %dma_start3A_22 : memref<1x10240x64xbf16, #tpu.memory_space<hbm>> -> memref<10240x64xbf16, #tpu.memory_space<hbm>>
    %dma_start3A_24 = arith.constant 0 : i32
    %dma_start3A_25 = arith.constant 0 : i32
    %dma_start3A_26 = tpu.memref_slice %dma_start3A_23[%dma_start3A_24, %dma_start3A_25] : memref<10240x64xbf16, #tpu.memory_space<hbm>> -> memref<10240x64xbf16, #tpu.memory_space<hbm>>
    tpu.enqueue_indirect_dma source(%dma_start3A_26 : memref<10240x64xbf16, #tpu.memory_space<hbm>>) target(%dma_start3A_16 : memref<128x64xbf16, #tpu.memory_space<vmem>>) offsets(%dma_start3A_19 : memref<128xi32, #tpu.memory_space<vmem>>) semaphore(%arg11 : memref<!tpu.dma_semaphore, #tpu.memory_space<semaphore_mem>>)
    %dma_start3A_27 = arith.constant 1 : i32
    %dma_start3A_28 = arith.constant 1 : i32
    %dma_start3A_29 = arith.constant 0 : i32
    %dma_start3A_30 = arith.constant 0 : i32
    %dma_start3A_31 = tpu.memref_slice %arg8[%dma_start3A_28, %dma_start3A_29, %dma_start3A_30] : memref<4x128x64xbf16, #tpu.memory_space<vmem>> -> memref<1x128x64xbf16, #tpu.memory_space<vmem>>
    %dma_start3A_32 = tpu.memref_squeeze %dma_start3A_31 : memref<1x128x64xbf16, #tpu.memory_space<vmem>> -> memref<128x64xbf16, #tpu.memory_space<vmem>>
    %dma_start3A_33 = arith.constant 0 : i32
    %dma_start3A_34 = tpu.memref_slice %arg6[%dma_start3A_27, %dma_start3A_33] : memref<160x128xi32, #tpu.memory_space<vmem>> -> memref<1x128xi32, #tpu.memory_space<vmem>>
    %dma_start3A_35 = tpu.memref_squeeze %dma_start3A_34 : memref<1x128xi32, #tpu.memory_space<vmem>> -> memref<128xi32, #tpu.memory_space<vmem>>
    %dma_start3A_36 = arith.constant 0 : i32
    %dma_start3A_37 = arith.constant 0 : i32
    %dma_start3A_38 = tpu.memref_slice %arg2[%arg0, %dma_start3A_36, %dma_start3A_37] : memref<2x10240x64xbf16, #tpu.memory_space<hbm>> -> memref<1x10240x64xbf16, #tpu.memory_space<hbm>>
    %dma_start3A_39 = tpu.memref_squeeze %dma_start3A_38 : memref<1x10240x64xbf16, #tpu.memory_space<hbm>> -> memref<10240x64xbf16, #tpu.memory_space<hbm>>
    %dma_start3A_40 = arith.constant 0 : i32
    %dma_start3A_41 = arith.constant 0 : i32
    %dma_start3A_42 = tpu.memref_slice %dma_start3A_39[%dma_start3A_40, %dma_start3A_41] : memref<10240x64xbf16, #tpu.memory_space<hbm>> -> memref<10240x64xbf16, #tpu.memory_space<hbm>>
    tpu.enqueue_indirect_dma source(%dma_start3A_42 : memref<10240x64xbf16, #tpu.memory_space<hbm>>) target(%dma_start3A_32 : memref<128x64xbf16, #tpu.memory_space<vmem>>) offsets(%dma_start3A_35 : memref<128xi32, #tpu.memory_space<vmem>>) semaphore(%arg12 : memref<!tpu.dma_semaphore, #tpu.memory_space<semaphore_mem>>)
    %dma_start3A_43 = arith.constant 2 : i32
    %dma_start3A_44 = arith.constant 2 : i32
    %dma_start3A_45 = arith.constant 0 : i32
    %dma_start3A_46 = arith.constant 0 : i32
    %dma_start3A_47 = tpu.memref_slice %arg8[%dma_start3A_44, %dma_start3A_45, %dma_start3A_46] : memref<4x128x64xbf16, #tpu.memory_space<vmem>> -> memref<1x128x64xbf16, #tpu.memory_space<vmem>>
    %dma_start3A_48 = tpu.memref_squeeze %dma_start3A_47 : memref<1x128x64xbf16, #tpu.memory_space<vmem>> -> memref<128x64xbf16, #tpu.memory_space<vmem>>
    %dma_start3A_49 = arith.constant 0 : i32
    %dma_start3A_50 = tpu.memref_slice %arg6[%dma_start3A_43, %dma_start3A_49] : memref<160x128xi32, #tpu.memory_space<vmem>> -> memref<1x128xi32, #tpu.memory_space<vmem>>
    %dma_start3A_51 = tpu.memref_squeeze %dma_start3A_50 : memref<1x128xi32, #tpu.memory_space<vmem>> -> memref<128xi32, #tpu.memory_space<vmem>>
    %dma_start3A_52 = arith.constant 0 : i32
    %dma_start3A_53 = arith.constant 0 : i32
    %dma_start3A_54 = tpu.memref_slice %arg2[%arg0, %dma_start3A_52, %dma_start3A_53] : memref<2x10240x64xbf16, #tpu.memory_space<hbm>> -> memref<1x10240x64xbf16, #tpu.memory_space<hbm>>
    %dma_start3A_55 = tpu.memref_squeeze %dma_start3A_54 : memref<1x10240x64xbf16, #tpu.memory_space<hbm>> -> memref<10240x64xbf16, #tpu.memory_space<hbm>>
    %dma_start3A_56 = arith.constant 0 : i32
    %dma_start3A_57 = arith.constant 0 : i32
    %dma_start3A_58 = tpu.memref_slice %dma_start3A_55[%dma_start3A_56, %dma_start3A_57] : memref<10240x64xbf16, #tpu.memory_space<hbm>> -> memref<10240x64xbf16, #tpu.memory_space<hbm>>
    tpu.enqueue_indirect_dma source(%dma_start3A_58 : memref<10240x64xbf16, #tpu.memory_space<hbm>>) target(%dma_start3A_48 : memref<128x64xbf16, #tpu.memory_space<vmem>>) offsets(%dma_start3A_51 : memref<128xi32, #tpu.memory_space<vmem>>) semaphore(%arg13 : memref<!tpu.dma_semaphore, #tpu.memory_space<semaphore_mem>>)
    %dma_start3A_59 = arith.constant 3 : i32
    %dma_start3A_60 = arith.constant 3 : i32
    %dma_start3A_61 = arith.constant 0 : i32
    %dma_start3A_62 = arith.constant 0 : i32
    %dma_start3A_63 = tpu.memref_slice %arg8[%dma_start3A_60, %dma_start3A_61, %dma_start3A_62] : memref<4x128x64xbf16, #tpu.memory_space<vmem>> -> memref<1x128x64xbf16, #tpu.memory_space<vmem>>
    %dma_start3A_64 = tpu.memref_squeeze %dma_start3A_63 : memref<1x128x64xbf16, #tpu.memory_space<vmem>> -> memref<128x64xbf16, #tpu.memory_space<vmem>>
    %dma_start3A_65 = arith.constant 0 : i32
    %dma_start3A_66 = tpu.memref_slice %arg6[%dma_start3A_59, %dma_start3A_65] : memref<160x128xi32, #tpu.memory_space<vmem>> -> memref<1x128xi32, #tpu.memory_space<vmem>>
    %dma_start3A_67 = tpu.memref_squeeze %dma_start3A_66 : memref<1x128xi32, #tpu.memory_space<vmem>> -> memref<128xi32, #tpu.memory_space<vmem>>
    %dma_start3A_68 = arith.constant 0 : i32
    %dma_start3A_69 = arith.constant 0 : i32
    %dma_start3A_70 = tpu.memref_slice %arg2[%arg0, %dma_start3A_68, %dma_start3A_69] : memref<2x10240x64xbf16, #tpu.memory_space<hbm>> -> memref<1x10240x64xbf16, #tpu.memory_space<hbm>>
    %dma_start3A_71 = tpu.memref_squeeze %dma_start3A_70 : memref<1x10240x64xbf16, #tpu.memory_space<hbm>> -> memref<10240x64xbf16, #tpu.memory_space<hbm>>
    %dma_start3A_72 = arith.constant 0 : i32
    %dma_start3A_73 = arith.constant 0 : i32
    %dma_start3A_74 = tpu.memref_slice %dma_start3A_71[%dma_start3A_72, %dma_start3A_73] : memref<10240x64xbf16, #tpu.memory_space<hbm>> -> memref<10240x64xbf16, #tpu.memory_space<hbm>>
    tpu.enqueue_indirect_dma source(%dma_start3A_74 : memref<10240x64xbf16, #tpu.memory_space<hbm>>) target(%dma_start3A_64 : memref<128x64xbf16, #tpu.memory_space<vmem>>) offsets(%dma_start3A_67 : memref<128xi32, #tpu.memory_space<vmem>>) semaphore(%arg14 : memref<!tpu.dma_semaphore, #tpu.memory_space<semaphore_mem>>)
    %scan3A_75 = arith.constant 0 : i32
    %scan3A_76 = arith.constant 40 : i32
    %scan3A_77 = arith.addi %scan3A_75, %scan3A_76 : i32
    %scan3A_78 = arith.constant 1 : i32
    scf.for %scan3A_86 = %scan3A_75 to %scan3A_77 step %scan3A_78  : i32 {
      %mul3A_87 = arith.constant 4 : i32
      %mul3A_88 = arith.muli %scan3A_86, %mul3A_87 : i32
      %add3A = arith.constant 0 : i32
      %add3A_89 = arith.addi %add3A, %mul3A_88 : i32
      %add3A_90 = arith.constant 0 : i32
      %add3A_91 = arith.addi %add3A_89, %add3A_90 : i32
      %dma_wait3A = arith.constant 0 : i32
      %dma_wait3A_92 = arith.constant 0 : i32
      %dma_wait3A_93 = arith.constant 0 : i32
      %dma_wait3A_94 = tpu.memref_slice %arg8[%dma_wait3A, %dma_wait3A_92, %dma_wait3A_93] : memref<4x128x64xbf16, #tpu.memory_space<vmem>> -> memref<1x128x64xbf16, #tpu.memory_space<vmem>>
      %dma_wait3A_95 = tpu.memref_squeeze %dma_wait3A_94 : memref<1x128x64xbf16, #tpu.memory_space<vmem>> -> memref<128x64xbf16, #tpu.memory_space<vmem>>
      %dma_wait3A_96 = arith.constant 0 : i32
      %dma_wait3A_97 = tpu.memref_slice %arg6[%add3A_91, %dma_wait3A_96] : memref<160x128xi32, #tpu.memory_space<vmem>> -> memref<1x128xi32, #tpu.memory_space<vmem>>
      %dma_wait3A_98 = tpu.memref_squeeze %dma_wait3A_97 : memref<1x128xi32, #tpu.memory_space<vmem>> -> memref<128xi32, #tpu.memory_space<vmem>>
      %dma_wait3A_99 = arith.constant 0 : i32
      %dma_wait3A_100 = arith.constant 0 : i32
      %dma_wait3A_101 = tpu.memref_slice %arg2[%arg0, %dma_wait3A_99, %dma_wait3A_100] : memref<2x10240x64xbf16, #tpu.memory_space<hbm>> -> memref<1x10240x64xbf16, #tpu.memory_space<hbm>>
      %dma_wait3A_102 = tpu.memref_squeeze %dma_wait3A_101 : memref<1x10240x64xbf16, #tpu.memory_space<hbm>> -> memref<10240x64xbf16, #tpu.memory_space<hbm>>
      %dma_wait3A_103 = arith.constant 0 : i32
      %dma_wait3A_104 = arith.constant 0 : i32
      %dma_wait3A_105 = tpu.memref_slice %dma_wait3A_102[%dma_wait3A_103, %dma_wait3A_104] : memref<10240x64xbf16, #tpu.memory_space<hbm>> -> memref<10240x64xbf16, #tpu.memory_space<hbm>>
      tpu.wait_indirect_dma semaphore(%arg11 : memref<!tpu.dma_semaphore, #tpu.memory_space<semaphore_mem>>) src(%dma_wait3A_105 : memref<10240x64xbf16, #tpu.memory_space<hbm>>) dst(%dma_wait3A_95 : memref<128x64xbf16, #tpu.memory_space<vmem>>)
      %run_scoped3A = arith.constant 0 : i32
      "tpu.region"() ({
        %run_scoped3A_185 = tpu.sem_alloc : memref<!tpu.dma_semaphore, #tpu.memory_space<semaphore_mem>>
        %dma_start3A_186 = arith.constant 0 : i32
        %dma_start3A_187 = arith.constant 0 : i32
        %dma_start3A_188 = tpu.memref_slice %arg8[%run_scoped3A, %dma_start3A_186, %dma_start3A_187] : memref<4x128x64xbf16, #tpu.memory_space<vmem>> -> memref<1x128x64xbf16, #tpu.memory_space<vmem>>
        %dma_start3A_189 = tpu.memref_squeeze %dma_start3A_188 : memref<1x128x64xbf16, #tpu.memory_space<vmem>> -> memref<128x64xbf16, #tpu.memory_space<vmem>>
        %dma_start3A_190 = arith.constant 0 : i32
        %dma_start3A_191 = tpu.memref_slice %arg7[%add3A_91, %dma_start3A_190] : memref<160x128xi32, #tpu.memory_space<vmem>> -> memref<1x128xi32, #tpu.memory_space<vmem>>
        %dma_start3A_192 = tpu.memref_squeeze %dma_start3A_191 : memref<1x128xi32, #tpu.memory_space<vmem>> -> memref<128xi32, #tpu.memory_space<vmem>>
        %dma_start3A_193 = arith.constant 0 : i32
        %dma_start3A_194 = arith.constant 0 : i32
        %dma_start3A_195 = tpu.memref_slice %arg10[%dma_start3A_193, %dma_start3A_194] : memref<10240x64xbf16, #tpu.memory_space<vmem_shared>> -> memref<10240x64xbf16, #tpu.memory_space<vmem_shared>>
        tpu.enqueue_indirect_dma source(%dma_start3A_189 : memref<128x64xbf16, #tpu.memory_space<vmem>>) target(%dma_start3A_195 : memref<10240x64xbf16, #tpu.memory_space<vmem_shared>>) offsets(%dma_start3A_192 : memref<128xi32, #tpu.memory_space<vmem>>) semaphore(%run_scoped3A_185 : memref<!tpu.dma_semaphore, #tpu.memory_space<semaphore_mem>>) {add = true}
        %dma_wait3A_196 = arith.constant 0 : i32
        %dma_wait3A_197 = arith.constant 0 : i32
        %dma_wait3A_198 = tpu.memref_slice %arg8[%run_scoped3A, %dma_wait3A_196, %dma_wait3A_197] : memref<4x128x64xbf16, #tpu.memory_space<vmem>> -> memref<1x128x64xbf16, #tpu.memory_space<vmem>>
        %dma_wait3A_199 = tpu.memref_squeeze %dma_wait3A_198 : memref<1x128x64xbf16, #tpu.memory_space<vmem>> -> memref<128x64xbf16, #tpu.memory_space<vmem>>
        %dma_wait3A_200 = arith.constant 0 : i32
        %dma_wait3A_201 = tpu.memref_slice %arg7[%add3A_91, %dma_wait3A_200] : memref<160x128xi32, #tpu.memory_space<vmem>> -> memref<1x128xi32, #tpu.memory_space<vmem>>
        %dma_wait3A_202 = tpu.memref_squeeze %dma_wait3A_201 : memref<1x128xi32, #tpu.memory_space<vmem>> -> memref<128xi32, #tpu.memory_space<vmem>>
        %dma_wait3A_203 = arith.constant 0 : i32
        %dma_wait3A_204 = arith.constant 0 : i32
        %dma_wait3A_205 = tpu.memref_slice %arg10[%dma_wait3A_203, %dma_wait3A_204] : memref<10240x64xbf16, #tpu.memory_space<vmem_shared>> -> memref<10240x64xbf16, #tpu.memory_space<vmem_shared>>
        tpu.wait_indirect_dma semaphore(%run_scoped3A_185 : memref<!tpu.dma_semaphore, #tpu.memory_space<semaphore_mem>>) src(%dma_wait3A_199 : memref<128x64xbf16, #tpu.memory_space<vmem>>) dst(%dma_wait3A_205 : memref<10240x64xbf16, #tpu.memory_space<vmem_shared>>)
        tpu.yield
      }) : () -> ()
      %add3A_106 = arith.constant 4 : i32
      %add3A_107 = arith.addi %add3A_91, %add3A_106 : i32
      %lt3A = arith.constant 160 : i32
      %lt3A_108 = arith.cmpi slt, %add3A_107, %lt3A : i32
      %convert_element_type3A = arith.extui %lt3A_108 : i1 to i32
      %cond3A = arith.constant 0 : i32
      %cond3A_109 = arith.cmpi ne, %convert_element_type3A, %cond3A : i32
      scf.if %cond3A_109 {
        %add3A_185 = arith.constant 4 : i32
        %add3A_186 = arith.addi %add3A_91, %add3A_185 : i32
        %dma_start3A_187 = arith.constant 0 : i32
        %dma_start3A_188 = arith.constant 0 : i32
        %dma_start3A_189 = arith.constant 0 : i32
        %dma_start3A_190 = tpu.memref_slice %arg8[%dma_start3A_187, %dma_start3A_188, %dma_start3A_189] : memref<4x128x64xbf16, #tpu.memory_space<vmem>> -> memref<1x128x64xbf16, #tpu.memory_space<vmem>>
        %dma_start3A_191 = tpu.memref_squeeze %dma_start3A_190 : memref<1x128x64xbf16, #tpu.memory_space<vmem>> -> memref<128x64xbf16, #tpu.memory_space<vmem>>
        %dma_start3A_192 = arith.constant 0 : i32
        %dma_start3A_193 = tpu.memref_slice %arg6[%add3A_186, %dma_start3A_192] : memref<160x128xi32, #tpu.memory_space<vmem>> -> memref<1x128xi32, #tpu.memory_space<vmem>>
        %dma_start3A_194 = tpu.memref_squeeze %dma_start3A_193 : memref<1x128xi32, #tpu.memory_space<vmem>> -> memref<128xi32, #tpu.memory_space<vmem>>
        %dma_start3A_195 = arith.constant 0 : i32
        %dma_start3A_196 = arith.constant 0 : i32
        %dma_start3A_197 = tpu.memref_slice %arg2[%arg0, %dma_start3A_195, %dma_start3A_196] : memref<2x10240x64xbf16, #tpu.memory_space<hbm>> -> memref<1x10240x64xbf16, #tpu.memory_space<hbm>>
        %dma_start3A_198 = tpu.memref_squeeze %dma_start3A_197 : memref<1x10240x64xbf16, #tpu.memory_space<hbm>> -> memref<10240x64xbf16, #tpu.memory_space<hbm>>
        %dma_start3A_199 = arith.constant 0 : i32
        %dma_start3A_200 = arith.constant 0 : i32
        %dma_start3A_201 = tpu.memref_slice %dma_start3A_198[%dma_start3A_199, %dma_start3A_200] : memref<10240x64xbf16, #tpu.memory_space<hbm>> -> memref<10240x64xbf16, #tpu.memory_space<hbm>>
        tpu.enqueue_indirect_dma source(%dma_start3A_201 : memref<10240x64xbf16, #tpu.memory_space<hbm>>) target(%dma_start3A_191 : memref<128x64xbf16, #tpu.memory_space<vmem>>) offsets(%dma_start3A_194 : memref<128xi32, #tpu.memory_space<vmem>>) semaphore(%arg11 : memref<!tpu.dma_semaphore, #tpu.memory_space<semaphore_mem>>)
      } else {
      }
      %add3A_110 = arith.constant 1 : i32
      %add3A_111 = arith.addi %add3A_89, %add3A_110 : i32
      %dma_wait3A_112 = arith.constant 1 : i32
      %dma_wait3A_113 = arith.constant 0 : i32
      %dma_wait3A_114 = arith.constant 0 : i32
      %dma_wait3A_115 = tpu.memref_slice %arg8[%dma_wait3A_112, %dma_wait3A_113, %dma_wait3A_114] : memref<4x128x64xbf16, #tpu.memory_space<vmem>> -> memref<1x128x64xbf16, #tpu.memory_space<vmem>>
      %dma_wait3A_116 = tpu.memref_squeeze %dma_wait3A_115 : memref<1x128x64xbf16, #tpu.memory_space<vmem>> -> memref<128x64xbf16, #tpu.memory_space<vmem>>
      %dma_wait3A_117 = arith.constant 0 : i32
      %dma_wait3A_118 = tpu.memref_slice %arg6[%add3A_111, %dma_wait3A_117] : memref<160x128xi32, #tpu.memory_space<vmem>> -> memref<1x128xi32, #tpu.memory_space<vmem>>
      %dma_wait3A_119 = tpu.memref_squeeze %dma_wait3A_118 : memref<1x128xi32, #tpu.memory_space<vmem>> -> memref<128xi32, #tpu.memory_space<vmem>>
      %dma_wait3A_120 = arith.constant 0 : i32
      %dma_wait3A_121 = arith.constant 0 : i32
      %dma_wait3A_122 = tpu.memref_slice %arg2[%arg0, %dma_wait3A_120, %dma_wait3A_121] : memref<2x10240x64xbf16, #tpu.memory_space<hbm>> -> memref<1x10240x64xbf16, #tpu.memory_space<hbm>>
      %dma_wait3A_123 = tpu.memref_squeeze %dma_wait3A_122 : memref<1x10240x64xbf16, #tpu.memory_space<hbm>> -> memref<10240x64xbf16, #tpu.memory_space<hbm>>
      %dma_wait3A_124 = arith.constant 0 : i32
      %dma_wait3A_125 = arith.constant 0 : i32
      %dma_wait3A_126 = tpu.memref_slice %dma_wait3A_123[%dma_wait3A_124, %dma_wait3A_125] : memref<10240x64xbf16, #tpu.memory_space<hbm>> -> memref<10240x64xbf16, #tpu.memory_space<hbm>>
      tpu.wait_indirect_dma semaphore(%arg12 : memref<!tpu.dma_semaphore, #tpu.memory_space<semaphore_mem>>) src(%dma_wait3A_126 : memref<10240x64xbf16, #tpu.memory_space<hbm>>) dst(%dma_wait3A_116 : memref<128x64xbf16, #tpu.memory_space<vmem>>)
      %run_scoped3A_127 = arith.constant 1 : i32
      "tpu.region"() ({
        %run_scoped3A_185 = tpu.sem_alloc : memref<!tpu.dma_semaphore, #tpu.memory_space<semaphore_mem>>
        %dma_start3A_186 = arith.constant 0 : i32
        %dma_start3A_187 = arith.constant 0 : i32
        %dma_start3A_188 = tpu.memref_slice %arg8[%run_scoped3A_127, %dma_start3A_186, %dma_start3A_187] : memref<4x128x64xbf16, #tpu.memory_space<vmem>> -> memref<1x128x64xbf16, #tpu.memory_space<vmem>>
        %dma_start3A_189 = tpu.memref_squeeze %dma_start3A_188 : memref<1x128x64xbf16, #tpu.memory_space<vmem>> -> memref<128x64xbf16, #tpu.memory_space<vmem>>
        %dma_start3A_190 = arith.constant 0 : i32
        %dma_start3A_191 = tpu.memref_slice %arg7[%add3A_111, %dma_start3A_190] : memref<160x128xi32, #tpu.memory_space<vmem>> -> memref<1x128xi32, #tpu.memory_space<vmem>>
        %dma_start3A_192 = tpu.memref_squeeze %dma_start3A_191 : memref<1x128xi32, #tpu.memory_space<vmem>> -> memref<128xi32, #tpu.memory_space<vmem>>
        %dma_start3A_193 = arith.constant 0 : i32
        %dma_start3A_194 = arith.constant 0 : i32
        %dma_start3A_195 = tpu.memref_slice %arg10[%dma_start3A_193, %dma_start3A_194] : memref<10240x64xbf16, #tpu.memory_space<vmem_shared>> -> memref<10240x64xbf16, #tpu.memory_space<vmem_shared>>
        tpu.enqueue_indirect_dma source(%dma_start3A_189 : memref<128x64xbf16, #tpu.memory_space<vmem>>) target(%dma_start3A_195 : memref<10240x64xbf16, #tpu.memory_space<vmem_shared>>) offsets(%dma_start3A_192 : memref<128xi32, #tpu.memory_space<vmem>>) semaphore(%run_scoped3A_185 : memref<!tpu.dma_semaphore, #tpu.memory_space<semaphore_mem>>) {add = true}
        %dma_wait3A_196 = arith.constant 0 : i32
        %dma_wait3A_197 = arith.constant 0 : i32
        %dma_wait3A_198 = tpu.memref_slice %arg8[%run_scoped3A_127, %dma_wait3A_196, %dma_wait3A_197] : memref<4x128x64xbf16, #tpu.memory_space<vmem>> -> memref<1x128x64xbf16, #tpu.memory_space<vmem>>
        %dma_wait3A_199 = tpu.memref_squeeze %dma_wait3A_198 : memref<1x128x64xbf16, #tpu.memory_space<vmem>> -> memref<128x64xbf16, #tpu.memory_space<vmem>>
        %dma_wait3A_200 = arith.constant 0 : i32
        %dma_wait3A_201 = tpu.memref_slice %arg7[%add3A_111, %dma_wait3A_200] : memref<160x128xi32, #tpu.memory_space<vmem>> -> memref<1x128xi32, #tpu.memory_space<vmem>>
        %dma_wait3A_202 = tpu.memref_squeeze %dma_wait3A_201 : memref<1x128xi32, #tpu.memory_space<vmem>> -> memref<128xi32, #tpu.memory_space<vmem>>
        %dma_wait3A_203 = arith.constant 0 : i32
        %dma_wait3A_204 = arith.constant 0 : i32
        %dma_wait3A_205 = tpu.memref_slice %arg10[%dma_wait3A_203, %dma_wait3A_204] : memref<10240x64xbf16, #tpu.memory_space<vmem_shared>> -> memref<10240x64xbf16, #tpu.memory_space<vmem_shared>>
        tpu.wait_indirect_dma semaphore(%run_scoped3A_185 : memref<!tpu.dma_semaphore, #tpu.memory_space<semaphore_mem>>) src(%dma_wait3A_199 : memref<128x64xbf16, #tpu.memory_space<vmem>>) dst(%dma_wait3A_205 : memref<10240x64xbf16, #tpu.memory_space<vmem_shared>>)
        tpu.yield
      }) : () -> ()
      %add3A_128 = arith.constant 4 : i32
      %add3A_129 = arith.addi %add3A_111, %add3A_128 : i32
      %lt3A_130 = arith.constant 160 : i32
      %lt3A_131 = arith.cmpi slt, %add3A_129, %lt3A_130 : i32
      %convert_element_type3A_132 = arith.extui %lt3A_131 : i1 to i32
      %cond3A_133 = arith.constant 0 : i32
      %cond3A_134 = arith.cmpi ne, %convert_element_type3A_132, %cond3A_133 : i32
      scf.if %cond3A_134 {
        %add3A_185 = arith.constant 4 : i32
        %add3A_186 = arith.addi %add3A_111, %add3A_185 : i32
        %dma_start3A_187 = arith.constant 1 : i32
        %dma_start3A_188 = arith.constant 0 : i32
        %dma_start3A_189 = arith.constant 0 : i32
        %dma_start3A_190 = tpu.memref_slice %arg8[%dma_start3A_187, %dma_start3A_188, %dma_start3A_189] : memref<4x128x64xbf16, #tpu.memory_space<vmem>> -> memref<1x128x64xbf16, #tpu.memory_space<vmem>>
        %dma_start3A_191 = tpu.memref_squeeze %dma_start3A_190 : memref<1x128x64xbf16, #tpu.memory_space<vmem>> -> memref<128x64xbf16, #tpu.memory_space<vmem>>
        %dma_start3A_192 = arith.constant 0 : i32
        %dma_start3A_193 = tpu.memref_slice %arg6[%add3A_186, %dma_start3A_192] : memref<160x128xi32, #tpu.memory_space<vmem>> -> memref<1x128xi32, #tpu.memory_space<vmem>>
        %dma_start3A_194 = tpu.memref_squeeze %dma_start3A_193 : memref<1x128xi32, #tpu.memory_space<vmem>> -> memref<128xi32, #tpu.memory_space<vmem>>
        %dma_start3A_195 = arith.constant 0 : i32
        %dma_start3A_196 = arith.constant 0 : i32
        %dma_start3A_197 = tpu.memref_slice %arg2[%arg0, %dma_start3A_195, %dma_start3A_196] : memref<2x10240x64xbf16, #tpu.memory_space<hbm>> -> memref<1x10240x64xbf16, #tpu.memory_space<hbm>>
        %dma_start3A_198 = tpu.memref_squeeze %dma_start3A_197 : memref<1x10240x64xbf16, #tpu.memory_space<hbm>> -> memref<10240x64xbf16, #tpu.memory_space<hbm>>
        %dma_start3A_199 = arith.constant 0 : i32
        %dma_start3A_200 = arith.constant 0 : i32
        %dma_start3A_201 = tpu.memref_slice %dma_start3A_198[%dma_start3A_199, %dma_start3A_200] : memref<10240x64xbf16, #tpu.memory_space<hbm>> -> memref<10240x64xbf16, #tpu.memory_space<hbm>>
        tpu.enqueue_indirect_dma source(%dma_start3A_201 : memref<10240x64xbf16, #tpu.memory_space<hbm>>) target(%dma_start3A_191 : memref<128x64xbf16, #tpu.memory_space<vmem>>) offsets(%dma_start3A_194 : memref<128xi32, #tpu.memory_space<vmem>>) semaphore(%arg12 : memref<!tpu.dma_semaphore, #tpu.memory_space<semaphore_mem>>)
      } else {
      }
      %add3A_135 = arith.constant 2 : i32
      %add3A_136 = arith.addi %add3A_89, %add3A_135 : i32
      %dma_wait3A_137 = arith.constant 2 : i32
      %dma_wait3A_138 = arith.constant 0 : i32
      %dma_wait3A_139 = arith.constant 0 : i32
      %dma_wait3A_140 = tpu.memref_slice %arg8[%dma_wait3A_137, %dma_wait3A_138, %dma_wait3A_139] : memref<4x128x64xbf16, #tpu.memory_space<vmem>> -> memref<1x128x64xbf16, #tpu.memory_space<vmem>>
      %dma_wait3A_141 = tpu.memref_squeeze %dma_wait3A_140 : memref<1x128x64xbf16, #tpu.memory_space<vmem>> -> memref<128x64xbf16, #tpu.memory_space<vmem>>
      %dma_wait3A_142 = arith.constant 0 : i32
      %dma_wait3A_143 = tpu.memref_slice %arg6[%add3A_136, %dma_wait3A_142] : memref<160x128xi32, #tpu.memory_space<vmem>> -> memref<1x128xi32, #tpu.memory_space<vmem>>
      %dma_wait3A_144 = tpu.memref_squeeze %dma_wait3A_143 : memref<1x128xi32, #tpu.memory_space<vmem>> -> memref<128xi32, #tpu.memory_space<vmem>>
      %dma_wait3A_145 = arith.constant 0 : i32
      %dma_wait3A_146 = arith.constant 0 : i32
      %dma_wait3A_147 = tpu.memref_slice %arg2[%arg0, %dma_wait3A_145, %dma_wait3A_146] : memref<2x10240x64xbf16, #tpu.memory_space<hbm>> -> memref<1x10240x64xbf16, #tpu.memory_space<hbm>>
      %dma_wait3A_148 = tpu.memref_squeeze %dma_wait3A_147 : memref<1x10240x64xbf16, #tpu.memory_space<hbm>> -> memref<10240x64xbf16, #tpu.memory_space<hbm>>
      %dma_wait3A_149 = arith.constant 0 : i32
      %dma_wait3A_150 = arith.constant 0 : i32
      %dma_wait3A_151 = tpu.memref_slice %dma_wait3A_148[%dma_wait3A_149, %dma_wait3A_150] : memref<10240x64xbf16, #tpu.memory_space<hbm>> -> memref<10240x64xbf16, #tpu.memory_space<hbm>>
      tpu.wait_indirect_dma semaphore(%arg13 : memref<!tpu.dma_semaphore, #tpu.memory_space<semaphore_mem>>) src(%dma_wait3A_151 : memref<10240x64xbf16, #tpu.memory_space<hbm>>) dst(%dma_wait3A_141 : memref<128x64xbf16, #tpu.memory_space<vmem>>)
      %run_scoped3A_152 = arith.constant 2 : i32
      "tpu.region"() ({
        %run_scoped3A_185 = tpu.sem_alloc : memref<!tpu.dma_semaphore, #tpu.memory_space<semaphore_mem>>
        %dma_start3A_186 = arith.constant 0 : i32
        %dma_start3A_187 = arith.constant 0 : i32
        %dma_start3A_188 = tpu.memref_slice %arg8[%run_scoped3A_152, %dma_start3A_186, %dma_start3A_187] : memref<4x128x64xbf16, #tpu.memory_space<vmem>> -> memref<1x128x64xbf16, #tpu.memory_space<vmem>>
        %dma_start3A_189 = tpu.memref_squeeze %dma_start3A_188 : memref<1x128x64xbf16, #tpu.memory_space<vmem>> -> memref<128x64xbf16, #tpu.memory_space<vmem>>
        %dma_start3A_190 = arith.constant 0 : i32
        %dma_start3A_191 = tpu.memref_slice %arg7[%add3A_136, %dma_start3A_190] : memref<160x128xi32, #tpu.memory_space<vmem>> -> memref<1x128xi32, #tpu.memory_space<vmem>>
        %dma_start3A_192 = tpu.memref_squeeze %dma_start3A_191 : memref<1x128xi32, #tpu.memory_space<vmem>> -> memref<128xi32, #tpu.memory_space<vmem>>
        %dma_start3A_193 = arith.constant 0 : i32
        %dma_start3A_194 = arith.constant 0 : i32
        %dma_start3A_195 = tpu.memref_slice %arg10[%dma_start3A_193, %dma_start3A_194] : memref<10240x64xbf16, #tpu.memory_space<vmem_shared>> -> memref<10240x64xbf16, #tpu.memory_space<vmem_shared>>
        tpu.enqueue_indirect_dma source(%dma_start3A_189 : memref<128x64xbf16, #tpu.memory_space<vmem>>) target(%dma_start3A_195 : memref<10240x64xbf16, #tpu.memory_space<vmem_shared>>) offsets(%dma_start3A_192 : memref<128xi32, #tpu.memory_space<vmem>>) semaphore(%run_scoped3A_185 : memref<!tpu.dma_semaphore, #tpu.memory_space<semaphore_mem>>) {add = true}
        %dma_wait3A_196 = arith.constant 0 : i32
        %dma_wait3A_197 = arith.constant 0 : i32
        %dma_wait3A_198 = tpu.memref_slice %arg8[%run_scoped3A_152, %dma_wait3A_196, %dma_wait3A_197] : memref<4x128x64xbf16, #tpu.memory_space<vmem>> -> memref<1x128x64xbf16, #tpu.memory_space<vmem>>
        %dma_wait3A_199 = tpu.memref_squeeze %dma_wait3A_198 : memref<1x128x64xbf16, #tpu.memory_space<vmem>> -> memref<128x64xbf16, #tpu.memory_space<vmem>>
        %dma_wait3A_200 = arith.constant 0 : i32
        %dma_wait3A_201 = tpu.memref_slice %arg7[%add3A_136, %dma_wait3A_200] : memref<160x128xi32, #tpu.memory_space<vmem>> -> memref<1x128xi32, #tpu.memory_space<vmem>>
        %dma_wait3A_202 = tpu.memref_squeeze %dma_wait3A_201 : memref<1x128xi32, #tpu.memory_space<vmem>> -> memref<128xi32, #tpu.memory_space<vmem>>
        %dma_wait3A_203 = arith.constant 0 : i32
        %dma_wait3A_204 = arith.constant 0 : i32
        %dma_wait3A_205 = tpu.memref_slice %arg10[%dma_wait3A_203, %dma_wait3A_204] : memref<10240x64xbf16, #tpu.memory_space<vmem_shared>> -> memref<10240x64xbf16, #tpu.memory_space<vmem_shared>>
        tpu.wait_indirect_dma semaphore(%run_scoped3A_185 : memref<!tpu.dma_semaphore, #tpu.memory_space<semaphore_mem>>) src(%dma_wait3A_199 : memref<128x64xbf16, #tpu.memory_space<vmem>>) dst(%dma_wait3A_205 : memref<10240x64xbf16, #tpu.memory_space<vmem_shared>>)
        tpu.yield
      }) : () -> ()
      %add3A_153 = arith.constant 4 : i32
      %add3A_154 = arith.addi %add3A_136, %add3A_153 : i32
      %lt3A_155 = arith.constant 160 : i32
      %lt3A_156 = arith.cmpi slt, %add3A_154, %lt3A_155 : i32
      %convert_element_type3A_157 = arith.extui %lt3A_156 : i1 to i32
      %cond3A_158 = arith.constant 0 : i32
      %cond3A_159 = arith.cmpi ne, %convert_element_type3A_157, %cond3A_158 : i32
      scf.if %cond3A_159 {
        %add3A_185 = arith.constant 4 : i32
        %add3A_186 = arith.addi %add3A_136, %add3A_185 : i32
        %dma_start3A_187 = arith.constant 2 : i32
        %dma_start3A_188 = arith.constant 0 : i32
        %dma_start3A_189 = arith.constant 0 : i32
        %dma_start3A_190 = tpu.memref_slice %arg8[%dma_start3A_187, %dma_start3A_188, %dma_start3A_189] : memref<4x128x64xbf16, #tpu.memory_space<vmem>> -> memref<1x128x64xbf16, #tpu.memory_space<vmem>>
        %dma_start3A_191 = tpu.memref_squeeze %dma_start3A_190 : memref<1x128x64xbf16, #tpu.memory_space<vmem>> -> memref<128x64xbf16, #tpu.memory_space<vmem>>
        %dma_start3A_192 = arith.constant 0 : i32
        %dma_start3A_193 = tpu.memref_slice %arg6[%add3A_186, %dma_start3A_192] : memref<160x128xi32, #tpu.memory_space<vmem>> -> memref<1x128xi32, #tpu.memory_space<vmem>>
        %dma_start3A_194 = tpu.memref_squeeze %dma_start3A_193 : memref<1x128xi32, #tpu.memory_space<vmem>> -> memref<128xi32, #tpu.memory_space<vmem>>
        %dma_start3A_195 = arith.constant 0 : i32
        %dma_start3A_196 = arith.constant 0 : i32
        %dma_start3A_197 = tpu.memref_slice %arg2[%arg0, %dma_start3A_195, %dma_start3A_196] : memref<2x10240x64xbf16, #tpu.memory_space<hbm>> -> memref<1x10240x64xbf16, #tpu.memory_space<hbm>>
        %dma_start3A_198 = tpu.memref_squeeze %dma_start3A_197 : memref<1x10240x64xbf16, #tpu.memory_space<hbm>> -> memref<10240x64xbf16, #tpu.memory_space<hbm>>
        %dma_start3A_199 = arith.constant 0 : i32
        %dma_start3A_200 = arith.constant 0 : i32
        %dma_start3A_201 = tpu.memref_slice %dma_start3A_198[%dma_start3A_199, %dma_start3A_200] : memref<10240x64xbf16, #tpu.memory_space<hbm>> -> memref<10240x64xbf16, #tpu.memory_space<hbm>>
        tpu.enqueue_indirect_dma source(%dma_start3A_201 : memref<10240x64xbf16, #tpu.memory_space<hbm>>) target(%dma_start3A_191 : memref<128x64xbf16, #tpu.memory_space<vmem>>) offsets(%dma_start3A_194 : memref<128xi32, #tpu.memory_space<vmem>>) semaphore(%arg13 : memref<!tpu.dma_semaphore, #tpu.memory_space<semaphore_mem>>)
      } else {
      }
      %add3A_160 = arith.constant 3 : i32
      %add3A_161 = arith.addi %add3A_89, %add3A_160 : i32
      %dma_wait3A_162 = arith.constant 3 : i32
      %dma_wait3A_163 = arith.constant 0 : i32
      %dma_wait3A_164 = arith.constant 0 : i32
      %dma_wait3A_165 = tpu.memref_slice %arg8[%dma_wait3A_162, %dma_wait3A_163, %dma_wait3A_164] : memref<4x128x64xbf16, #tpu.memory_space<vmem>> -> memref<1x128x64xbf16, #tpu.memory_space<vmem>>
      %dma_wait3A_166 = tpu.memref_squeeze %dma_wait3A_165 : memref<1x128x64xbf16, #tpu.memory_space<vmem>> -> memref<128x64xbf16, #tpu.memory_space<vmem>>
      %dma_wait3A_167 = arith.constant 0 : i32
      %dma_wait3A_168 = tpu.memref_slice %arg6[%add3A_161, %dma_wait3A_167] : memref<160x128xi32, #tpu.memory_space<vmem>> -> memref<1x128xi32, #tpu.memory_space<vmem>>
      %dma_wait3A_169 = tpu.memref_squeeze %dma_wait3A_168 : memref<1x128xi32, #tpu.memory_space<vmem>> -> memref<128xi32, #tpu.memory_space<vmem>>
      %dma_wait3A_170 = arith.constant 0 : i32
      %dma_wait3A_171 = arith.constant 0 : i32
      %dma_wait3A_172 = tpu.memref_slice %arg2[%arg0, %dma_wait3A_170, %dma_wait3A_171] : memref<2x10240x64xbf16, #tpu.memory_space<hbm>> -> memref<1x10240x64xbf16, #tpu.memory_space<hbm>>
      %dma_wait3A_173 = tpu.memref_squeeze %dma_wait3A_172 : memref<1x10240x64xbf16, #tpu.memory_space<hbm>> -> memref<10240x64xbf16, #tpu.memory_space<hbm>>
      %dma_wait3A_174 = arith.constant 0 : i32
      %dma_wait3A_175 = arith.constant 0 : i32
      %dma_wait3A_176 = tpu.memref_slice %dma_wait3A_173[%dma_wait3A_174, %dma_wait3A_175] : memref<10240x64xbf16, #tpu.memory_space<hbm>> -> memref<10240x64xbf16, #tpu.memory_space<hbm>>
      tpu.wait_indirect_dma semaphore(%arg14 : memref<!tpu.dma_semaphore, #tpu.memory_space<semaphore_mem>>) src(%dma_wait3A_176 : memref<10240x64xbf16, #tpu.memory_space<hbm>>) dst(%dma_wait3A_166 : memref<128x64xbf16, #tpu.memory_space<vmem>>)
      %run_scoped3A_177 = arith.constant 3 : i32
      "tpu.region"() ({
        %run_scoped3A_185 = tpu.sem_alloc : memref<!tpu.dma_semaphore, #tpu.memory_space<semaphore_mem>>
        %dma_start3A_186 = arith.constant 0 : i32
        %dma_start3A_187 = arith.constant 0 : i32
        %dma_start3A_188 = tpu.memref_slice %arg8[%run_scoped3A_177, %dma_start3A_186, %dma_start3A_187] : memref<4x128x64xbf16, #tpu.memory_space<vmem>> -> memref<1x128x64xbf16, #tpu.memory_space<vmem>>
        %dma_start3A_189 = tpu.memref_squeeze %dma_start3A_188 : memref<1x128x64xbf16, #tpu.memory_space<vmem>> -> memref<128x64xbf16, #tpu.memory_space<vmem>>
        %dma_start3A_190 = arith.constant 0 : i32
        %dma_start3A_191 = tpu.memref_slice %arg7[%add3A_161, %dma_start3A_190] : memref<160x128xi32, #tpu.memory_space<vmem>> -> memref<1x128xi32, #tpu.memory_space<vmem>>
        %dma_start3A_192 = tpu.memref_squeeze %dma_start3A_191 : memref<1x128xi32, #tpu.memory_space<vmem>> -> memref<128xi32, #tpu.memory_space<vmem>>
        %dma_start3A_193 = arith.constant 0 : i32
        %dma_start3A_194 = arith.constant 0 : i32
        %dma_start3A_195 = tpu.memref_slice %arg10[%dma_start3A_193, %dma_start3A_194] : memref<10240x64xbf16, #tpu.memory_space<vmem_shared>> -> memref<10240x64xbf16, #tpu.memory_space<vmem_shared>>
        tpu.enqueue_indirect_dma source(%dma_start3A_189 : memref<128x64xbf16, #tpu.memory_space<vmem>>) target(%dma_start3A_195 : memref<10240x64xbf16, #tpu.memory_space<vmem_shared>>) offsets(%dma_start3A_192 : memref<128xi32, #tpu.memory_space<vmem>>) semaphore(%run_scoped3A_185 : memref<!tpu.dma_semaphore, #tpu.memory_space<semaphore_mem>>) {add = true}
        %dma_wait3A_196 = arith.constant 0 : i32
        %dma_wait3A_197 = arith.constant 0 : i32
        %dma_wait3A_198 = tpu.memref_slice %arg8[%run_scoped3A_177, %dma_wait3A_196, %dma_wait3A_197] : memref<4x128x64xbf16, #tpu.memory_space<vmem>> -> memref<1x128x64xbf16, #tpu.memory_space<vmem>>
        %dma_wait3A_199 = tpu.memref_squeeze %dma_wait3A_198 : memref<1x128x64xbf16, #tpu.memory_space<vmem>> -> memref<128x64xbf16, #tpu.memory_space<vmem>>
        %dma_wait3A_200 = arith.constant 0 : i32
        %dma_wait3A_201 = tpu.memref_slice %arg7[%add3A_161, %dma_wait3A_200] : memref<160x128xi32, #tpu.memory_space<vmem>> -> memref<1x128xi32, #tpu.memory_space<vmem>>
        %dma_wait3A_202 = tpu.memref_squeeze %dma_wait3A_201 : memref<1x128xi32, #tpu.memory_space<vmem>> -> memref<128xi32, #tpu.memory_space<vmem>>
        %dma_wait3A_203 = arith.constant 0 : i32
        %dma_wait3A_204 = arith.constant 0 : i32
        %dma_wait3A_205 = tpu.memref_slice %arg10[%dma_wait3A_203, %dma_wait3A_204] : memref<10240x64xbf16, #tpu.memory_space<vmem_shared>> -> memref<10240x64xbf16, #tpu.memory_space<vmem_shared>>
        tpu.wait_indirect_dma semaphore(%run_scoped3A_185 : memref<!tpu.dma_semaphore, #tpu.memory_space<semaphore_mem>>) src(%dma_wait3A_199 : memref<128x64xbf16, #tpu.memory_space<vmem>>) dst(%dma_wait3A_205 : memref<10240x64xbf16, #tpu.memory_space<vmem_shared>>)
        tpu.yield
      }) : () -> ()
      %add3A_178 = arith.constant 4 : i32
      %add3A_179 = arith.addi %add3A_161, %add3A_178 : i32
      %lt3A_180 = arith.constant 160 : i32
      %lt3A_181 = arith.cmpi slt, %add3A_179, %lt3A_180 : i32
      %convert_element_type3A_182 = arith.extui %lt3A_181 : i1 to i32
      %cond3A_183 = arith.constant 0 : i32
      %cond3A_184 = arith.cmpi ne, %convert_element_type3A_182, %cond3A_183 : i32
      scf.if %cond3A_184 {
        %add3A_185 = arith.constant 4 : i32
        %add3A_186 = arith.addi %add3A_161, %add3A_185 : i32
        %dma_start3A_187 = arith.constant 3 : i32
        %dma_start3A_188 = arith.constant 0 : i32
        %dma_start3A_189 = arith.constant 0 : i32
        %dma_start3A_190 = tpu.memref_slice %arg8[%dma_start3A_187, %dma_start3A_188, %dma_start3A_189] : memref<4x128x64xbf16, #tpu.memory_space<vmem>> -> memref<1x128x64xbf16, #tpu.memory_space<vmem>>
        %dma_start3A_191 = tpu.memref_squeeze %dma_start3A_190 : memref<1x128x64xbf16, #tpu.memory_space<vmem>> -> memref<128x64xbf16, #tpu.memory_space<vmem>>
        %dma_start3A_192 = arith.constant 0 : i32
        %dma_start3A_193 = tpu.memref_slice %arg6[%add3A_186, %dma_start3A_192] : memref<160x128xi32, #tpu.memory_space<vmem>> -> memref<1x128xi32, #tpu.memory_space<vmem>>
        %dma_start3A_194 = tpu.memref_squeeze %dma_start3A_193 : memref<1x128xi32, #tpu.memory_space<vmem>> -> memref<128xi32, #tpu.memory_space<vmem>>
        %dma_start3A_195 = arith.constant 0 : i32
        %dma_start3A_196 = arith.constant 0 : i32
        %dma_start3A_197 = tpu.memref_slice %arg2[%arg0, %dma_start3A_195, %dma_start3A_196] : memref<2x10240x64xbf16, #tpu.memory_space<hbm>> -> memref<1x10240x64xbf16, #tpu.memory_space<hbm>>
        %dma_start3A_198 = tpu.memref_squeeze %dma_start3A_197 : memref<1x10240x64xbf16, #tpu.memory_space<hbm>> -> memref<10240x64xbf16, #tpu.memory_space<hbm>>
        %dma_start3A_199 = arith.constant 0 : i32
        %dma_start3A_200 = arith.constant 0 : i32
        %dma_start3A_201 = tpu.memref_slice %dma_start3A_198[%dma_start3A_199, %dma_start3A_200] : memref<10240x64xbf16, #tpu.memory_space<hbm>> -> memref<10240x64xbf16, #tpu.memory_space<hbm>>
        tpu.enqueue_indirect_dma source(%dma_start3A_201 : memref<10240x64xbf16, #tpu.memory_space<hbm>>) target(%dma_start3A_191 : memref<128x64xbf16, #tpu.memory_space<vmem>>) offsets(%dma_start3A_194 : memref<128xi32, #tpu.memory_space<vmem>>) semaphore(%arg14 : memref<!tpu.dma_semaphore, #tpu.memory_space<semaphore_mem>>)
      } else {
      }
    }
    %scan3A_79 = arith.constant 40 : i32
    %barrier3A_80 = arith.constant 0 : index
    tpu.barrier barrier_id(%barrier3A_80)
    %scan3A_81 = arith.constant 0 : i32
    %scan3A_82 = arith.constant 5 : i32
    %scan3A_83 = arith.addi %scan3A_81, %scan3A_82 : i32
    %scan3A_84 = arith.constant 1 : i32
    scf.for %scan3A_86 = %scan3A_81 to %scan3A_83 step %scan3A_84  : i32 {
      %mul3A_87 = arith.constant 1 : i32
      %mul3A_88 = arith.muli %scan3A_86, %mul3A_87 : i32
      %add3A = arith.constant 0 : i32
      %add3A_89 = arith.addi %add3A, %mul3A_88 : i32
      %mul3A_90 = arith.constant 640 : i32
      %mul3A_91 = arith.muli %arg1, %mul3A_90 : i32
      %mul3A_92 = arith.constant 128 : i32
      %mul3A_93 = arith.muli %add3A_89, %mul3A_92 : i32
      %add3A_94 = arith.addi %mul3A_91, %mul3A_93 : i32
      "tpu.region"() ({
        %run_scoped3A = tpu.sem_alloc : memref<!tpu.dma_semaphore, #tpu.memory_space<semaphore_mem>>
        %dma_start3A_95 = arith.constant 0 : i32
        %dma_start3A_96 = tpu.memref_slice %arg10[%add3A_94, %dma_start3A_95] : memref<10240x64xbf16, #tpu.memory_space<vmem_shared>> -> memref<128x64xbf16, #tpu.memory_space<vmem_shared>>
        %dma_start3A_97 = arith.constant 0 : i32
        %dma_start3A_98 = tpu.memref_slice %arg10[%add3A_94, %dma_start3A_97] : memref<10240x64xbf16, #tpu.memory_space<vmem_shared>> -> memref<128x64xbf16, #tpu.memory_space<vmem_shared>>
        tpu.enqueue_dma source(%dma_start3A_98 : memref<128x64xbf16, #tpu.memory_space<vmem_shared>>) target(%arg9 : memref<128x64xbf16, #tpu.memory_space<vmem>>) target_semaphore(%run_scoped3A : memref<!tpu.dma_semaphore, #tpu.memory_space<semaphore_mem>>)
        %dma_wait3A = arith.constant 0 : i32
        %dma_wait3A_99 = tpu.memref_slice %arg10[%add3A_94, %dma_wait3A] : memref<10240x64xbf16, #tpu.memory_space<vmem_shared>> -> memref<128x64xbf16, #tpu.memory_space<vmem_shared>>
        %dma_wait3A_100 = arith.constant 0 : i32
        %dma_wait3A_101 = tpu.memref_slice %arg10[%add3A_94, %dma_wait3A_100] : memref<10240x64xbf16, #tpu.memory_space<vmem_shared>> -> memref<128x64xbf16, #tpu.memory_space<vmem_shared>>
        tpu.wait_dma2 semaphore(%run_scoped3A : memref<!tpu.dma_semaphore, #tpu.memory_space<semaphore_mem>>) src(%dma_wait3A_101 : memref<128x64xbf16, #tpu.memory_space<vmem_shared>>) dst(%arg9 : memref<128x64xbf16, #tpu.memory_space<vmem>>)
        tpu.yield
      }) : () -> ()
      "tpu.region"() ({
        %run_scoped3A = tpu.sem_alloc : memref<!tpu.dma_semaphore, #tpu.memory_space<semaphore_mem>>
        %dma_start3A_95 = arith.constant 0 : i32
        %dma_start3A_96 = tpu.memref_slice %arg5[%arg0, %add3A_94, %dma_start3A_95] : memref<2x10240x64xbf16, #tpu.memory_space<hbm>> -> memref<1x128x64xbf16, #tpu.memory_space<hbm>>
        %dma_start3A_97 = tpu.memref_squeeze %dma_start3A_96 : memref<1x128x64xbf16, #tpu.memory_space<hbm>> -> memref<128x64xbf16, #tpu.memory_space<hbm>>
        %dma_start3A_98 = arith.constant 0 : i32
        %dma_start3A_99 = tpu.memref_slice %arg5[%arg0, %add3A_94, %dma_start3A_98] : memref<2x10240x64xbf16, #tpu.memory_space<hbm>> -> memref<1x128x64xbf16, #tpu.memory_space<hbm>>
        %dma_start3A_100 = tpu.memref_squeeze %dma_start3A_99 : memref<1x128x64xbf16, #tpu.memory_space<hbm>> -> memref<128x64xbf16, #tpu.memory_space<hbm>>
        tpu.enqueue_dma source(%arg9 : memref<128x64xbf16, #tpu.memory_space<vmem>>) target(%dma_start3A_100 : memref<128x64xbf16, #tpu.memory_space<hbm>>) target_semaphore(%run_scoped3A : memref<!tpu.dma_semaphore, #tpu.memory_space<semaphore_mem>>)
        %dma_wait3A = arith.constant 0 : i32
        %dma_wait3A_101 = tpu.memref_slice %arg5[%arg0, %add3A_94, %dma_wait3A] : memref<2x10240x64xbf16, #tpu.memory_space<hbm>> -> memref<1x128x64xbf16, #tpu.memory_space<hbm>>
        %dma_wait3A_102 = tpu.memref_squeeze %dma_wait3A_101 : memref<1x128x64xbf16, #tpu.memory_space<hbm>> -> memref<128x64xbf16, #tpu.memory_space<hbm>>
        %dma_wait3A_103 = arith.constant 0 : i32
        %dma_wait3A_104 = tpu.memref_slice %arg5[%arg0, %add3A_94, %dma_wait3A_103] : memref<2x10240x64xbf16, #tpu.memory_space<hbm>> -> memref<1x128x64xbf16, #tpu.memory_space<hbm>>
        %dma_wait3A_105 = tpu.memref_squeeze %dma_wait3A_104 : memref<1x128x64xbf16, #tpu.memory_space<hbm>> -> memref<128x64xbf16, #tpu.memory_space<hbm>>
        tpu.wait_dma2 semaphore(%run_scoped3A : memref<!tpu.dma_semaphore, #tpu.memory_space<semaphore_mem>>) src(%arg9 : memref<128x64xbf16, #tpu.memory_space<vmem>>) dst(%dma_wait3A_105 : memref<128x64xbf16, #tpu.memory_space<hbm>>)
        tpu.yield
      }) : () -> ()
    }
    %scan3A_85 = arith.constant 5 : i32
    return
  }
}

module attributes {stable_mosaic.version = 14 : i64} {
  func.func @_tc_prep_body(%arg0: i32, %arg1: memref<1x1024x1xf32, #tpu.memory_space<vmem>>, %arg2: memref<1x1024x1xf32, #tpu.memory_space<vmem>>, %arg3: memref<1024x128xf32, #tpu.memory_space<vmem>>, %arg4: memref<1024x1xf32, #tpu.memory_space<vmem>>, %arg5: memref<2x1024x64xbf16, #tpu.memory_space<vmem>>) attributes {dimension_semantics = [#tpu.dimension_semantics<arbitrary>], iteration_bounds = array<i64: 10>, scalar_prefetch = 0 : i64, scratch_operands = 0 : i64, tpu.core_type = #tpu.core_type<tc>, window_params = [{transform_indices = @transform_0, window_bounds = array<i64: 1, 1024, 1>}, {transform_indices = @transform_1, window_bounds = array<i64: 1, 1024, 1>}, {transform_indices = @transform_2, window_bounds = array<i64: 1024, 128>}, {transform_indices = @transform_3, window_bounds = array<i64: 1024, 1>}, {transform_indices = @transform_4, window_bounds = array<i64: 2, 1024, 64>}]} {
    %get3A = arith.constant 0 : index
    %get3A_0 = arith.constant 0 : index
    %get3A_1 = arith.constant 0 : index
    %get3A_2 = vector.load %arg1[%get3A, %get3A_0, %get3A_1] : memref<1x1024x1xf32, #tpu.memory_space<vmem>>, vector<1x1024x1xf32>
    %get3A_3 = vector.shape_cast %get3A_2 : vector<1x1024x1xf32> to vector<1024x1xf32>
    %get3A_4 = arith.constant 0 : index
    %get3A_5 = arith.constant 0 : index
    %get3A_6 = arith.constant 0 : index
    %get3A_7 = vector.load %arg2[%get3A_4, %get3A_5, %get3A_6] : memref<1x1024x1xf32, #tpu.memory_space<vmem>>, vector<1x1024x1xf32>
    %get3A_8 = vector.shape_cast %get3A_7 : vector<1x1024x1xf32> to vector<1024x1xf32>
    %add3A = arith.addf %get3A_3, %get3A_8 : vector<1024x1xf32>
    %add3A_9 = arith.constant 1.000000e+00 : f32
    %add3A_10 = vector.broadcast %add3A_9 : f32 to vector<1024x1xf32>
    %add3A_11 = arith.addf %add3A, %add3A_10 : vector<1024x1xf32>
    %rsqrt3A = math.rsqrt %add3A_11 : vector<1024x1xf32>
    %swap3A = arith.constant 0 : index
    %swap3A_12 = arith.constant 0 : index
    %swap3A_13 = vector.load %arg4[%swap3A, %swap3A_12] : memref<1024x1xf32, #tpu.memory_space<vmem>>, vector<1024x1xf32>
    tpu.vector_store %arg4[%swap3A, %swap3A_12], %rsqrt3A {strides = array<i32>} : memref<1024x1xf32, #tpu.memory_space<vmem>>, vector<1024x1xf32>,
    %get3A_14 = arith.constant 0 : index
    %get3A_15 = arith.constant 0 : index
    %get3A_16 = vector.load %arg3[%get3A_14, %get3A_15] : memref<1024x128xf32, #tpu.memory_space<vmem>>, vector<1024x128xf32>
    %slice3A = vector.extract_strided_slice %get3A_16 {offsets = [0, 0], sizes = [1024, 64], strides = [1, 1]} : vector<1024x128xf32> to vector<1024x64xf32>
    %mul3A = vector.broadcast %rsqrt3A : vector<1024x1xf32> to vector<1024x64xf32>
    %mul3A_17 = arith.mulf %slice3A, %mul3A : vector<1024x64xf32>
    %convert_element_type3A = arith.truncf %mul3A_17 : vector<1024x64xf32> to vector<1024x64xbf16>
    %swap3A_18 = arith.constant 0 : index
    %swap3A_19 = arith.constant 0 : index
    %swap3A_20 = arith.constant 0 : index
    %swap3A_21 = vector.load %arg5[%swap3A_18, %swap3A_19, %swap3A_20] : memref<2x1024x64xbf16, #tpu.memory_space<vmem>>, vector<1x1024x64xbf16>
    %swap3A_22 = vector.shape_cast %swap3A_21 : vector<1x1024x64xbf16> to vector<1024x64xbf16>
    %swap3A_23 = vector.shape_cast %convert_element_type3A : vector<1024x64xbf16> to vector<1x1024x64xbf16>
    tpu.vector_store %arg5[%swap3A_18, %swap3A_19, %swap3A_20], %swap3A_23 {strides = array<i32>} : memref<2x1024x64xbf16, #tpu.memory_space<vmem>>, vector<1x1024x64xbf16>,
    %slice3A_24 = vector.extract_strided_slice %get3A_16 {offsets = [0, 64], sizes = [1024, 64], strides = [1, 1]} : vector<1024x128xf32> to vector<1024x64xf32>
    %mul3A_25 = vector.broadcast %rsqrt3A : vector<1024x1xf32> to vector<1024x64xf32>
    %mul3A_26 = arith.mulf %slice3A_24, %mul3A_25 : vector<1024x64xf32>
    %convert_element_type3A_27 = arith.truncf %mul3A_26 : vector<1024x64xf32> to vector<1024x64xbf16>
    %swap3A_28 = arith.constant 1 : index
    %swap3A_29 = arith.constant 0 : index
    %swap3A_30 = arith.constant 0 : index
    %swap3A_31 = vector.load %arg5[%swap3A_28, %swap3A_29, %swap3A_30] : memref<2x1024x64xbf16, #tpu.memory_space<vmem>>, vector<1x1024x64xbf16>
    %swap3A_32 = vector.shape_cast %swap3A_31 : vector<1x1024x64xbf16> to vector<1024x64xbf16>
    %swap3A_33 = vector.shape_cast %convert_element_type3A_27 : vector<1024x64xbf16> to vector<1x1024x64xbf16>
    tpu.vector_store %arg5[%swap3A_28, %swap3A_29, %swap3A_30], %swap3A_33 {strides = array<i32>} : memref<2x1024x64xbf16, #tpu.memory_space<vmem>>, vector<1x1024x64xbf16>,
    return
  }
  func.func @transform_0(%arg0: i32) -> (i32, i32, i32) {
    %c0_i32 = arith.constant 0 : i32
    %c0_i32_0 = arith.constant 0 : i32
    %c0_i32_1 = arith.constant 0 : i32
    return %c0_i32, %arg0, %c0_i32_0 : i32, i32, i32
  }
  func.func @transform_1(%arg0: i32) -> (i32, i32, i32) {
    %c1_i32 = arith.constant 1 : i32
    %c0_i32 = arith.constant 0 : i32
    %c0_i32_0 = arith.constant 0 : i32
    return %c1_i32, %arg0, %c0_i32 : i32, i32, i32
  }
  func.func @transform_2(%arg0: i32) -> (i32, i32) {
    %c0_i32 = arith.constant 0 : i32
    %c0_i32_0 = arith.constant 0 : i32
    return %arg0, %c0_i32 : i32, i32
  }
  func.func @transform_3(%arg0: i32) -> (i32, i32) {
    %c0_i32 = arith.constant 0 : i32
    %c0_i32_0 = arith.constant 0 : i32
    return %arg0, %c0_i32 : i32, i32
  }
  func.func @transform_4(%arg0: i32) -> (i32, i32, i32) {
    %c0_i32 = arith.constant 0 : i32
    %c0_i32_0 = arith.constant 0 : i32
    %c0_i32_1 = arith.constant 0 : i32
    return %c0_i32, %arg0, %c0_i32_0 : i32, i32, i32
  }
}

module attributes {stable_mosaic.version = 14 : i64} {
  func.func @_tc_big_body(%arg0: i32, %arg1: memref<1x1024x64xbf16, #tpu.memory_space<vmem>>, %arg2: memref<1x1024x64xbf16, #tpu.memory_space<vmem>>, %arg3: memref<1024x128xf32, #tpu.memory_space<vmem>>, %arg4: memref<1024x1xf32, #tpu.memory_space<vmem>>, %arg5: memref<128x768xbf16, #tpu.memory_space<vmem>>, %arg6: memref<1x768xf32, #tpu.memory_space<vmem>>, %arg7: memref<2x768xf32, #tpu.memory_space<vmem>>, %arg8: memref<2x768xf32, #tpu.memory_space<vmem>>, %arg9: memref<2x768x768xbf16, #tpu.memory_space<vmem>>, %arg10: memref<2x768xf32, #tpu.memory_space<vmem>>, %arg11: memref<2x768x768xbf16, #tpu.memory_space<vmem>>, %arg12: memref<2x768xf32, #tpu.memory_space<vmem>>, %arg13: memref<2x768xf32, #tpu.memory_space<vmem>>, %arg14: memref<2x768xf32, #tpu.memory_space<vmem>>, %arg15: memref<2x768x3072xbf16, #tpu.memory_space<vmem>>, %arg16: memref<2x3072xf32, #tpu.memory_space<vmem>>, %arg17: memref<2x3072x768xbf16, #tpu.memory_space<vmem>>, %arg18: memref<2x768xf32, #tpu.memory_space<vmem>>, %arg19: memref<768x64xbf16, #tpu.memory_space<vmem>>, %arg20: memref<2x1024x32xbf16, #tpu.memory_space<vmem>>) attributes {dimension_semantics = [#tpu.dimension_semantics<arbitrary>], iteration_bounds = array<i64: 10>, scalar_prefetch = 0 : i64, scratch_operands = 0 : i64, tpu.core_type = #tpu.core_type<tc>, window_params = [{transform_indices = @transform_0, window_bounds = array<i64: 1, 1024, 64>}, {transform_indices = @transform_1, window_bounds = array<i64: 1, 1024, 64>}, {transform_indices = @transform_2, window_bounds = array<i64: 1024, 128>}, {transform_indices = @transform_3, window_bounds = array<i64: 1024, 1>}, {pipeline_mode = #tpu.pipeline_mode<synchronous>, transform_indices = @transform_4, window_bounds = array<i64: 128, 768>}, {pipeline_mode = #tpu.pipeline_mode<synchronous>, transform_indices = @transform_5, window_bounds = array<i64: 1, 768>}, {pipeline_mode = #tpu.pipeline_mode<synchronous>, transform_indices = @transform_6, window_bounds = array<i64: 2, 768>}, {pipeline_mode = #tpu.pipeline_mode<synchronous>, transform_indices = @transform_7, window_bounds = array<i64: 2, 768>}, {pipeline_mode = #tpu.pipeline_mode<synchronous>, transform_indices = @transform_8, window_bounds = array<i64: 2, 768, 768>}, {pipeline_mode = #tpu.pipeline_mode<synchronous>, transform_indices = @transform_9, window_bounds = array<i64: 2, 768>}, {pipeline_mode = #tpu.pipeline_mode<synchronous>, transform_indices = @transform_10, window_bounds = array<i64: 2, 768, 768>}, {pipeline_mode = #tpu.pipeline_mode<synchronous>, transform_indices = @transform_11, window_bounds = array<i64: 2, 768>}, {pipeline_mode = #tpu.pipeline_mode<synchronous>, transform_indices = @transform_12, window_bounds = array<i64: 2, 768>}, {pipeline_mode = #tpu.pipeline_mode<synchronous>, transform_indices = @transform_13, window_bounds = array<i64: 2, 768>}, {pipeline_mode = #tpu.pipeline_mode<synchronous>, transform_indices = @transform_14, window_bounds = array<i64: 2, 768, 3072>}, {pipeline_mode = #tpu.pipeline_mode<synchronous>, transform_indices = @transform_15, window_bounds = array<i64: 2, 3072>}, {pipeline_mode = #tpu.pipeline_mode<synchronous>, transform_indices = @transform_16, window_bounds = array<i64: 2, 3072, 768>}, {pipeline_mode = #tpu.pipeline_mode<synchronous>, transform_indices = @transform_17, window_bounds = array<i64: 2, 768>}, {pipeline_mode = #tpu.pipeline_mode<synchronous>, transform_indices = @transform_18, window_bounds = array<i64: 768, 64>}, {transform_indices = @transform_19, window_bounds = array<i64: 2, 1024, 32>}]} {
    %get3A = arith.constant 0 : index
    %get3A_0 = arith.constant 0 : index
    %get3A_1 = vector.load %arg4[%get3A, %get3A_0] : memref<1024x1xf32, #tpu.memory_space<vmem>>, vector<1024x1xf32>
    %get3A_2 = arith.constant 0 : index
    %get3A_3 = arith.constant 0 : index
    %get3A_4 = arith.constant 0 : index
    %get3A_5 = vector.load %arg1[%get3A_2, %get3A_3, %get3A_4] : memref<1x1024x64xbf16, #tpu.memory_space<vmem>>, vector<1x1024x64xbf16>
    %get3A_6 = vector.shape_cast %get3A_5 : vector<1x1024x64xbf16> to vector<1024x64xbf16>
    %get3A_7 = arith.constant 0 : index
    %get3A_8 = arith.constant 0 : index
    %get3A_9 = arith.constant 0 : index
    %get3A_10 = vector.load %arg2[%get3A_7, %get3A_8, %get3A_9] : memref<1x1024x64xbf16, #tpu.memory_space<vmem>>, vector<1x1024x64xbf16>
    %get3A_11 = vector.shape_cast %get3A_10 : vector<1x1024x64xbf16> to vector<1024x64xbf16>
    %concatenate3A = tpu.concatenate %get3A_6, %get3A_11 in 1 : vector<1024x64xbf16>, vector<1024x64xbf16> -> vector<1024x128xbf16>
    %convert_element_type3A = arith.extf %concatenate3A : vector<1024x128xbf16> to vector<1024x128xf32>
    %mul3A = vector.broadcast %get3A_1 : vector<1024x1xf32> to vector<1024x128xf32>
    %mul3A_12 = arith.mulf %mul3A, %convert_element_type3A : vector<1024x128xf32>
    %mul3A_13 = arith.mulf %get3A_1, %get3A_1 : vector<1024x1xf32>
    %get3A_14 = arith.constant 0 : index
    %get3A_15 = arith.constant 0 : index
    %get3A_16 = vector.load %arg3[%get3A_14, %get3A_15] : memref<1024x128xf32, #tpu.memory_space<vmem>>, vector<1024x128xf32>
    %mul3A_17 = vector.broadcast %mul3A_13 : vector<1024x1xf32> to vector<1024x128xf32>
    %mul3A_18 = arith.mulf %mul3A_17, %get3A_16 : vector<1024x128xf32>
    %add3A = arith.addf %mul3A_12, %mul3A_18 : vector<1024x128xf32>
    %get3A_19 = arith.constant 0 : index
    %get3A_20 = arith.constant 0 : index
    %get3A_21 = vector.load %arg5[%get3A_19, %get3A_20] : memref<128x768xbf16, #tpu.memory_space<vmem>>, vector<128x768xbf16>
    %convert_element_type3A_22 = arith.truncf %add3A : vector<1024x128xf32> to vector<1024x128xbf16>
    %dot_general3A = arith.constant dense<0.000000e+00> : vector<1024x768xf32>
    %dot_general3A_23 = tpu.matmul %convert_element_type3A_22, %get3A_21, %dot_general3A {dimension_numbers = #tpu.dot_dimension_numbers<[1], [0], [0], [1], [0, 0, 1, 1], [], []>, transpose_lhs_hint = false} : vector<1024x128xbf16>, vector<128x768xbf16>, vector<1024x768xf32> -> vector<1024x768xf32>
    %get3A_24 = arith.constant 0 : index
    %get3A_25 = arith.constant 0 : index
    %get3A_26 = vector.load %arg6[%get3A_24, %get3A_25] : memref<1x768xf32, #tpu.memory_space<vmem>>, vector<1x768xf32>
    %add3A_27 = vector.broadcast %get3A_26 : vector<1x768xf32> to vector<1024x768xf32>
    %add3A_28 = arith.addf %dot_general3A_23, %add3A_27 : vector<1024x768xf32>
    %max3A = arith.constant 0.000000e+00 : f32
    %max3A_29 = vector.broadcast %max3A : f32 to vector<1024x768xf32>
    %max3A_30 = arith.maximumf %add3A_28, %max3A_29 : vector<1024x768xf32>
    %get3A_31 = arith.constant 0 : index
    %get3A_32 = arith.constant 0 : index
    %get3A_33 = vector.load %arg7[%get3A_31, %get3A_32] : memref<2x768xf32, #tpu.memory_space<vmem>>, vector<1x768xf32>
    %get3A_34 = vector.shape_cast %get3A_33 : vector<1x768xf32> to vector<768xf32>
    %get3A_35 = arith.constant 0 : index
    %get3A_36 = arith.constant 0 : index
    %get3A_37 = vector.load %arg8[%get3A_35, %get3A_36] : memref<2x768xf32, #tpu.memory_space<vmem>>, vector<1x768xf32>
    %get3A_38 = vector.shape_cast %get3A_37 : vector<1x768xf32> to vector<768xf32>
    %broadcast_in_dim3A = arith.constant 1.000000e+00 : bf16
    %broadcast_in_dim3A_39 = vector.broadcast %broadcast_in_dim3A : bf16 to vector<768x8xbf16>
    %convert_element_type3A_40 = arith.truncf %max3A_30 : vector<1024x768xf32> to vector<1024x768xbf16>
    %dot_general3A_41 = arith.constant dense<0.000000e+00> : vector<1024x8xf32>
    %dot_general3A_42 = tpu.matmul %convert_element_type3A_40, %broadcast_in_dim3A_39, %dot_general3A_41 {dimension_numbers = #tpu.dot_dimension_numbers<[1], [0], [0], [1], [0, 0, 1, 1], [], []>, transpose_lhs_hint = false} : vector<1024x768xbf16>, vector<768x8xbf16>, vector<1024x8xf32> -> vector<1024x8xf32>
    %slice3A = vector.extract_strided_slice %dot_general3A_42 {offsets = [0, 0], sizes = [1024, 1], strides = [1, 1]} : vector<1024x8xf32> to vector<1024x1xf32>
    %div3A = arith.constant 7.680000e+02 : f32
    %div3A_43 = vector.broadcast %div3A : f32 to vector<1024x1xf32>
    %div3A_44 = arith.divf %slice3A, %div3A_43 : vector<1024x1xf32>
    %sub3A = vector.broadcast %div3A_44 : vector<1024x1xf32> to vector<1024x768xf32>
    %sub3A_45 = arith.subf %max3A_30, %sub3A : vector<1024x768xf32>
    %convert_element_type3A_46 = arith.truncf %sub3A_45 : vector<1024x768xf32> to vector<1024x768xbf16>
    %mul3A_47 = arith.mulf %convert_element_type3A_46, %convert_element_type3A_46 : vector<1024x768xbf16>
    %dot_general3A_48 = arith.constant dense<0.000000e+00> : vector<1024x8xf32>
    %dot_general3A_49 = tpu.matmul %mul3A_47, %broadcast_in_dim3A_39, %dot_general3A_48 {dimension_numbers = #tpu.dot_dimension_numbers<[1], [0], [0], [1], [0, 0, 1, 1], [], []>, transpose_lhs_hint = false} : vector<1024x768xbf16>, vector<768x8xbf16>, vector<1024x8xf32> -> vector<1024x8xf32>
    %slice3A_50 = vector.extract_strided_slice %dot_general3A_49 {offsets = [0, 0], sizes = [1024, 1], strides = [1, 1]} : vector<1024x8xf32> to vector<1024x1xf32>
    %div3A_51 = arith.constant 7.680000e+02 : f32
    %div3A_52 = vector.broadcast %div3A_51 : f32 to vector<1024x1xf32>
    %div3A_53 = arith.divf %slice3A_50, %div3A_52 : vector<1024x1xf32>
    %add3A_54 = arith.constant 9.99999974E-6 : f32
    %add3A_55 = vector.broadcast %add3A_54 : f32 to vector<1024x1xf32>
    %add3A_56 = arith.addf %div3A_53, %add3A_55 : vector<1024x1xf32>
    %rsqrt3A = math.rsqrt %add3A_56 : vector<1024x1xf32>
    %mul3A_57 = vector.broadcast %rsqrt3A : vector<1024x1xf32> to vector<1024x768xf32>
    %mul3A_58 = arith.mulf %sub3A_45, %mul3A_57 : vector<1024x768xf32>
    %broadcast_in_dim3A_59 = vector.shape_cast %get3A_34 : vector<768xf32> to vector<1x768xf32>
    %mul3A_60 = vector.broadcast %broadcast_in_dim3A_59 : vector<1x768xf32> to vector<1024x768xf32>
    %mul3A_61 = arith.mulf %mul3A_58, %mul3A_60 : vector<1024x768xf32>
    %broadcast_in_dim3A_62 = vector.shape_cast %get3A_38 : vector<768xf32> to vector<1x768xf32>
    %add3A_63 = vector.broadcast %broadcast_in_dim3A_62 : vector<1x768xf32> to vector<1024x768xf32>
    %add3A_64 = arith.addf %mul3A_61, %add3A_63 : vector<1024x768xf32>
    %get3A_65 = arith.constant 0 : index
    %get3A_66 = arith.constant 0 : index
    %get3A_67 = arith.constant 0 : index
    %get3A_68 = vector.load %arg9[%get3A_65, %get3A_66, %get3A_67] : memref<2x768x768xbf16, #tpu.memory_space<vmem>>, vector<1x768x768xbf16>
    %get3A_69 = vector.shape_cast %get3A_68 : vector<1x768x768xbf16> to vector<768x768xbf16>
    %convert_element_type3A_70 = arith.truncf %add3A_64 : vector<1024x768xf32> to vector<1024x768xbf16>
    %dot_general3A_71 = arith.constant dense<0.000000e+00> : vector<1024x768xf32>
    %dot_general3A_72 = tpu.matmul %convert_element_type3A_70, %get3A_69, %dot_general3A_71 {dimension_numbers = #tpu.dot_dimension_numbers<[1], [0], [0], [1], [0, 0, 1, 1], [], []>, transpose_lhs_hint = false} : vector<1024x768xbf16>, vector<768x768xbf16>, vector<1024x768xf32> -> vector<1024x768xf32>
    %get3A_73 = arith.constant 0 : index
    %get3A_74 = arith.constant 0 : index
    %get3A_75 = vector.load %arg10[%get3A_73, %get3A_74] : memref<2x768xf32, #tpu.memory_space<vmem>>, vector<1x768xf32>
    %get3A_76 = vector.shape_cast %get3A_75 : vector<1x768xf32> to vector<768xf32>
    %broadcast_in_dim3A_77 = vector.shape_cast %get3A_76 : vector<768xf32> to vector<1x768xf32>
    %add3A_78 = vector.broadcast %broadcast_in_dim3A_77 : vector<1x768xf32> to vector<1024x768xf32>
    %add3A_79 = arith.addf %dot_general3A_72, %add3A_78 : vector<1024x768xf32>
    %get3A_80 = arith.constant 0 : index
    %get3A_81 = arith.constant 0 : index
    %get3A_82 = arith.constant 0 : index
    %get3A_83 = vector.load %arg11[%get3A_80, %get3A_81, %get3A_82] : memref<2x768x768xbf16, #tpu.memory_space<vmem>>, vector<1x768x768xbf16>
    %get3A_84 = vector.shape_cast %get3A_83 : vector<1x768x768xbf16> to vector<768x768xbf16>
    %convert_element_type3A_85 = arith.truncf %add3A_79 : vector<1024x768xf32> to vector<1024x768xbf16>
    %dot_general3A_86 = arith.constant dense<0.000000e+00> : vector<1024x768xf32>
    %dot_general3A_87 = tpu.matmul %convert_element_type3A_85, %get3A_84, %dot_general3A_86 {dimension_numbers = #tpu.dot_dimension_numbers<[1], [0], [0], [1], [0, 0, 1, 1], [], []>, transpose_lhs_hint = false} : vector<1024x768xbf16>, vector<768x768xbf16>, vector<1024x768xf32> -> vector<1024x768xf32>
    %add3A_88 = arith.addf %max3A_30, %dot_general3A_87 : vector<1024x768xf32>
    %get3A_89 = arith.constant 0 : index
    %get3A_90 = arith.constant 0 : index
    %get3A_91 = vector.load %arg12[%get3A_89, %get3A_90] : memref<2x768xf32, #tpu.memory_space<vmem>>, vector<1x768xf32>
    %get3A_92 = vector.shape_cast %get3A_91 : vector<1x768xf32> to vector<768xf32>
    %broadcast_in_dim3A_93 = vector.shape_cast %get3A_92 : vector<768xf32> to vector<1x768xf32>
    %add3A_94 = vector.broadcast %broadcast_in_dim3A_93 : vector<1x768xf32> to vector<1024x768xf32>
    %add3A_95 = arith.addf %add3A_88, %add3A_94 : vector<1024x768xf32>
    %get3A_96 = arith.constant 0 : index
    %get3A_97 = arith.constant 0 : index
    %get3A_98 = vector.load %arg13[%get3A_96, %get3A_97] : memref<2x768xf32, #tpu.memory_space<vmem>>, vector<1x768xf32>
    %get3A_99 = vector.shape_cast %get3A_98 : vector<1x768xf32> to vector<768xf32>
    %get3A_100 = arith.constant 0 : index
    %get3A_101 = arith.constant 0 : index
    %get3A_102 = vector.load %arg14[%get3A_100, %get3A_101] : memref<2x768xf32, #tpu.memory_space<vmem>>, vector<1x768xf32>
    %get3A_103 = vector.shape_cast %get3A_102 : vector<1x768xf32> to vector<768xf32>
    %broadcast_in_dim3A_104 = arith.constant 1.000000e+00 : bf16
    %broadcast_in_dim3A_105 = vector.broadcast %broadcast_in_dim3A_104 : bf16 to vector<768x8xbf16>
    %convert_element_type3A_106 = arith.truncf %add3A_95 : vector<1024x768xf32> to vector<1024x768xbf16>
    %dot_general3A_107 = arith.constant dense<0.000000e+00> : vector<1024x8xf32>
    %dot_general3A_108 = tpu.matmul %convert_element_type3A_106, %broadcast_in_dim3A_105, %dot_general3A_107 {dimension_numbers = #tpu.dot_dimension_numbers<[1], [0], [0], [1], [0, 0, 1, 1], [], []>, transpose_lhs_hint = false} : vector<1024x768xbf16>, vector<768x8xbf16>, vector<1024x8xf32> -> vector<1024x8xf32>
    %slice3A_109 = vector.extract_strided_slice %dot_general3A_108 {offsets = [0, 0], sizes = [1024, 1], strides = [1, 1]} : vector<1024x8xf32> to vector<1024x1xf32>
    %div3A_110 = arith.constant 7.680000e+02 : f32
    %div3A_111 = vector.broadcast %div3A_110 : f32 to vector<1024x1xf32>
    %div3A_112 = arith.divf %slice3A_109, %div3A_111 : vector<1024x1xf32>
    %sub3A_113 = vector.broadcast %div3A_112 : vector<1024x1xf32> to vector<1024x768xf32>
    %sub3A_114 = arith.subf %add3A_95, %sub3A_113 : vector<1024x768xf32>
    %convert_element_type3A_115 = arith.truncf %sub3A_114 : vector<1024x768xf32> to vector<1024x768xbf16>
    %mul3A_116 = arith.mulf %convert_element_type3A_115, %convert_element_type3A_115 : vector<1024x768xbf16>
    %dot_general3A_117 = arith.constant dense<0.000000e+00> : vector<1024x8xf32>
    %dot_general3A_118 = tpu.matmul %mul3A_116, %broadcast_in_dim3A_105, %dot_general3A_117 {dimension_numbers = #tpu.dot_dimension_numbers<[1], [0], [0], [1], [0, 0, 1, 1], [], []>, transpose_lhs_hint = false} : vector<1024x768xbf16>, vector<768x8xbf16>, vector<1024x8xf32> -> vector<1024x8xf32>
    %slice3A_119 = vector.extract_strided_slice %dot_general3A_118 {offsets = [0, 0], sizes = [1024, 1], strides = [1, 1]} : vector<1024x8xf32> to vector<1024x1xf32>
    %div3A_120 = arith.constant 7.680000e+02 : f32
    %div3A_121 = vector.broadcast %div3A_120 : f32 to vector<1024x1xf32>
    %div3A_122 = arith.divf %slice3A_119, %div3A_121 : vector<1024x1xf32>
    %add3A_123 = arith.constant 9.99999974E-6 : f32
    %add3A_124 = vector.broadcast %add3A_123 : f32 to vector<1024x1xf32>
    %add3A_125 = arith.addf %div3A_122, %add3A_124 : vector<1024x1xf32>
    %rsqrt3A_126 = math.rsqrt %add3A_125 : vector<1024x1xf32>
    %mul3A_127 = vector.broadcast %rsqrt3A_126 : vector<1024x1xf32> to vector<1024x768xf32>
    %mul3A_128 = arith.mulf %sub3A_114, %mul3A_127 : vector<1024x768xf32>
    %broadcast_in_dim3A_129 = vector.shape_cast %get3A_99 : vector<768xf32> to vector<1x768xf32>
    %mul3A_130 = vector.broadcast %broadcast_in_dim3A_129 : vector<1x768xf32> to vector<1024x768xf32>
    %mul3A_131 = arith.mulf %mul3A_128, %mul3A_130 : vector<1024x768xf32>
    %broadcast_in_dim3A_132 = vector.shape_cast %get3A_103 : vector<768xf32> to vector<1x768xf32>
    %add3A_133 = vector.broadcast %broadcast_in_dim3A_132 : vector<1x768xf32> to vector<1024x768xf32>
    %add3A_134 = arith.addf %mul3A_131, %add3A_133 : vector<1024x768xf32>
    %get3A_135 = arith.constant 0 : index
    %get3A_136 = arith.constant 0 : index
    %get3A_137 = arith.constant 0 : index
    %get3A_138 = vector.load %arg15[%get3A_135, %get3A_136, %get3A_137] : memref<2x768x3072xbf16, #tpu.memory_space<vmem>>, vector<1x768x3072xbf16>
    %get3A_139 = vector.shape_cast %get3A_138 : vector<1x768x3072xbf16> to vector<768x3072xbf16>
    %convert_element_type3A_140 = arith.truncf %add3A_134 : vector<1024x768xf32> to vector<1024x768xbf16>
    %dot_general3A_141 = arith.constant dense<0.000000e+00> : vector<1024x3072xf32>
    %dot_general3A_142 = tpu.matmul %convert_element_type3A_140, %get3A_139, %dot_general3A_141 {dimension_numbers = #tpu.dot_dimension_numbers<[1], [0], [0], [1], [0, 0, 1, 1], [], []>, transpose_lhs_hint = false} : vector<1024x768xbf16>, vector<768x3072xbf16>, vector<1024x3072xf32> -> vector<1024x3072xf32>
    %get3A_143 = arith.constant 0 : index
    %get3A_144 = arith.constant 0 : index
    %get3A_145 = vector.load %arg16[%get3A_143, %get3A_144] : memref<2x3072xf32, #tpu.memory_space<vmem>>, vector<1x3072xf32>
    %get3A_146 = vector.shape_cast %get3A_145 : vector<1x3072xf32> to vector<3072xf32>
    %broadcast_in_dim3A_147 = vector.shape_cast %get3A_146 : vector<3072xf32> to vector<1x3072xf32>
    %add3A_148 = vector.broadcast %broadcast_in_dim3A_147 : vector<1x3072xf32> to vector<1024x3072xf32>
    %add3A_149 = arith.addf %dot_general3A_142, %add3A_148 : vector<1024x3072xf32>
    %convert_element_type3A_150 = arith.truncf %add3A_149 : vector<1024x3072xf32> to vector<1024x3072xbf16>
    %mul3A_151 = arith.constant 5.000000e-01 : bf16
    %mul3A_152 = vector.broadcast %mul3A_151 : bf16 to vector<1024x3072xbf16>
    %mul3A_153 = arith.mulf %mul3A_152, %convert_element_type3A_150 : vector<1024x3072xbf16>
    %mul3A_154 = arith.constant 4.467770e-02 : bf16
    %mul3A_155 = vector.broadcast %mul3A_154 : bf16 to vector<1024x3072xbf16>
    %mul3A_156 = arith.mulf %mul3A_155, %convert_element_type3A_150 : vector<1024x3072xbf16>
    %mul3A_157 = arith.mulf %mul3A_156, %convert_element_type3A_150 : vector<1024x3072xbf16>
    %mul3A_158 = arith.mulf %mul3A_157, %convert_element_type3A_150 : vector<1024x3072xbf16>
    %add3A_159 = arith.addf %convert_element_type3A_150, %mul3A_158 : vector<1024x3072xbf16>
    %mul3A_160 = arith.constant 7.968750e-01 : bf16
    %mul3A_161 = vector.broadcast %mul3A_160 : bf16 to vector<1024x3072xbf16>
    %mul3A_162 = arith.mulf %mul3A_161, %add3A_159 : vector<1024x3072xbf16>
    %tanh3A = math.tanh %mul3A_162 : vector<1024x3072xbf16>
    %add3A_163 = arith.constant 1.000000e+00 : bf16
    %add3A_164 = vector.broadcast %add3A_163 : bf16 to vector<1024x3072xbf16>
    %add3A_165 = arith.addf %add3A_164, %tanh3A : vector<1024x3072xbf16>
    %mul3A_166 = arith.mulf %mul3A_153, %add3A_165 : vector<1024x3072xbf16>
    %get3A_167 = arith.constant 0 : index
    %get3A_168 = arith.constant 0 : index
    %get3A_169 = arith.constant 0 : index
    %get3A_170 = vector.load %arg17[%get3A_167, %get3A_168, %get3A_169] : memref<2x3072x768xbf16, #tpu.memory_space<vmem>>, vector<1x3072x768xbf16>
    %get3A_171 = vector.shape_cast %get3A_170 : vector<1x3072x768xbf16> to vector<3072x768xbf16>
    %dot_general3A_172 = arith.constant dense<0.000000e+00> : vector<1024x768xf32>
    %dot_general3A_173 = tpu.matmul %mul3A_166, %get3A_171, %dot_general3A_172 {dimension_numbers = #tpu.dot_dimension_numbers<[1], [0], [0], [1], [0, 0, 1, 1], [], []>, transpose_lhs_hint = false} : vector<1024x3072xbf16>, vector<3072x768xbf16>, vector<1024x768xf32> -> vector<1024x768xf32>
    %add3A_174 = arith.addf %add3A_95, %dot_general3A_173 : vector<1024x768xf32>
    %get3A_175 = arith.constant 0 : index
    %get3A_176 = arith.constant 0 : index
    %get3A_177 = vector.load %arg18[%get3A_175, %get3A_176] : memref<2x768xf32, #tpu.memory_space<vmem>>, vector<1x768xf32>
    %get3A_178 = vector.shape_cast %get3A_177 : vector<1x768xf32> to vector<768xf32>
    %broadcast_in_dim3A_179 = vector.shape_cast %get3A_178 : vector<768xf32> to vector<1x768xf32>
    %add3A_180 = vector.broadcast %broadcast_in_dim3A_179 : vector<1x768xf32> to vector<1024x768xf32>
    %add3A_181 = arith.addf %add3A_174, %add3A_180 : vector<1024x768xf32>
    %get3A_182 = arith.constant 1 : index
    %get3A_183 = arith.constant 0 : index
    %get3A_184 = vector.load %arg7[%get3A_182, %get3A_183] : memref<2x768xf32, #tpu.memory_space<vmem>>, vector<1x768xf32>
    %get3A_185 = vector.shape_cast %get3A_184 : vector<1x768xf32> to vector<768xf32>
    %get3A_186 = arith.constant 1 : index
    %get3A_187 = arith.constant 0 : index
    %get3A_188 = vector.load %arg8[%get3A_186, %get3A_187] : memref<2x768xf32, #tpu.memory_space<vmem>>, vector<1x768xf32>
    %get3A_189 = vector.shape_cast %get3A_188 : vector<1x768xf32> to vector<768xf32>
    %broadcast_in_dim3A_190 = arith.constant 1.000000e+00 : bf16
    %broadcast_in_dim3A_191 = vector.broadcast %broadcast_in_dim3A_190 : bf16 to vector<768x8xbf16>
    %convert_element_type3A_192 = arith.truncf %add3A_181 : vector<1024x768xf32> to vector<1024x768xbf16>
    %dot_general3A_193 = arith.constant dense<0.000000e+00> : vector<1024x8xf32>
    %dot_general3A_194 = tpu.matmul %convert_element_type3A_192, %broadcast_in_dim3A_191, %dot_general3A_193 {dimension_numbers = #tpu.dot_dimension_numbers<[1], [0], [0], [1], [0, 0, 1, 1], [], []>, transpose_lhs_hint = false} : vector<1024x768xbf16>, vector<768x8xbf16>, vector<1024x8xf32> -> vector<1024x8xf32>
    %slice3A_195 = vector.extract_strided_slice %dot_general3A_194 {offsets = [0, 0], sizes = [1024, 1], strides = [1, 1]} : vector<1024x8xf32> to vector<1024x1xf32>
    %div3A_196 = arith.constant 7.680000e+02 : f32
    %div3A_197 = vector.broadcast %div3A_196 : f32 to vector<1024x1xf32>
    %div3A_198 = arith.divf %slice3A_195, %div3A_197 : vector<1024x1xf32>
    %sub3A_199 = vector.broadcast %div3A_198 : vector<1024x1xf32> to vector<1024x768xf32>
    %sub3A_200 = arith.subf %add3A_181, %sub3A_199 : vector<1024x768xf32>
    %convert_element_type3A_201 = arith.truncf %sub3A_200 : vector<1024x768xf32> to vector<1024x768xbf16>
    %mul3A_202 = arith.mulf %convert_element_type3A_201, %convert_element_type3A_201 : vector<1024x768xbf16>
    %dot_general3A_203 = arith.constant dense<0.000000e+00> : vector<1024x8xf32>
    %dot_general3A_204 = tpu.matmul %mul3A_202, %broadcast_in_dim3A_191, %dot_general3A_203 {dimension_numbers = #tpu.dot_dimension_numbers<[1], [0], [0], [1], [0, 0, 1, 1], [], []>, transpose_lhs_hint = false} : vector<1024x768xbf16>, vector<768x8xbf16>, vector<1024x8xf32> -> vector<1024x8xf32>
    %slice3A_205 = vector.extract_strided_slice %dot_general3A_204 {offsets = [0, 0], sizes = [1024, 1], strides = [1, 1]} : vector<1024x8xf32> to vector<1024x1xf32>
    %div3A_206 = arith.constant 7.680000e+02 : f32
    %div3A_207 = vector.broadcast %div3A_206 : f32 to vector<1024x1xf32>
    %div3A_208 = arith.divf %slice3A_205, %div3A_207 : vector<1024x1xf32>
    %add3A_209 = arith.constant 9.99999974E-6 : f32
    %add3A_210 = vector.broadcast %add3A_209 : f32 to vector<1024x1xf32>
    %add3A_211 = arith.addf %div3A_208, %add3A_210 : vector<1024x1xf32>
    %rsqrt3A_212 = math.rsqrt %add3A_211 : vector<1024x1xf32>
    %mul3A_213 = vector.broadcast %rsqrt3A_212 : vector<1024x1xf32> to vector<1024x768xf32>
    %mul3A_214 = arith.mulf %sub3A_200, %mul3A_213 : vector<1024x768xf32>
    %broadcast_in_dim3A_215 = vector.shape_cast %get3A_185 : vector<768xf32> to vector<1x768xf32>
    %mul3A_216 = vector.broadcast %broadcast_in_dim3A_215 : vector<1x768xf32> to vector<1024x768xf32>
    %mul3A_217 = arith.mulf %mul3A_214, %mul3A_216 : vector<1024x768xf32>
    %broadcast_in_dim3A_218 = vector.shape_cast %get3A_189 : vector<768xf32> to vector<1x768xf32>
    %add3A_219 = vector.broadcast %broadcast_in_dim3A_218 : vector<1x768xf32> to vector<1024x768xf32>
    %add3A_220 = arith.addf %mul3A_217, %add3A_219 : vector<1024x768xf32>
    %get3A_221 = arith.constant 1 : index
    %get3A_222 = arith.constant 0 : index
    %get3A_223 = arith.constant 0 : index
    %get3A_224 = vector.load %arg9[%get3A_221, %get3A_222, %get3A_223] : memref<2x768x768xbf16, #tpu.memory_space<vmem>>, vector<1x768x768xbf16>
    %get3A_225 = vector.shape_cast %get3A_224 : vector<1x768x768xbf16> to vector<768x768xbf16>
    %convert_element_type3A_226 = arith.truncf %add3A_220 : vector<1024x768xf32> to vector<1024x768xbf16>
    %dot_general3A_227 = arith.constant dense<0.000000e+00> : vector<1024x768xf32>
    %dot_general3A_228 = tpu.matmul %convert_element_type3A_226, %get3A_225, %dot_general3A_227 {dimension_numbers = #tpu.dot_dimension_numbers<[1], [0], [0], [1], [0, 0, 1, 1], [], []>, transpose_lhs_hint = false} : vector<1024x768xbf16>, vector<768x768xbf16>, vector<1024x768xf32> -> vector<1024x768xf32>
    %get3A_229 = arith.constant 1 : index
    %get3A_230 = arith.constant 0 : index
    %get3A_231 = vector.load %arg10[%get3A_229, %get3A_230] : memref<2x768xf32, #tpu.memory_space<vmem>>, vector<1x768xf32>
    %get3A_232 = vector.shape_cast %get3A_231 : vector<1x768xf32> to vector<768xf32>
    %broadcast_in_dim3A_233 = vector.shape_cast %get3A_232 : vector<768xf32> to vector<1x768xf32>
    %add3A_234 = vector.broadcast %broadcast_in_dim3A_233 : vector<1x768xf32> to vector<1024x768xf32>
    %add3A_235 = arith.addf %dot_general3A_228, %add3A_234 : vector<1024x768xf32>
    %get3A_236 = arith.constant 1 : index
    %get3A_237 = arith.constant 0 : index
    %get3A_238 = arith.constant 0 : index
    %get3A_239 = vector.load %arg11[%get3A_236, %get3A_237, %get3A_238] : memref<2x768x768xbf16, #tpu.memory_space<vmem>>, vector<1x768x768xbf16>
    %get3A_240 = vector.shape_cast %get3A_239 : vector<1x768x768xbf16> to vector<768x768xbf16>
    %convert_element_type3A_241 = arith.truncf %add3A_235 : vector<1024x768xf32> to vector<1024x768xbf16>
    %dot_general3A_242 = arith.constant dense<0.000000e+00> : vector<1024x768xf32>
    %dot_general3A_243 = tpu.matmul %convert_element_type3A_241, %get3A_240, %dot_general3A_242 {dimension_numbers = #tpu.dot_dimension_numbers<[1], [0], [0], [1], [0, 0, 1, 1], [], []>, transpose_lhs_hint = false} : vector<1024x768xbf16>, vector<768x768xbf16>, vector<1024x768xf32> -> vector<1024x768xf32>
    %add3A_244 = arith.addf %add3A_181, %dot_general3A_243 : vector<1024x768xf32>
    %get3A_245 = arith.constant 1 : index
    %get3A_246 = arith.constant 0 : index
    %get3A_247 = vector.load %arg12[%get3A_245, %get3A_246] : memref<2x768xf32, #tpu.memory_space<vmem>>, vector<1x768xf32>
    %get3A_248 = vector.shape_cast %get3A_247 : vector<1x768xf32> to vector<768xf32>
    %broadcast_in_dim3A_249 = vector.shape_cast %get3A_248 : vector<768xf32> to vector<1x768xf32>
    %add3A_250 = vector.broadcast %broadcast_in_dim3A_249 : vector<1x768xf32> to vector<1024x768xf32>
    %add3A_251 = arith.addf %add3A_244, %add3A_250 : vector<1024x768xf32>
    %get3A_252 = arith.constant 1 : index
    %get3A_253 = arith.constant 0 : index
    %get3A_254 = vector.load %arg13[%get3A_252, %get3A_253] : memref<2x768xf32, #tpu.memory_space<vmem>>, vector<1x768xf32>
    %get3A_255 = vector.shape_cast %get3A_254 : vector<1x768xf32> to vector<768xf32>
    %get3A_256 = arith.constant 1 : index
    %get3A_257 = arith.constant 0 : index
    %get3A_258 = vector.load %arg14[%get3A_256, %get3A_257] : memref<2x768xf32, #tpu.memory_space<vmem>>, vector<1x768xf32>
    %get3A_259 = vector.shape_cast %get3A_258 : vector<1x768xf32> to vector<768xf32>
    %broadcast_in_dim3A_260 = arith.constant 1.000000e+00 : bf16
    %broadcast_in_dim3A_261 = vector.broadcast %broadcast_in_dim3A_260 : bf16 to vector<768x8xbf16>
    %convert_element_type3A_262 = arith.truncf %add3A_251 : vector<1024x768xf32> to vector<1024x768xbf16>
    %dot_general3A_263 = arith.constant dense<0.000000e+00> : vector<1024x8xf32>
    %dot_general3A_264 = tpu.matmul %convert_element_type3A_262, %broadcast_in_dim3A_261, %dot_general3A_263 {dimension_numbers = #tpu.dot_dimension_numbers<[1], [0], [0], [1], [0, 0, 1, 1], [], []>, transpose_lhs_hint = false} : vector<1024x768xbf16>, vector<768x8xbf16>, vector<1024x8xf32> -> vector<1024x8xf32>
    %slice3A_265 = vector.extract_strided_slice %dot_general3A_264 {offsets = [0, 0], sizes = [1024, 1], strides = [1, 1]} : vector<1024x8xf32> to vector<1024x1xf32>
    %div3A_266 = arith.constant 7.680000e+02 : f32
    %div3A_267 = vector.broadcast %div3A_266 : f32 to vector<1024x1xf32>
    %div3A_268 = arith.divf %slice3A_265, %div3A_267 : vector<1024x1xf32>
    %sub3A_269 = vector.broadcast %div3A_268 : vector<1024x1xf32> to vector<1024x768xf32>
    %sub3A_270 = arith.subf %add3A_251, %sub3A_269 : vector<1024x768xf32>
    %convert_element_type3A_271 = arith.truncf %sub3A_270 : vector<1024x768xf32> to vector<1024x768xbf16>
    %mul3A_272 = arith.mulf %convert_element_type3A_271, %convert_element_type3A_271 : vector<1024x768xbf16>
    %dot_general3A_273 = arith.constant dense<0.000000e+00> : vector<1024x8xf32>
    %dot_general3A_274 = tpu.matmul %mul3A_272, %broadcast_in_dim3A_261, %dot_general3A_273 {dimension_numbers = #tpu.dot_dimension_numbers<[1], [0], [0], [1], [0, 0, 1, 1], [], []>, transpose_lhs_hint = false} : vector<1024x768xbf16>, vector<768x8xbf16>, vector<1024x8xf32> -> vector<1024x8xf32>
    %slice3A_275 = vector.extract_strided_slice %dot_general3A_274 {offsets = [0, 0], sizes = [1024, 1], strides = [1, 1]} : vector<1024x8xf32> to vector<1024x1xf32>
    %div3A_276 = arith.constant 7.680000e+02 : f32
    %div3A_277 = vector.broadcast %div3A_276 : f32 to vector<1024x1xf32>
    %div3A_278 = arith.divf %slice3A_275, %div3A_277 : vector<1024x1xf32>
    %add3A_279 = arith.constant 9.99999974E-6 : f32
    %add3A_280 = vector.broadcast %add3A_279 : f32 to vector<1024x1xf32>
    %add3A_281 = arith.addf %div3A_278, %add3A_280 : vector<1024x1xf32>
    %rsqrt3A_282 = math.rsqrt %add3A_281 : vector<1024x1xf32>
    %mul3A_283 = vector.broadcast %rsqrt3A_282 : vector<1024x1xf32> to vector<1024x768xf32>
    %mul3A_284 = arith.mulf %sub3A_270, %mul3A_283 : vector<1024x768xf32>
    %broadcast_in_dim3A_285 = vector.shape_cast %get3A_255 : vector<768xf32> to vector<1x768xf32>
    %mul3A_286 = vector.broadcast %broadcast_in_dim3A_285 : vector<1x768xf32> to vector<1024x768xf32>
    %mul3A_287 = arith.mulf %mul3A_284, %mul3A_286 : vector<1024x768xf32>
    %broadcast_in_dim3A_288 = vector.shape_cast %get3A_259 : vector<768xf32> to vector<1x768xf32>
    %add3A_289 = vector.broadcast %broadcast_in_dim3A_288 : vector<1x768xf32> to vector<1024x768xf32>
    %add3A_290 = arith.addf %mul3A_287, %add3A_289 : vector<1024x768xf32>
    %get3A_291 = arith.constant 1 : index
    %get3A_292 = arith.constant 0 : index
    %get3A_293 = arith.constant 0 : index
    %get3A_294 = vector.load %arg15[%get3A_291, %get3A_292, %get3A_293] : memref<2x768x3072xbf16, #tpu.memory_space<vmem>>, vector<1x768x3072xbf16>
    %get3A_295 = vector.shape_cast %get3A_294 : vector<1x768x3072xbf16> to vector<768x3072xbf16>
    %convert_element_type3A_296 = arith.truncf %add3A_290 : vector<1024x768xf32> to vector<1024x768xbf16>
    %dot_general3A_297 = arith.constant dense<0.000000e+00> : vector<1024x3072xf32>
    %dot_general3A_298 = tpu.matmul %convert_element_type3A_296, %get3A_295, %dot_general3A_297 {dimension_numbers = #tpu.dot_dimension_numbers<[1], [0], [0], [1], [0, 0, 1, 1], [], []>, transpose_lhs_hint = false} : vector<1024x768xbf16>, vector<768x3072xbf16>, vector<1024x3072xf32> -> vector<1024x3072xf32>
    %get3A_299 = arith.constant 1 : index
    %get3A_300 = arith.constant 0 : index
    %get3A_301 = vector.load %arg16[%get3A_299, %get3A_300] : memref<2x3072xf32, #tpu.memory_space<vmem>>, vector<1x3072xf32>
    %get3A_302 = vector.shape_cast %get3A_301 : vector<1x3072xf32> to vector<3072xf32>
    %broadcast_in_dim3A_303 = vector.shape_cast %get3A_302 : vector<3072xf32> to vector<1x3072xf32>
    %add3A_304 = vector.broadcast %broadcast_in_dim3A_303 : vector<1x3072xf32> to vector<1024x3072xf32>
    %add3A_305 = arith.addf %dot_general3A_298, %add3A_304 : vector<1024x3072xf32>
    %convert_element_type3A_306 = arith.truncf %add3A_305 : vector<1024x3072xf32> to vector<1024x3072xbf16>
    %mul3A_307 = arith.constant 5.000000e-01 : bf16
    %mul3A_308 = vector.broadcast %mul3A_307 : bf16 to vector<1024x3072xbf16>
    %mul3A_309 = arith.mulf %mul3A_308, %convert_element_type3A_306 : vector<1024x3072xbf16>
    %mul3A_310 = arith.constant 4.467770e-02 : bf16
    %mul3A_311 = vector.broadcast %mul3A_310 : bf16 to vector<1024x3072xbf16>
    %mul3A_312 = arith.mulf %mul3A_311, %convert_element_type3A_306 : vector<1024x3072xbf16>
    %mul3A_313 = arith.mulf %mul3A_312, %convert_element_type3A_306 : vector<1024x3072xbf16>
    %mul3A_314 = arith.mulf %mul3A_313, %convert_element_type3A_306 : vector<1024x3072xbf16>
    %add3A_315 = arith.addf %convert_element_type3A_306, %mul3A_314 : vector<1024x3072xbf16>
    %mul3A_316 = arith.constant 7.968750e-01 : bf16
    %mul3A_317 = vector.broadcast %mul3A_316 : bf16 to vector<1024x3072xbf16>
    %mul3A_318 = arith.mulf %mul3A_317, %add3A_315 : vector<1024x3072xbf16>
    %tanh3A_319 = math.tanh %mul3A_318 : vector<1024x3072xbf16>
    %add3A_320 = arith.constant 1.000000e+00 : bf16
    %add3A_321 = vector.broadcast %add3A_320 : bf16 to vector<1024x3072xbf16>
    %add3A_322 = arith.addf %add3A_321, %tanh3A_319 : vector<1024x3072xbf16>
    %mul3A_323 = arith.mulf %mul3A_309, %add3A_322 : vector<1024x3072xbf16>
    %get3A_324 = arith.constant 1 : index
    %get3A_325 = arith.constant 0 : index
    %get3A_326 = arith.constant 0 : index
    %get3A_327 = vector.load %arg17[%get3A_324, %get3A_325, %get3A_326] : memref<2x3072x768xbf16, #tpu.memory_space<vmem>>, vector<1x3072x768xbf16>
    %get3A_328 = vector.shape_cast %get3A_327 : vector<1x3072x768xbf16> to vector<3072x768xbf16>
    %dot_general3A_329 = arith.constant dense<0.000000e+00> : vector<1024x768xf32>
    %dot_general3A_330 = tpu.matmul %mul3A_323, %get3A_328, %dot_general3A_329 {dimension_numbers = #tpu.dot_dimension_numbers<[1], [0], [0], [1], [0, 0, 1, 1], [], []>, transpose_lhs_hint = false} : vector<1024x3072xbf16>, vector<3072x768xbf16>, vector<1024x768xf32> -> vector<1024x768xf32>
    %add3A_331 = arith.addf %add3A_251, %dot_general3A_330 : vector<1024x768xf32>
    %get3A_332 = arith.constant 1 : index
    %get3A_333 = arith.constant 0 : index
    %get3A_334 = vector.load %arg18[%get3A_332, %get3A_333] : memref<2x768xf32, #tpu.memory_space<vmem>>, vector<1x768xf32>
    %get3A_335 = vector.shape_cast %get3A_334 : vector<1x768xf32> to vector<768xf32>
    %broadcast_in_dim3A_336 = vector.shape_cast %get3A_335 : vector<768xf32> to vector<1x768xf32>
    %add3A_337 = vector.broadcast %broadcast_in_dim3A_336 : vector<1x768xf32> to vector<1024x768xf32>
    %add3A_338 = arith.addf %add3A_331, %add3A_337 : vector<1024x768xf32>
    %max3A_339 = arith.constant 0.000000e+00 : f32
    %max3A_340 = vector.broadcast %max3A_339 : f32 to vector<1024x768xf32>
    %max3A_341 = arith.maximumf %add3A_338, %max3A_340 : vector<1024x768xf32>
    %get3A_342 = arith.constant 0 : index
    %get3A_343 = arith.constant 0 : index
    %get3A_344 = vector.load %arg19[%get3A_342, %get3A_343] : memref<768x64xbf16, #tpu.memory_space<vmem>>, vector<768x64xbf16>
    %convert_element_type3A_345 = arith.truncf %max3A_341 : vector<1024x768xf32> to vector<1024x768xbf16>
    %dot_general3A_346 = arith.constant dense<0.000000e+00> : vector<1024x64xf32>
    %dot_general3A_347 = tpu.matmul %convert_element_type3A_345, %get3A_344, %dot_general3A_346 {dimension_numbers = #tpu.dot_dimension_numbers<[1], [0], [0], [1], [0, 0, 1, 1], [], []>, transpose_lhs_hint = false} : vector<1024x768xbf16>, vector<768x64xbf16>, vector<1024x64xf32> -> vector<1024x64xf32>
    %mul3A_348 = vector.broadcast %get3A_1 : vector<1024x1xf32> to vector<1024x64xf32>
    %mul3A_349 = arith.mulf %dot_general3A_347, %mul3A_348 : vector<1024x64xf32>
    %slice3A_350 = vector.extract_strided_slice %mul3A_349 {offsets = [0, 0], sizes = [1024, 32], strides = [1, 1]} : vector<1024x64xf32> to vector<1024x32xf32>
    %convert_element_type3A_351 = arith.truncf %slice3A_350 : vector<1024x32xf32> to vector<1024x32xbf16>
    %swap3A = arith.constant 0 : index
    %swap3A_352 = arith.constant 0 : index
    %swap3A_353 = arith.constant 0 : index
    %swap3A_354 = vector.load %arg20[%swap3A, %swap3A_352, %swap3A_353] : memref<2x1024x32xbf16, #tpu.memory_space<vmem>>, vector<1x1024x32xbf16>
    %swap3A_355 = vector.shape_cast %swap3A_354 : vector<1x1024x32xbf16> to vector<1024x32xbf16>
    %swap3A_356 = vector.shape_cast %convert_element_type3A_351 : vector<1024x32xbf16> to vector<1x1024x32xbf16>
    tpu.vector_store %arg20[%swap3A, %swap3A_352, %swap3A_353], %swap3A_356 {strides = array<i32>} : memref<2x1024x32xbf16, #tpu.memory_space<vmem>>, vector<1x1024x32xbf16>,
    %slice3A_357 = vector.extract_strided_slice %mul3A_349 {offsets = [0, 32], sizes = [1024, 32], strides = [1, 1]} : vector<1024x64xf32> to vector<1024x32xf32>
    %convert_element_type3A_358 = arith.truncf %slice3A_357 : vector<1024x32xf32> to vector<1024x32xbf16>
    %swap3A_359 = arith.constant 1 : index
    %swap3A_360 = arith.constant 0 : index
    %swap3A_361 = arith.constant 0 : index
    %swap3A_362 = vector.load %arg20[%swap3A_359, %swap3A_360, %swap3A_361] : memref<2x1024x32xbf16, #tpu.memory_space<vmem>>, vector<1x1024x32xbf16>
    %swap3A_363 = vector.shape_cast %swap3A_362 : vector<1x1024x32xbf16> to vector<1024x32xbf16>
    %swap3A_364 = vector.shape_cast %convert_element_type3A_358 : vector<1024x32xbf16> to vector<1x1024x32xbf16>
    tpu.vector_store %arg20[%swap3A_359, %swap3A_360, %swap3A_361], %swap3A_364 {strides = array<i32>} : memref<2x1024x32xbf16, #tpu.memory_space<vmem>>, vector<1x1024x32xbf16>,
    return
  }
  func.func @transform_0(%arg0: i32) -> (i32, i32, i32) {
    %c0_i32 = arith.constant 0 : i32
    %c0_i32_0 = arith.constant 0 : i32
    %c0_i32_1 = arith.constant 0 : i32
    return %c0_i32, %arg0, %c0_i32_0 : i32, i32, i32
  }
  func.func @transform_1(%arg0: i32) -> (i32, i32, i32) {
    %c1_i32 = arith.constant 1 : i32
    %c0_i32 = arith.constant 0 : i32
    %c0_i32_0 = arith.constant 0 : i32
    return %c1_i32, %arg0, %c0_i32 : i32, i32, i32
  }
  func.func @transform_2(%arg0: i32) -> (i32, i32) {
    %c0_i32 = arith.constant 0 : i32
    %c0_i32_0 = arith.constant 0 : i32
    return %arg0, %c0_i32 : i32, i32
  }
  func.func @transform_3(%arg0: i32) -> (i32, i32) {
    %c0_i32 = arith.constant 0 : i32
    %c0_i32_0 = arith.constant 0 : i32
    return %arg0, %c0_i32 : i32, i32
  }
  func.func @transform_4(%arg0: i32) -> (i32, i32) {
    %c0_i32 = arith.constant 0 : i32
    %c0_i32_0 = arith.constant 0 : i32
    %c0_i32_1 = arith.constant 0 : i32
    return %c0_i32, %c0_i32_0 : i32, i32
  }
  func.func @transform_5(%arg0: i32) -> (i32, i32) {
    %c0_i32 = arith.constant 0 : i32
    %c0_i32_0 = arith.constant 0 : i32
    %c0_i32_1 = arith.constant 0 : i32
    return %c0_i32, %c0_i32_0 : i32, i32
  }
  func.func @transform_6(%arg0: i32) -> (i32, i32) {
    %c0_i32 = arith.constant 0 : i32
    %c0_i32_0 = arith.constant 0 : i32
    %c0_i32_1 = arith.constant 0 : i32
    return %c0_i32, %c0_i32_0 : i32, i32
  }
  func.func @transform_7(%arg0: i32) -> (i32, i32) {
    %c0_i32 = arith.constant 0 : i32
    %c0_i32_0 = arith.constant 0 : i32
    %c0_i32_1 = arith.constant 0 : i32
    return %c0_i32, %c0_i32_0 : i32, i32
  }
  func.func @transform_8(%arg0: i32) -> (i32, i32, i32) {
    %c0_i32 = arith.constant 0 : i32
    %c0_i32_0 = arith.constant 0 : i32
    %c0_i32_1 = arith.constant 0 : i32
    %c0_i32_2 = arith.constant 0 : i32
    return %c0_i32, %c0_i32_0, %c0_i32_1 : i32, i32, i32
  }
  func.func @transform_9(%arg0: i32) -> (i32, i32) {
    %c0_i32 = arith.constant 0 : i32
    %c0_i32_0 = arith.constant 0 : i32
    %c0_i32_1 = arith.constant 0 : i32
    return %c0_i32, %c0_i32_0 : i32, i32
  }
  func.func @transform_10(%arg0: i32) -> (i32, i32, i32) {
    %c0_i32 = arith.constant 0 : i32
    %c0_i32_0 = arith.constant 0 : i32
    %c0_i32_1 = arith.constant 0 : i32
    %c0_i32_2 = arith.constant 0 : i32
    return %c0_i32, %c0_i32_0, %c0_i32_1 : i32, i32, i32
  }
  func.func @transform_11(%arg0: i32) -> (i32, i32) {
    %c0_i32 = arith.constant 0 : i32
    %c0_i32_0 = arith.constant 0 : i32
    %c0_i32_1 = arith.constant 0 : i32
    return %c0_i32, %c0_i32_0 : i32, i32
  }
  func.func @transform_12(%arg0: i32) -> (i32, i32) {
    %c0_i32 = arith.constant 0 : i32
    %c0_i32_0 = arith.constant 0 : i32
    %c0_i32_1 = arith.constant 0 : i32
    return %c0_i32, %c0_i32_0 : i32, i32
  }
  func.func @transform_13(%arg0: i32) -> (i32, i32) {
    %c0_i32 = arith.constant 0 : i32
    %c0_i32_0 = arith.constant 0 : i32
    %c0_i32_1 = arith.constant 0 : i32
    return %c0_i32, %c0_i32_0 : i32, i32
  }
  func.func @transform_14(%arg0: i32) -> (i32, i32, i32) {
    %c0_i32 = arith.constant 0 : i32
    %c0_i32_0 = arith.constant 0 : i32
    %c0_i32_1 = arith.constant 0 : i32
    %c0_i32_2 = arith.constant 0 : i32
    return %c0_i32, %c0_i32_0, %c0_i32_1 : i32, i32, i32
  }
  func.func @transform_15(%arg0: i32) -> (i32, i32) {
    %c0_i32 = arith.constant 0 : i32
    %c0_i32_0 = arith.constant 0 : i32
    %c0_i32_1 = arith.constant 0 : i32
    return %c0_i32, %c0_i32_0 : i32, i32
  }
  func.func @transform_16(%arg0: i32) -> (i32, i32, i32) {
    %c0_i32 = arith.constant 0 : i32
    %c0_i32_0 = arith.constant 0 : i32
    %c0_i32_1 = arith.constant 0 : i32
    %c0_i32_2 = arith.constant 0 : i32
    return %c0_i32, %c0_i32_0, %c0_i32_1 : i32, i32, i32
  }
  func.func @transform_17(%arg0: i32) -> (i32, i32) {
    %c0_i32 = arith.constant 0 : i32
    %c0_i32_0 = arith.constant 0 : i32
    %c0_i32_1 = arith.constant 0 : i32
    return %c0_i32, %c0_i32_0 : i32, i32
  }
  func.func @transform_18(%arg0: i32) -> (i32, i32) {
    %c0_i32 = arith.constant 0 : i32
    %c0_i32_0 = arith.constant 0 : i32
    %c0_i32_1 = arith.constant 0 : i32
    return %c0_i32, %c0_i32_0 : i32, i32
  }
  func.func @transform_19(%arg0: i32) -> (i32, i32, i32) {
    %c0_i32 = arith.constant 0 : i32
    %c0_i32_0 = arith.constant 0 : i32
    %c0_i32_1 = arith.constant 0 : i32
    return %c0_i32, %arg0, %c0_i32_0 : i32, i32, i32
  }
}

module attributes {stable_mosaic.version = 14 : i64} {
  func.func @_tc_fin_body(%arg0: i32, %arg1: memref<1x1024x32xbf16, #tpu.memory_space<vmem>>, %arg2: memref<1x1024x32xbf16, #tpu.memory_space<vmem>>, %arg3: memref<1x1024x32xbf16, #tpu.memory_space<vmem>>, %arg4: memref<1x1024x32xbf16, #tpu.memory_space<vmem>>, %arg5: memref<1024x1xf32, #tpu.memory_space<vmem>>, %arg6: memref<1x64xf32, #tpu.memory_space<vmem>>, %arg7: memref<1024x40xf32, #tpu.memory_space<vmem>>) attributes {dimension_semantics = [#tpu.dimension_semantics<arbitrary>], iteration_bounds = array<i64: 10>, scalar_prefetch = 0 : i64, scratch_operands = 0 : i64, tpu.core_type = #tpu.core_type<tc>, window_params = [{transform_indices = @transform_0, window_bounds = array<i64: 1, 1024, 32>}, {transform_indices = @transform_1, window_bounds = array<i64: 1, 1024, 32>}, {transform_indices = @transform_2, window_bounds = array<i64: 1, 1024, 32>}, {transform_indices = @transform_3, window_bounds = array<i64: 1, 1024, 32>}, {transform_indices = @transform_4, window_bounds = array<i64: 1024, 1>}, {pipeline_mode = #tpu.pipeline_mode<synchronous>, transform_indices = @transform_5, window_bounds = array<i64: 1, 64>}, {transform_indices = @transform_6, window_bounds = array<i64: 1024, 40>}]} {
    %get3A = arith.constant 0 : index
    %get3A_0 = arith.constant 0 : index
    %get3A_1 = vector.load %arg5[%get3A, %get3A_0] : memref<1024x1xf32, #tpu.memory_space<vmem>>, vector<1024x1xf32>
    %get3A_2 = arith.constant 0 : index
    %get3A_3 = arith.constant 0 : index
    %get3A_4 = arith.constant 0 : index
    %get3A_5 = vector.load %arg1[%get3A_2, %get3A_3, %get3A_4] : memref<1x1024x32xbf16, #tpu.memory_space<vmem>>, vector<1x1024x32xbf16>
    %get3A_6 = vector.shape_cast %get3A_5 : vector<1x1024x32xbf16> to vector<1024x32xbf16>
    %convert_element_type3A = arith.extf %get3A_6 : vector<1024x32xbf16> to vector<1024x32xf32>
    %get3A_7 = arith.constant 0 : index
    %get3A_8 = arith.constant 0 : index
    %get3A_9 = arith.constant 0 : index
    %get3A_10 = vector.load %arg3[%get3A_7, %get3A_8, %get3A_9] : memref<1x1024x32xbf16, #tpu.memory_space<vmem>>, vector<1x1024x32xbf16>
    %get3A_11 = vector.shape_cast %get3A_10 : vector<1x1024x32xbf16> to vector<1024x32xbf16>
    %convert_element_type3A_12 = arith.extf %get3A_11 : vector<1024x32xbf16> to vector<1024x32xf32>
    %add3A = arith.addf %convert_element_type3A, %convert_element_type3A_12 : vector<1024x32xf32>
    %mul3A = vector.broadcast %get3A_1 : vector<1024x1xf32> to vector<1024x32xf32>
    %mul3A_13 = arith.mulf %mul3A, %add3A : vector<1024x32xf32>
    %get3A_14 = arith.constant 0 : index
    %get3A_15 = arith.constant 0 : index
    %get3A_16 = arith.constant 0 : index
    %get3A_17 = vector.load %arg2[%get3A_14, %get3A_15, %get3A_16] : memref<1x1024x32xbf16, #tpu.memory_space<vmem>>, vector<1x1024x32xbf16>
    %get3A_18 = vector.shape_cast %get3A_17 : vector<1x1024x32xbf16> to vector<1024x32xbf16>
    %convert_element_type3A_19 = arith.extf %get3A_18 : vector<1024x32xbf16> to vector<1024x32xf32>
    %get3A_20 = arith.constant 0 : index
    %get3A_21 = arith.constant 0 : index
    %get3A_22 = arith.constant 0 : index
    %get3A_23 = vector.load %arg4[%get3A_20, %get3A_21, %get3A_22] : memref<1x1024x32xbf16, #tpu.memory_space<vmem>>, vector<1x1024x32xbf16>
    %get3A_24 = vector.shape_cast %get3A_23 : vector<1x1024x32xbf16> to vector<1024x32xbf16>
    %convert_element_type3A_25 = arith.extf %get3A_24 : vector<1024x32xbf16> to vector<1024x32xf32>
    %add3A_26 = arith.addf %convert_element_type3A_19, %convert_element_type3A_25 : vector<1024x32xf32>
    %mul3A_27 = vector.broadcast %get3A_1 : vector<1024x1xf32> to vector<1024x32xf32>
    %mul3A_28 = arith.mulf %mul3A_27, %add3A_26 : vector<1024x32xf32>
    %concatenate3A = tpu.concatenate %mul3A_13, %mul3A_28 in 1 : vector<1024x32xf32>, vector<1024x32xf32> -> vector<1024x64xf32>
    %get3A_29 = arith.constant 0 : index
    %get3A_30 = arith.constant 0 : index
    %get3A_31 = vector.load %arg6[%get3A_29, %get3A_30] : memref<1x64xf32, #tpu.memory_space<vmem>>, vector<1x64xf32>
    %add3A_32 = vector.broadcast %get3A_31 : vector<1x64xf32> to vector<1024x64xf32>
    %add3A_33 = arith.addf %concatenate3A, %add3A_32 : vector<1024x64xf32>
    %iota3A = tpu.iota {dimensions = array<i32: 1>} : vector<1024x64xi32>
    %lt3A = arith.constant 40 : i32
    %lt3A_34 = vector.broadcast %lt3A : i32 to vector<1024x64xi32>
    %lt3A_35 = arith.cmpi slt, %iota3A, %lt3A_34 : vector<1024x64xi32>
    %jit3A = arith.constant -1.000000e+30 : f32
    %broadcast_in_dim3A = vector.broadcast %jit3A : f32 to vector<1024x64xf32>
    %select_n3A = arith.select %lt3A_35, %add3A_33, %broadcast_in_dim3A : vector<1024x64xi1>, vector<1024x64xf32>
    %reduce_max3A = arith.constant dense<0xFF800000> : vector<1024xf32>
    %reduce_max3A_36 = vector.multi_reduction <maximumf>, %select_n3A, %reduce_max3A [1] : vector<1024x64xf32> to vector<1024xf32>
    %broadcast_in_dim3A_37 = vector.shape_cast %reduce_max3A_36 : vector<1024xf32> to vector<1024x1xf32>
    %sub3A = vector.broadcast %broadcast_in_dim3A_37 : vector<1024x1xf32> to vector<1024x64xf32>
    %sub3A_38 = arith.subf %select_n3A, %sub3A : vector<1024x64xf32>
    %exp3A = math.exp %sub3A_38 : vector<1024x64xf32>
    %reduce_sum3A = arith.constant dense<0.000000e+00> : vector<1024xf32>
    %reduce_sum3A_39 = vector.multi_reduction <add>, %exp3A, %reduce_sum3A [1] : vector<1024x64xf32> to vector<1024xf32>
    %broadcast_in_dim3A_40 = vector.shape_cast %reduce_sum3A_39 : vector<1024xf32> to vector<1024x1xf32>
    %log3A = math.log %broadcast_in_dim3A_40 : vector<1024x1xf32>
    %add3A_41 = arith.addf %log3A, %broadcast_in_dim3A_37 : vector<1024x1xf32>
    %sub3A_42 = vector.broadcast %add3A_41 : vector<1024x1xf32> to vector<1024x64xf32>
    %sub3A_43 = arith.subf %add3A_33, %sub3A_42 : vector<1024x64xf32>
    %slice3A = vector.extract_strided_slice %sub3A_43 {offsets = [0, 0], sizes = [1024, 40], strides = [1, 1]} : vector<1024x64xf32> to vector<1024x40xf32>
    %swap3A = arith.constant 0 : index
    %swap3A_44 = arith.constant 0 : index
    %swap3A_45 = vector.load %arg7[%swap3A, %swap3A_44] : memref<1024x40xf32, #tpu.memory_space<vmem>>, vector<1024x40xf32>
    tpu.vector_store %arg7[%swap3A, %swap3A_44], %slice3A {strides = array<i32>} : memref<1024x40xf32, #tpu.memory_space<vmem>>, vector<1024x40xf32>,
    return
  }
  func.func @transform_0(%arg0: i32) -> (i32, i32, i32) {
    %c0_i32 = arith.constant 0 : i32
    %c0_i32_0 = arith.constant 0 : i32
    %c0_i32_1 = arith.constant 0 : i32
    return %c0_i32, %arg0, %c0_i32_0 : i32, i32, i32
  }
  func.func @transform_1(%arg0: i32) -> (i32, i32, i32) {
    %c1_i32 = arith.constant 1 : i32
    %c0_i32 = arith.constant 0 : i32
    %c0_i32_0 = arith.constant 0 : i32
    return %c1_i32, %arg0, %c0_i32 : i32, i32, i32
  }
  func.func @transform_2(%arg0: i32) -> (i32, i32, i32) {
    %c0_i32 = arith.constant 0 : i32
    %c0_i32_0 = arith.constant 0 : i32
    %c0_i32_1 = arith.constant 0 : i32
    return %c0_i32, %arg0, %c0_i32_0 : i32, i32, i32
  }
  func.func @transform_3(%arg0: i32) -> (i32, i32, i32) {
    %c1_i32 = arith.constant 1 : i32
    %c0_i32 = arith.constant 0 : i32
    %c0_i32_0 = arith.constant 0 : i32
    return %c1_i32, %arg0, %c0_i32 : i32, i32, i32
  }
  func.func @transform_4(%arg0: i32) -> (i32, i32) {
    %c0_i32 = arith.constant 0 : i32
    %c0_i32_0 = arith.constant 0 : i32
    return %arg0, %c0_i32 : i32, i32
  }
  func.func @transform_5(%arg0: i32) -> (i32, i32) {
    %c0_i32 = arith.constant 0 : i32
    %c0_i32_0 = arith.constant 0 : i32
    %c0_i32_1 = arith.constant 0 : i32
    return %c0_i32, %c0_i32_0 : i32, i32
  }
  func.func @transform_6(%arg0: i32) -> (i32, i32) {
    %c0_i32 = arith.constant 0 : i32
    %c0_i32_0 = arith.constant 0 : i32
    return %arg0, %c0_i32 : i32, i32
  }
}

</mosaic_0001>

<sc_bundles>
// kernel: kernel.11.cloned.1.call-start
scs
__scs_entry_jumppad:
0x0: {  	(pc) =	sbr.rel $0x88, $3  }
0x1: {  	(tag) =	ssettag $0x0;
	lr =	simm.s32 $0x1  }
0x2: {  	[smem:$0x3F8F] =	sst lr;
	_ =	strace $0xD0000000  }
0x3: {  	_ = 	snop  }
0x4: {  	_ = 	snop  }
0x5: {  	_ = 	snop  }
0x6: {  	_ = 	snop  }
0x7: {  	_ = 	snop  }
__scs_overlays_trampoline_lowered:
0x8: {  	[smem:$0x3F9E] =	sst s0  }
0x9: {  	[smem:$0x3F9F] =	sst s1  }
0xa: {  	[smem:$0x3FA0] =	sst s2  }
0xb: {  	[smem:$0x3FA1] =	sst s3  }
0xc: {  	[smem:$0x3FA2] =	sst s4  }
0xd: {  	[smem:$0x3FA3] =	sst s5  }
0xe: {  	[smem:$0x3FA4] =	sst s6  }
0xf: {  	[smem:$0x3FA5] =	sst s7  }
0x10: {  	[smem:$0x3FA6] =	sst s8  }
0x11: {  	[smem:$0x3FA7] =	sst s9;
	s0 =	simm.s32 @!p0 $0x0  }
0x12: {  	s1 =	sld [smem:$0x3F8D];
	s0 =	simm.s32 @p0 $0x1  }
0x13: {  	[smem:$0x3FA8] =	sst s0;
	s0 =	simm.s32 @!p1 $0x0  }
0x14: {  	s2 =	sld [smem:$0x3F8C];
	s0 =	simm.s32 @p1 $0x1  }
0x15: {  	[smem:$0x3FA9] =	sst s0;
	s0 =	simm.s32 @!p2 $0x0  }
0x16: {  	s3 =	sld [smem:$0x3FDB];
	s0 =	simm.s32 @p2 $0x1  }
0x17: {  	s4 =	simm.s32 $0x1BF5;
	[smem:$0x3FAB] =	sst s0  }
0x18: {  	s0 =	sld [smem:$0x3F8E];
	_ =	swait.ge [sflag:s4], $0x0  }
0x19: {  	s7 =	sld [smem:$0x3F8F]  }
0x1a: {  	s8 =	sadd.s32 $0xFFFFE003, lr  }
0x1b: {  	s9 =	sadd.s32 $0xFFFFFEF7, lr;
	s5 =	simm.s32 $0xFFFFFFFF;
	p2 =	slt.u32 s8, $0xFFFFF086  }
0x1c: {  	p1 =	slt.u32 s9, $0xF7A;
	s5 =	simm.s32 @!p2 $0x0  }
0x1d: {  	s5 =	simm.s32 @p1 $0x1;
	p0 =	seq.s32 s7, s2  }
0x1e: {  	s7 =	smul.u32 @!p0 $0xF7A, s2;
	p2 =	seq.s32 @!p0 s5, $0x0  }
0x1f: {  	s9 =	smul.u32 $0xF7A, s1;
	s8 =	simm.s32 @!p0 $0x1BF5;
	p2 =	por !p2, p0  }
0x20: {  	[sflag:s8] =	ssyncset.s32 @!p0 $0xFFFFF086;
	s6 =	sadd.s32 @!p0 s3, s7;
	s7 =	simm.s32 @!p0 $0x108  }
0x21: {  	s3 =	sadd.s32 s3, s9;
	s6 =	sadd.s32 @!p0 $0x88, s6;
	s7 =	simm.s32 @p2 $0x1082  }
0x22: {  	[simem:s7], [sflag:s8] =	dma.local @!p0 [hbm:s6], $0xF7A  }
0x23: {  	s9 =	sor.u32 $0xD0000000, s2;
	s6 =	simm.s32 $0x108;
	_ =	swait.ge @!p0 [sflag:s8], $0x0  }
0x24: {  	s3 =	sadd.s32 $0x88, s3;
	s6 =	simm.s32 @!p1 $0x1082;
	[sflag:s4] =	ssyncset.s32 $0xFFFFF086  }
0x25: {  	[simem:s6], [sflag:s4] =	dma.local [hbm:s3], $0xF7A  }
0x26: {  	[smem:$0x3F8F] =	sst s1;
	(tag) =	ssettag s2;
	_ =	strace s9  }
0x27: {  	s1 =	sld [smem:$0x3F9F]  }
0x28: {  	s2 =	sld [smem:$0x3FA0]  }
0x29: {  	s4 =	sld [smem:$0x3FA2]  }
0x2a: {  	p0 =	seq.s32 s5, $0x0;
	s5 =	sld [smem:$0x3FA3]  }
0x2b: {  	s6 =	sld [smem:$0x3FA4]  }
0x2c: {  	s7 =	sld [smem:$0x3FA5]  }
0x2d: {  	s3 =	simm.s32 $0x108;
	s8 =	sld [smem:$0x3FA6]  }
0x2e: {  	s3 =	simm.s32 @!p0 $0x1082;
	s9 =	sld [smem:$0x3FA7]  }
0x2f: {  	lr =	sadd.s32 s0, s3;
	s0 =	sld [smem:$0x3F9E]  }
0x30: {  	s3 =	sld [smem:$0x3FA1]  }
0x31: {  	[smem:$0x3FAA] =	sst s10  }
0x32: {  	s10 =	sld [smem:$0x3FA8];
	_ =	sdelay $0x3  }
0x33: {  	p0 =	seq.s32 s10, $0x1;
	s10 =	sld [smem:$0x3FAA];
	_ =	sdelay $0x3  }
0x34: {  	[smem:$0x3FAA] =	sst s10  }
0x35: {  	s10 =	sld [smem:$0x3FA9];
	_ =	sdelay $0x3  }
0x36: {  	p1 =	seq.s32 s10, $0x1;
	s10 =	sld [smem:$0x3FAA];
	_ =	sdelay $0x3  }
0x37: {  	[smem:$0x3FAA] =	sst s10  }
0x38: {  	s10 =	sld [smem:$0x3FAB]  }
0x39: {  	_ = 	snop;
	(pc) =	sbr.ind lr, $3  }
0x3a: {  	_ = 	snop  }
0x3b: {  	_ = 	snop  }
0x3c: {  	p2 =	seq.s32 s10, $0x1;
	s10 =	sld [smem:$0x3FAA]  }
0x3d: {  	_ =	shalt  }
0x3e: {  	_ =	shalt  }
0x3f: {  	_ =	shalt  }
0x40: {  	_ =	shalt  }
0x41: {  	_ =	shalt  }
0x42: {  	_ =	shalt  }
0x43: {  	_ =	shalt  }
0x44: {  	_ =	shalt  }
0x45: {  	_ =	shalt  }
0x46: {  	_ =	shalt  }
0x47: {  	_ =	shalt  }
0x48: {  	_ =	shalt  }
0x49: {  	_ =	shalt  }
0x4a: {  	_ =	shalt  }
0x4b: {  	_ =	shalt  }
0x4c: {  	_ =	shalt  }
0x4d: {  	_ =	shalt  }
0x4e: {  	_ =	shalt  }
0x4f: {  	_ =	shalt  }
0x50: {  	_ =	shalt  }
0x51: {  	_ =	shalt  }
0x52: {  	_ =	shalt  }
0x53: {  	_ =	shalt  }
0x54: {  	_ =	shalt  }
0x55: {  	_ =	shalt  }
0x56: {  	_ =	shalt  }
0x57: {  	_ =	shalt  }
0x58: {  	_ =	shalt  }
0x59: {  	_ =	shalt  }
0x5a: {  	_ =	shalt  }
0x5b: {  	_ =	shalt  }
0x5c: {  	_ =	shalt  }
0x5d: {  	_ =	shalt  }
0x5e: {  	_ =	shalt  }
0x5f: {  	_ =	shalt  }
0x60: {  	_ =	shalt  }
0x61: {  	_ =	shalt  }
0x62: {  	_ =	shalt  }
0x63: {  	_ =	shalt  }
0x64: {  	_ =	shalt  }
0x65: {  	_ =	shalt  }
0x66: {  	_ =	shalt  }
0x67: {  	_ =	shalt  }
0x68: {  	_ =	shalt  }
0x69: {  	_ =	shalt  }
0x6a: {  	_ =	shalt  }
0x6b: {  	_ =	shalt  }
0x6c: {  	_ =	shalt  }
0x6d: {  	_ =	shalt  }
0x6e: {  	_ =	shalt  }
0x6f: {  	_ =	shalt  }
0x70: {  	_ =	shalt  }
0x71: {  	_ =	shalt  }
0x72: {  	_ =	shalt  }
0x73: {  	_ =	shalt  }
0x74: {  	_ =	shalt  }
0x75: {  	_ =	shalt  }
0x76: {  	_ =	shalt  }
0x77: {  	_ =	shalt  }
0x78: {  	_ =	shalt  }
0x79: {  	_ =	shalt  }
0x7a: {  	_ =	shalt  }
0x7b: {  	_ =	shalt  }
0x7c: {  	_ =	shalt  }
0x7d: {  	_ =	shalt  }
0x7e: {  	_ =	shalt  }
0x7f: {  	_ =	shalt  }
0x80: {  	_ =	shalt  }
0x81: {  	_ =	shalt  }
0x82: {  	_ =	shalt  }
0x83: {  	_ =	shalt  }
0x84: {  	_ =	shalt  }
0x85: {  	_ =	shalt  }
0x86: {  	_ =	shalt  }
0x87: {  	_ =	shalt  }
.Lfunc_end0:
.L_simem_size_0:
called_computation.1_lowered:
.L_overlay_start_0:
0x88: {  	s2 =	sld [smem:$0x3FD9]  }
0x89: {  	s3 =	sld [smem:$0x3FFE];
	_ =	sdelay $0x1  }
0x8a: {  	s1 =	srdreg.scid  }
0x8b: {  	s0 =	sand.u32 $0x1, s1  }
0x8c: {  	s17 =	sshll.u32 s0, $0xA;
	s2 =	sadd.s32 s3, s2  }
0x8d: {  	s2 =	sadd.s32 s2, s17  }
0x8e: {  	[smem:$0x3FB6] =	sst s2  }
0x8f: {  	_ = 	snop  }
0x90: {  	s2 =	sld [smem:$0x3FD0];
	(tm) =	ssettm $0x1  }
0x91: {  	s18 =	sld [smem:$0x3FFB];
	_ =	sdelay $0x3  }
0x92: {  	_ =	strace s18  }
0x93: {  	s3 =	sld [smem:$0x3FFC];
	_ =	sdelay $0x3  }
0x94: {  	_ =	strace s3  }
0x95: {  	s3 =	sld [smem:$0x3FFD];
	_ =	sdelay $0x3  }
0x96: {  	_ =	strace s3  }
0x97: {  	_ =	strace $0x8FFFFFFF  }
0x98: {  	s19 =	sld [smem:$0x3FDB];
	_ =	sdelay $0x1  }
0x99: {  	s4 =	simm.s32 $_scs_section_size  }
0x9a: {  	s5 =	simm.s32 $_size__tile_overlayer_lowered;
	s6 =	simm.s32 $_tile_overlayer_lowered  }
0x9b: {  	s22 =	simm.s32 $0x1BFF;
	s21 =	sshll.u32 s6, $0x1;
	s3 =	sadd.s32 s4, s19  }
0x9c: {  	s7 =	simm.s32 $0x0;
	s20 =	sshll.u32 s5, $0x1;
	s5 =	sadd.s32 s21, s3  }
0x9d: {  	[timem:s7], [sflag:s22] =	dma.local [hbm:s5], s20  }
0x9e: {  	_ =	swait.ge [sflag:s22], s20  }
0x9f: {  	s4 =	ssub.s32 $0x0, s20;
	[sflag:s22] =	ssyncset.done $0x0  }
0xa0: {  	[sflag:s22] =	ssyncadd.s32 s4;
	_ =	sdelay $0x1  }
0xa1: {  	s23 =	simm.s32 $0x1B8B  }
0xa2: {  	_ =	swait.ge [sflag:s23], $0x1  }
0xa3: {  	[sflag:s23] =	ssyncset.done $0x0  }
0xa4: {  	s25 =	simm.s32 $0x1B8E;
	s24 =	sld [smem:$0x3FFE];
	[sflag:s23] =	ssyncadd.s32 $0xFFFFFFFF  }
0xa5: {  	s26 =	simm.s32 $execute0_lowered;
	[smem:$0x3FD2] =	sst s25  }
0xa6: {  	s5 =	sshll.u32 s26, $0x1;
	_ =	strace $0x80000049;
	[dreg:$0x1] =	wrdreg $0xFFFFFFFF  }
0xa7: {  	s28 =	simm.s32 $_size_execute0_lowered;
	s3 =	sadd.s32 s3, s5;
	[dreg:$0x0] =	wrdreg $0x0  }
0xa8: {  	s5 =	sshll.u32 s28, $0x1;
	[dreg:$0x2] =	wrdreg s3  }
0xa9: {  	[dreg:$0x3] =	wrdreg s5  }
0xaa: {  	[dreg:$0x4] =	wrdreg $0xC0  }
0xab: {  	_ =	task [dreg:s7], $0x5FFFF  }
0xac: {  	[dreg:$0x1] =	wrdreg $0xFFFFFFFF  }
0xad: {  	[dreg:$0x0] =	wrdreg $0x60  }
0xae: {  	[dreg:$0x2] =	wrdreg s24  }
0xaf: {  	[dreg:$0x3] =	wrdreg s2  }
0xb0: {  	[dreg:$0x4] =	wrdreg $0xF0000  }
0xb1: {  	[dreg:$0x5] =	wrdreg $0x9  }
0xb2: {  	_ =	task.clear_ibuf [dreg:s7], $0x6FFFF;
	_ =	strace $0x90000049  }
0xb3: {  	s29 =	simm.s32 $0x9;
	_ =	strace $0x8000004B  }
0xb4: {  	_ =	swait.ge [sflag:s29], $0x1  }
0xb5: {  	[sflag:s29] =	ssyncadd.s32 $0xFFFFFFFF  }
0xb6: {  	_ =	strace $0x9000004B  }
0xb7: {  	_ =	sfence  }
0xb8: {  	s30 =	sld [smem:$0x0];
	_ =	sdelay $0x2  }
0xb9: {  	s31 =	sshll.u32 s1, $0xD;
	s1 =	sshrl.u32 s1, $0x2  }
0xba: {  	s3 =	sand.u32 $0x4000, s31;
	s1 =	sadd.s32 s1, s30  }
0xbb: {  	s0 =	sor.u32 s3, s0;
	s1 =	sshll.u32 s1, $0x11  }
0xbc: {  	s0 =	sor.u32 s1, s0  }
0xbd: {  	s0 =	sadd.s32 $0x8F2B, s0  }
0xbe: {  	[sflag:s0] =	ssyncadd.remote.s32 $0x1  }
0xbf: {  	_ =	sfence.sel $0xFFFF  }
0xc0: {  	[dreg:$0x0] =	wrdreg $0xFFFFFFFF;
	(pc) =	sbr.abs _section_cstart, $3  }
0xc1: {  	[dreg:$0x1] =	wrdreg $0xFFFFFFFF  }
0xc2: {  	_ =	task.clear_ibuf [dreg:s7], $0x2FFFF;
	_ =	strace $0x9FFFFFFF  }
0xc3: {  	(tm) =	ssettm $0x7FFFFFFF  }
tec
execute0_lowered:
.L_overlay_start_1:
0x0: {  	(tag) =	ssettag $0x1  }
0x1: {  	s0 =	rddreg [dreg:$0x0]  }
0x2: {  	s2 =	rddreg [dreg:$0x1]  }
0x3: {  	s3 =	srdreg.scid;
	s11 =	stileid.u32  }
0x4: {  	s1 =	rddreg [dreg:$0x2];
	s28 =	simm.s32 $0xA000;
	s7 =	smul.u32 $0xA00, s11  }
0x5: {  	s29 =	simm.s32 $0xB000;
	s31 =	simm.s32 $0xC000;
	s8 =	smul.u32 $0x14000, s11  }
0x6: {  	s4 =	sand.u32 $0x1, s3;
	s3 =	simm.s32 $0x0;
	s19 =	smul.u32 $0xA000, s11  }
0x7: {  	s30 =	simm.s32 $0x2;
	s5 =	smul.u32 $0xA0000, s4;
	[smem:$0x7FF] =	sst s3  }
0x8: {  	s4 =	ssub.s32 $0x2, s4;
	_ =	strace $0x8000004A;
	s9 =	sadd.s32 s7, s0  }
0x9: {  	s10 =	sshrl.u32 s4, $0x1;
	s8 =	sshrl.u32 s8, $0x2;
	s12 =	sshrl.u32 s19, $0x1  }
0xa: {  	s2 =	sadd.s32 s2, s7;
	s17 =	sadd.s32 $0x2000, s19;
	s20 =	sadd.s32 $0x4000, s19  }
0xb: {  	s23 =	sadd.s32 $0x6000, s19;
	s25 =	sadd.s32 $0x8000, s19;
	s6 =	sshrl.u32 s5, $0x4  }
0xc: {  	s10 =	ssub.s32 s4, s10;
	s4 =	sadd.s32 s8, s1;
	s11 =	sadd.s32 $0x5400, s9  }
0xd: {  	[dreg:$0x5] =	wrdreg s2;
	s13 =	sadd.s32 s12, s1;
	s16 =	sadd.s32 s5, s19  }
0xe: {  	s18 =	sshrl.u32 s17, $0x1;
	s21 =	sadd.s32 s5, s20;
	s22 =	sshrl.u32 s20, $0x1  }
0xf: {  	s24 =	sshrl.u32 s23, $0x1;
	s26 =	sshrl.u32 s25, $0x1;
	[dreg:$0x4] =	wrdreg s11  }
0x10: {  	s6 =	sadd.s32 s6, s0;
	s0 =	sadd.s32 $0x4B400, s0;
	[dreg:$0x6] =	wrdreg s13  }
0x11: {  	s14 =	smax.u32 s10, $0x1;
	s15 =	sadd.s32 $0x1000, s4;
	s11 =	sadd.s32 $0x2000, s4  }
0x12: {  	s12 =	sadd.s32 $0x3000, s4;
	s2 =	sshrl.u32 s16, $0x4;
	s13 =	sadd.s32 $0x4000, s4  }
0x13: {  	s19 =	sadd.s32 s24, s1;
	s24 =	simm.s32 $0x5;
	[dreg:$0x7] =	wrdreg s14  }
0x14: {  	s7 =	sadd.s32 $0x37400, s6;
	[dreg:$0x8] =	wrdreg s15;
	s14 =	sadd.s32 s0, s2  }
0x15: {  	s2 =	sadd.s32 s5, s17;
	s15 =	sadd.s32 s18, s1;
	s6 =	sshrl.u32 s21, $0x4  }
0x16: {  	s17 =	sadd.s32 s22, s1;
	s21 =	sadd.s32 s26, s1;
	s26 =	simm.s32 $0x80  }
0x17: {  	s2 =	sshrl.u32 s2, $0x4;
	s18 =	sadd.s32 s0, s6;
	s6 =	simm.s32 $0x0  }
0x18: {  	s16 =	sadd.s32 s0, s2;
	s2 =	sadd.s32 s5, s23;
	s5 =	sadd.s32 s5, s25  }
0x19: {  	s23 =	simm.s32 $0xE000;
	s2 =	sshrl.u32 s2, $0x4;
	s5 =	sshrl.u32 s5, $0x4  }
0x1a: {  	s25 =	simm.s32 $0x1;
	s20 =	sadd.s32 s0, s2;
	s22 =	sadd.s32 s0, s5  }
0x1b: {  	v0 =	vimm.bf16 $0.0e+00;
	s2 =	simm.s32 $0xD000;
	s0 =	simm.s32 $0x3;
	s5 =	simm.s32 $0x4  }
.LBB2_1:
0x1c: {  	s8 =	simm.s32 $0x80;
	s9 =	simm.s32 $0x0  }
.LBB2_2:
0x1d: {  	p0 =	sne.s32 s8, $0x3F80;
	[tilespmem:s9+$0xE000] =	vst v0;
	s10 =	smov.u32 s8;
	s8 =	sadd.s32 $0x80, s8  }
.Ltmp0:
0x1e: {  	[tilespmem:s9+$0xE010] =	vst v0;
	(pc) =	sbr.rel @p0 .LBB2_2-.Ltmp0, $2  }
0x1f: {  	_ =	sdelay $0x2  }
0x20: {  	s9 =	sshra.s32 s10, $0x2  }
0x21: {  	[tilespmem:s9+$0xE000] =	vst v0  }
0x22: {  	[tilespmem:s9+$0xE010] =	vst v0  }
0x23: {  	[spmem:s4] =	stream.linear.scatter [tilespmem:s23], [sflag:$0x5], $0x1000, $0x38;
	[tilespmem:$0x14000] =	vst v63  }
0x24: {  	_ =	swait.ge [sflag:s24], $0x1000  }
0x25: {  	[sflag:s24] =	ssyncset.done $0x0  }
0x26: {  	s8 =	rddreg [dreg:$0x8];
	[sflag:s24] =	ssyncadd.s32 $0xFFFFF000  }
0x27: {  	[spmem:s8] =	stream.linear.scatter [tilespmem:s23], [sflag:$0x5], $0x1000, $0x38;
	[tilespmem:$0x14000] =	vst v63  }
0x28: {  	_ =	swait.ge [sflag:s24], $0x1000  }
0x29: {  	[sflag:s24] =	ssyncset.done $0x0  }
0x2a: {  	[sflag:s24] =	ssyncadd.s32 $0xFFFFF000  }
0x2b: {  	[spmem:s11] =	stream.linear.scatter [tilespmem:s23], [sflag:$0x5], $0x1000, $0x38;
	[tilespmem:$0x14000] =	vst v63  }
0x2c: {  	_ =	swait.ge [sflag:s24], $0x1000  }
0x2d: {  	[sflag:s24] =	ssyncset.done $0x0  }
0x2e: {  	[sflag:s24] =	ssyncadd.s32 $0xFFFFF000  }
0x2f: {  	[spmem:s12] =	stream.linear.scatter [tilespmem:s23], [sflag:$0x5], $0x1000, $0x38;
	[tilespmem:$0x14000] =	vst v63  }
0x30: {  	_ =	swait.ge [sflag:s24], $0x1000  }
0x31: {  	[sflag:s24] =	ssyncset.done $0x0  }
0x32: {  	[sflag:s24] =	ssyncadd.s32 $0xFFFFF000  }
0x33: {  	[spmem:s13] =	stream.linear.scatter [tilespmem:s23], [sflag:$0x5], $0x1000, $0x38;
	[tilespmem:$0x14000] =	vst v63  }
0x34: {  	_ =	swait.ge [sflag:s24], $0x1000  }
0x35: {  	[sflag:s24] =	ssyncset.done $0x0  }
0x36: {  	[sflag:s24] =	ssyncadd.s32 $0xFFFFF000  }
0x37: {  	[bflag:$0x0] =	sbarrier.arrive $0xFFFF  }
0x38: {  	s8 =	simm.s32 $0x0;
	s10 =	rddreg [dreg:$0x4]  }
0x39: {  	[tilespmem:s8], [sflag:$0x5] =	stream.linear.gather [hbm4b:s10+s8], $0x5000, $0x38;
	[tilespmem:$0x14000] =	vst v63  }
0x3a: {  	_ =	swait.ge [sflag:s24], $0x5000  }
0x3b: {  	[sflag:s24] =	ssyncset.done $0x0  }
0x3c: {  	s10 =	simm.s32 $0x5000;
	s9 =	rddreg [dreg:$0x5];
	[sflag:s24] =	ssyncadd.s32 $0xFFFFB000  }
0x3d: {  	[tilespmem:s10], [sflag:$0x5] =	stream.linear.gather [hbm4b:s9+s8], $0x5000, $0x38;
	[tilespmem:$0x14000] =	vst v63  }
0x3e: {  	_ =	swait.ge [sflag:s24], $0x5000  }
0x3f: {  	[sflag:s24] =	ssyncset.done $0x0  }
0x40: {  	[sflag:s24] =	ssyncadd.s32 $0xFFFFB000  }
0x41: {  	[tilespmem:s28], [sflag:$0x1] =	stream.indirect.gather [hbm4b:s7+s26], $0x20, s8, s26, $0xb8;
	[tilespmem:$0x14000] =	vst v63  }
0x42: {  	_ = 	snop  }
0x43: {  	[tilespmem:s29], [sflag:$0x2] =	stream.indirect.gather [hbm4b:s7+s26], $0x20, s26, s26, $0xb8;
	[tilespmem:$0x14000] =	vst v63  }
0x44: {  	s10 =	simm.s32 $0x100  }
0x45: {  	[tilespmem:s31], [sflag:$0x3] =	stream.indirect.gather [hbm4b:s7+s26], $0x20, s10, s26, $0xb8;
	[tilespmem:$0x14000] =	vst v63  }
0x46: {  	s9 =	simm.s32 $0x180  }
0x47: {  	[tilespmem:s2], [sflag:$0x4] =	stream.indirect.gather [hbm4b:s7+s26], $0x20, s9, s26, $0xb8;
	[tilespmem:$0x14000] =	vst v63  }
0x48: {  	_ =	swait.ge [sflag:s25], $0x1000  }
0x49: {  	[sflag:s25] =	ssyncset.done $0x0  }
0x4a: {  	s10 =	simm.s32 $0x5000;
	[sflag:s25] =	ssyncadd.s32 $0xFFFFF000  }
0x4b: {  	[spmem:s1] =	stream.indirect.scatter.add.bf16 [tilespmem:s28], [sflag:$0x5], $0x20, s10, s26, $0xb8;
	[tilespmem:$0x14000] =	vst v63  }
0x4c: {  	_ =	swait.ge [sflag:s24], $0x1000  }
0x4d: {  	[sflag:s24] =	ssyncset.done $0x0  }
0x4e: {  	s9 =	simm.s32 $0x200;
	[sflag:s24] =	ssyncadd.s32 $0xFFFFF000  }
0x4f: {  	[tilespmem:s28], [sflag:$0x1] =	stream.indirect.gather [hbm4b:s7+s26], $0x20, s9, s26, $0xb8;
	[tilespmem:$0x14000] =	vst v63  }
0x50: {  	_ =	swait.ge [sflag:s30], $0x1000  }
0x51: {  	[sflag:s30] =	ssyncset.done $0x0  }
0x52: {  	s10 =	simm.s32 $0x5080;
	[sflag:s30] =	ssyncadd.s32 $0xFFFFF000  }
0x53: {  	[spmem:s1] =	stream.indirect.scatter.add.bf16 [tilespmem:s29], [sflag:$0x5], $0x20, s10, s26, $0xb8;
	[tilespmem:$0x14000] =	vst v63  }
0x54: {  	_ =	swait.ge [sflag:s24], $0x1000  }
0x55: {  	[sflag:s24] =	ssyncset.done $0x0  }
0x56: {  	s9 =	simm.s32 $0x280;
	[sflag:s24] =	ssyncadd.s32 $0xFFFFF000  }
0x57: {  	[tilespmem:s29], [sflag:$0x2] =	stream.indirect.gather [hbm4b:s7+s26], $0x20, s9, s26, $0xb8;
	[tilespmem:$0x14000] =	vst v63  }
0x58: {  	_ =	swait.ge [sflag:s0], $0x1000  }
0x59: {  	[sflag:s0] =	ssyncset.done $0x0  }
0x5a: {  	s10 =	simm.s32 $0x5100;
	[sflag:s0] =	ssyncadd.s32 $0xFFFFF000  }
0x5b: {  	[spmem:s1] =	stream.indirect.scatter.add.bf16 [tilespmem:s31], [sflag:$0x5], $0x20, s10, s26, $0xb8;
	[tilespmem:$0x14000] =	vst v63  }
0x5c: {  	_ =	swait.ge [sflag:s24], $0x1000  }
0x5d: {  	[sflag:s24] =	ssyncset.done $0x0  }
0x5e: {  	s9 =	simm.s32 $0x300;
	[sflag:s24] =	ssyncadd.s32 $0xFFFFF000  }
0x5f: {  	[tilespmem:s31], [sflag:$0x3] =	stream.indirect.gather [hbm4b:s7+s26], $0x20, s9, s26, $0xb8;
	[tilespmem:$0x14000] =	vst v63  }
0x60: {  	_ =	swait.ge [sflag:s5], $0x1000  }
0x61: {  	[sflag:s5] =	ssyncset.done $0x0  }
0x62: {  	s10 =	simm.s32 $0x5180;
	[sflag:s5] =	ssyncadd.s32 $0xFFFFF000  }
0x63: {  	[spmem:s1] =	stream.indirect.scatter.add.bf16 [tilespmem:s2], [sflag:$0x5], $0x20, s10, s26, $0xb8;
	[tilespmem:$0x14000] =	vst v63  }
0x64: {  	_ =	swait.ge [sflag:s24], $0x1000  }
0x65: {  	[sflag:s24] =	ssyncset.done $0x0  }
0x66: {  	s8 =	simm.s32 $0x800;
	s9 =	simm.s32 $0x380;
	[sflag:s24] =	ssyncadd.s32 $0xFFFFF000  }
.LBB2_4:
0x67: {  	[tilespmem:s2], [sflag:$0x4] =	stream.indirect.gather [hbm4b:s7+s26], $0x20, s9, s26, $0xb8;
	[tilespmem:$0x14000] =	vst v63  }
0x68: {  	s9 =	smov.u32 s8  }
0x69: {  	p0 =	sne.s32 s8, $0x13000;
	s8 =	sadd.s32 $0x800, s8;
	_ =	swait.ge [sflag:s25], $0x1000  }
0x6a: {  	s9 =	sshra.s32 s9, $0x2;
	[sflag:s25] =	ssyncset.done $0x0  }
0x6b: {  	s10 =	sadd.s32 $0x5000, s9;
	[sflag:s25] =	ssyncadd.s32 $0xFFFFF000  }
0x6c: {  	[spmem:s1] =	stream.indirect.scatter.add.bf16 [tilespmem:s28], [sflag:$0x5], $0x20, s10, s26, $0xb8;
	[tilespmem:$0x14000] =	vst v63  }
0x6d: {  	_ =	swait.ge [sflag:s24], $0x1000  }
0x6e: {  	[sflag:s24] =	ssyncset.done $0x0  }
0x6f: {  	s10 =	sadd.s32 $0x200, s9;
	[sflag:s24] =	ssyncadd.s32 $0xFFFFF000  }
0x70: {  	[tilespmem:s28], [sflag:$0x1] =	stream.indirect.gather [hbm4b:s7+s26], $0x20, s10, s26, $0xb8;
	[tilespmem:$0x14000] =	vst v63  }
0x71: {  	_ =	swait.ge [sflag:s30], $0x1000  }
0x72: {  	[sflag:s30] =	ssyncset.done $0x0  }
0x73: {  	s10 =	sadd.s32 $0x5080, s9;
	[sflag:s30] =	ssyncadd.s32 $0xFFFFF000  }
0x74: {  	[spmem:s1] =	stream.indirect.scatter.add.bf16 [tilespmem:s29], [sflag:$0x5], $0x20, s10, s26, $0xb8;
	[tilespmem:$0x14000] =	vst v63  }
0x75: {  	_ =	swait.ge [sflag:s24], $0x1000  }
0x76: {  	[sflag:s24] =	ssyncset.done $0x0  }
0x77: {  	s10 =	sadd.s32 $0x280, s9;
	[sflag:s24] =	ssyncadd.s32 $0xFFFFF000  }
0x78: {  	[tilespmem:s29], [sflag:$0x2] =	stream.indirect.gather [hbm4b:s7+s26], $0x20, s10, s26, $0xb8;
	[tilespmem:$0x14000] =	vst v63  }
0x79: {  	_ =	swait.ge [sflag:s0], $0x1000  }
0x7a: {  	[sflag:s0] =	ssyncset.done $0x0  }
0x7b: {  	s10 =	sadd.s32 $0x5100, s9;
	[sflag:s0] =	ssyncadd.s32 $0xFFFFF000  }
0x7c: {  	[spmem:s1] =	stream.indirect.scatter.add.bf16 [tilespmem:s31], [sflag:$0x5], $0x20, s10, s26, $0xb8;
	[tilespmem:$0x14000] =	vst v63  }
0x7d: {  	_ =	swait.ge [sflag:s24], $0x1000  }
0x7e: {  	[sflag:s24] =	ssyncset.done $0x0  }
0x7f: {  	s10 =	sadd.s32 $0x300, s9;
	[sflag:s24] =	ssyncadd.s32 $0xFFFFF000  }
0x80: {  	[tilespmem:s31], [sflag:$0x3] =	stream.indirect.gather [hbm4b:s7+s26], $0x20, s10, s26, $0xb8;
	[tilespmem:$0x14000] =	vst v63  }
0x81: {  	_ =	swait.ge [sflag:s5], $0x1000  }
0x82: {  	[sflag:s5] =	ssyncset.done $0x0  }
.Ltmp1:
0x83: {  	s10 =	sadd.s32 $0x5180, s9;
	[sflag:s5] =	ssyncadd.s32 $0xFFFFF000;
	(pc) =	sbr.rel @p0 .LBB2_4-.Ltmp1, $4  }
0x84: {  	[spmem:s1] =	stream.indirect.scatter.add.bf16 [tilespmem:s2], [sflag:$0x5], $0x20, s10, s26, $0xb8;
	[tilespmem:$0x14000] =	vst v63  }
0x85: {  	_ =	swait.ge [sflag:s24], $0x1000  }
0x86: {  	[sflag:s24] =	ssyncset.done $0x0  }
0x87: {  	s9 =	sadd.s32 $0x380, s9;
	[sflag:s24] =	ssyncadd.s32 $0xFFFFF000  }
0x88: {  	[tilespmem:s2], [sflag:$0x4] =	stream.indirect.gather [hbm4b:s7+s26], $0x20, s9, s26, $0xb8;
	[tilespmem:$0x14000] =	vst v63  }
0x89: {  	_ =	swait.ge [sflag:s25], $0x1000  }
0x8a: {  	[sflag:s25] =	ssyncset.done $0x0  }
0x8b: {  	s8 =	simm.s32 $0x9E00;
	[sflag:s25] =	ssyncadd.s32 $0xFFFFF000  }
0x8c: {  	[spmem:s1] =	stream.indirect.scatter.add.bf16 [tilespmem:s28], [sflag:$0x5], $0x20, s8, s26, $0xb8;
	[tilespmem:$0x14000] =	vst v63  }
0x8d: {  	_ =	swait.ge [sflag:s24], $0x1000  }
0x8e: {  	[sflag:s24] =	ssyncset.done $0x0  }
0x8f: {  	[sflag:s24] =	ssyncadd.s32 $0xFFFFF000  }
0x90: {  	_ =	swait.ge [sflag:s30], $0x1000  }
0x91: {  	[sflag:s30] =	ssyncset.done $0x0  }
0x92: {  	s10 =	simm.s32 $0x9E80;
	[sflag:s30] =	ssyncadd.s32 $0xFFFFF000  }
0x93: {  	[spmem:s1] =	stream.indirect.scatter.add.bf16 [tilespmem:s29], [sflag:$0x5], $0x20, s10, s26, $0xb8;
	[tilespmem:$0x14000] =	vst v63  }
0x94: {  	_ =	swait.ge [sflag:s24], $0x1000  }
0x95: {  	[sflag:s24] =	ssyncset.done $0x0  }
0x96: {  	[sflag:s24] =	ssyncadd.s32 $0xFFFFF000  }
0x97: {  	_ =	swait.ge [sflag:s0], $0x1000  }
0x98: {  	[sflag:s0] =	ssyncset.done $0x0  }
0x99: {  	s9 =	simm.s32 $0x9F00;
	[sflag:s0] =	ssyncadd.s32 $0xFFFFF000  }
0x9a: {  	[spmem:s1] =	stream.indirect.scatter.add.bf16 [tilespmem:s31], [sflag:$0x5], $0x20, s9, s26, $0xb8;
	[tilespmem:$0x14000] =	vst v63  }
0x9b: {  	_ =	swait.ge [sflag:s24], $0x1000  }
0x9c: {  	[sflag:s24] =	ssyncset.done $0x0  }
0x9d: {  	[sflag:s24] =	ssyncadd.s32 $0xFFFFF000  }
0x9e: {  	_ =	swait.ge [sflag:s5], $0x1000  }
0x9f: {  	[sflag:s5] =	ssyncset.done $0x0  }
0xa0: {  	s10 =	simm.s32 $0x9F80;
	[sflag:s5] =	ssyncadd.s32 $0xFFFFF000  }
0xa1: {  	[spmem:s1] =	stream.indirect.scatter.add.bf16 [tilespmem:s2], [sflag:$0x5], $0x20, s10, s26, $0xb8;
	[tilespmem:$0x14000] =	vst v63  }
0xa2: {  	_ =	swait.ge [sflag:s24], $0x1000  }
0xa3: {  	[sflag:s24] =	ssyncset.done $0x0  }
0xa4: {  	[sflag:s24] =	ssyncadd.s32 $0xFFFFF000  }
0xa5: {  	[bflag:$0x0] =	sbarrier.arrive $0xFFFF  }
0xa6: {  	s9 =	rddreg [dreg:$0x6]  }
0xa7: {  	[tilespmem:s23], [sflag:$0x5] =	stream.linear.gather [spmem:s9], $0x1000, $0x38;
	[tilespmem:$0x14000] =	vst v63  }
0xa8: {  	_ =	swait.ge [sflag:s24], $0x1000  }
0xa9: {  	[sflag:s24] =	ssyncset.done $0x0  }
0xaa: {  	[sflag:s24] =	ssyncadd.s32 $0xFFFFF000  }
0xab: {  	[hbm4b:s14+s3] =	stream.linear.scatter [tilespmem:s23], [sflag:$0x5], $0x1000, $0x38;
	[tilespmem:$0x14000] =	vst v63  }
0xac: {  	_ =	swait.ge [sflag:s24], $0x1000  }
0xad: {  	[sflag:s24] =	ssyncset.done $0x0  }
0xae: {  	[sflag:s24] =	ssyncadd.s32 $0xFFFFF000  }
0xaf: {  	[tilespmem:s23], [sflag:$0x5] =	stream.linear.gather [spmem:s15], $0x1000, $0x38;
	[tilespmem:$0x14000] =	vst v63  }
0xb0: {  	_ =	swait.ge [sflag:s24], $0x1000  }
0xb1: {  	[sflag:s24] =	ssyncset.done $0x0  }
0xb2: {  	[sflag:s24] =	ssyncadd.s32 $0xFFFFF000  }
0xb3: {  	[hbm4b:s16+s3] =	stream.linear.scatter [tilespmem:s23], [sflag:$0x5], $0x1000, $0x38;
	[tilespmem:$0x14000] =	vst v63  }
0xb4: {  	_ =	swait.ge [sflag:s24], $0x1000  }
0xb5: {  	[sflag:s24] =	ssyncset.done $0x0  }
0xb6: {  	[sflag:s24] =	ssyncadd.s32 $0xFFFFF000  }
0xb7: {  	[tilespmem:s23], [sflag:$0x5] =	stream.linear.gather [spmem:s17], $0x1000, $0x38;
	[tilespmem:$0x14000] =	vst v63  }
0xb8: {  	_ =	swait.ge [sflag:s24], $0x1000  }
0xb9: {  	[sflag:s24] =	ssyncset.done $0x0  }
0xba: {  	[sflag:s24] =	ssyncadd.s32 $0xFFFFF000  }
0xbb: {  	[hbm4b:s18+s3] =	stream.linear.scatter [tilespmem:s23], [sflag:$0x5], $0x1000, $0x38;
	[tilespmem:$0x14000] =	vst v63  }
0xbc: {  	_ =	swait.ge [sflag:s24], $0x1000  }
0xbd: {  	[sflag:s24] =	ssyncset.done $0x0  }
0xbe: {  	[sflag:s24] =	ssyncadd.s32 $0xFFFFF000  }
0xbf: {  	[tilespmem:s23], [sflag:$0x5] =	stream.linear.gather [spmem:s19], $0x1000, $0x38;
	[tilespmem:$0x14000] =	vst v63  }
0xc0: {  	_ =	swait.ge [sflag:s24], $0x1000  }
0xc1: {  	[sflag:s24] =	ssyncset.done $0x0  }
0xc2: {  	[sflag:s24] =	ssyncadd.s32 $0xFFFFF000  }
0xc3: {  	[hbm4b:s20+s3] =	stream.linear.scatter [tilespmem:s23], [sflag:$0x5], $0x1000, $0x38;
	[tilespmem:$0x14000] =	vst v63  }
0xc4: {  	_ =	swait.ge [sflag:s24], $0x1000  }
0xc5: {  	[sflag:s24] =	ssyncset.done $0x0  }
0xc6: {  	[sflag:s24] =	ssyncadd.s32 $0xFFFFF000  }
0xc7: {  	[tilespmem:s23], [sflag:$0x5] =	stream.linear.gather [spmem:s21], $0x1000, $0x38;
	[tilespmem:$0x14000] =	vst v63  }
0xc8: {  	_ =	swait.ge [sflag:s24], $0x1000  }
0xc9: {  	[sflag:s24] =	ssyncset.done $0x0  }
0xca: {  	[sflag:s24] =	ssyncadd.s32 $0xFFFFF000  }
0xcb: {  	[hbm4b:s22+s3] =	stream.linear.scatter [tilespmem:s23], [sflag:$0x5], $0x1000, $0x38;
	[tilespmem:$0x14000] =	vst v63  }
0xcc: {  	_ =	swait.ge [sflag:s24], $0x1000  }
0xcd: {  	s6 =	sadd.s32 $0x1, s6;
	s10 =	rddreg [dreg:$0x7]  }
0xce: {  	p0 =	sne.s32 s6, s10  }
.Ltmp2:
0xcf: {  	_ = 	snop;
	(pc) =	sbr.rel @p0 .LBB2_1-.Ltmp2, $3  }
0xd0: {  	_ =	sdelay $0x1  }
0xd1: {  	[sflag:s24] =	ssyncset.done $0x0  }
0xd2: {  	[sflag:s24] =	ssyncadd.s32 $0xFFFFF000  }
0xd3: {  	_ =	sfence.sel $0x180000  }
0xd4: {  	[bflag:$0x0] =	sbarrier.arrive $0xFFFF  }
0xd5: {  	_ =	strace $0x9000004A  }
0xd6: {  	s0 =	stileid.u32;
	[bflag:$0x2] =	sbarrier.arrive $0xFFFF  }
0xd7: {  	p0 =	sne.s32 s0, $0x0;
	s0 =	rddreg [dreg:$0x3]  }
0xd8: {  	s0 =	sadd.s32 @!p0 $0x100000, s0  }
0xd9: {  	[sflag:s0] =	ssyncadd.tile.s32 @!p0 $0x1;
	_ =	shalt  }
.Lfunc_end2:
_tile_overlayer_lowered:
.L_overlay_start_2:
0xda: {  	(tag) =	ssettag $0x2  }
0xdb: {  	s0 =	rddreg [dreg:$0x0];
	s2 =	stileid.u32  }
0xdc: {  	s1 =	rddreg [dreg:$0x1];
	p0 =	sne.s32 s2, $0x0  }
0xdd: {  	s3 =	rddreg [dreg:$0x2];
	[bflag:$0x3] =	sbarrier.arrive $0xFFFF;
	s2 =	simm.s32 @!p0 $0x1C05  }
0xde: {  	[timem:s3], [sflag:s2] =	dma.local @!p0 [hbm:s0], s1  }
0xdf: {  	s0 =	simm.s32 @!p0 $0x5  }
0xe0: {  	_ =	swait.ge @!p0 [sflag:s0], s1  }
0xe1: {  	s1 =	ssub.s32 @!p0 $0x0, s1;
	[sflag:s0] =	ssyncset.done @!p0 $0x0  }
0xe2: {  	[sflag:s0] =	ssyncadd.s32 @!p0 s1  }
0xe3: {  	[bflag:$0x3] =	sbarrier.arrive $0xFFFF  }
0xe4: {  	_ =	shalt  }

// kernel: kernel.14.cloned.1.call-start
scs
__scs_entry_jumppad:
0x0: {  	(pc) =	sbr.rel $0x88, $3  }
0x1: {  	(tag) =	ssettag $0x0;
	lr =	simm.s32 $0x1  }
0x2: {  	[smem:$0x3F8F] =	sst lr;
	_ =	strace $0xD0000000  }
0x3: {  	_ = 	snop  }
0x4: {  	_ = 	snop  }
0x5: {  	_ = 	snop  }
0x6: {  	_ = 	snop  }
0x7: {  	_ = 	snop  }
__scs_overlays_trampoline_lowered:
0x8: {  	[smem:$0x3F9E] =	sst s0  }
0x9: {  	[smem:$0x3F9F] =	sst s1  }
0xa: {  	[smem:$0x3FA0] =	sst s2  }
0xb: {  	[smem:$0x3FA1] =	sst s3  }
0xc: {  	[smem:$0x3FA2] =	sst s4  }
0xd: {  	[smem:$0x3FA3] =	sst s5  }
0xe: {  	[smem:$0x3FA4] =	sst s6  }
0xf: {  	[smem:$0x3FA5] =	sst s7  }
0x10: {  	[smem:$0x3FA6] =	sst s8  }
0x11: {  	[smem:$0x3FA7] =	sst s9;
	s0 =	simm.s32 @!p0 $0x0  }
0x12: {  	s1 =	sld [smem:$0x3F8D];
	s0 =	simm.s32 @p0 $0x1  }
0x13: {  	[smem:$0x3FA8] =	sst s0;
	s0 =	simm.s32 @!p1 $0x0  }
0x14: {  	s2 =	sld [smem:$0x3F8C];
	s0 =	simm.s32 @p1 $0x1  }
0x15: {  	[smem:$0x3FA9] =	sst s0;
	s0 =	simm.s32 @!p2 $0x0  }
0x16: {  	s3 =	sld [smem:$0x3FDB];
	s0 =	simm.s32 @p2 $0x1  }
0x17: {  	s4 =	simm.s32 $0x1BF5;
	[smem:$0x3FAB] =	sst s0  }
0x18: {  	s0 =	sld [smem:$0x3F8E];
	_ =	swait.ge [sflag:s4], $0x0  }
0x19: {  	s7 =	sld [smem:$0x3F8F]  }
0x1a: {  	s8 =	sadd.s32 $0xFFFFE003, lr  }
0x1b: {  	s9 =	sadd.s32 $0xFFFFFEF7, lr;
	s5 =	simm.s32 $0xFFFFFFFF;
	p2 =	slt.u32 s8, $0xFFFFF086  }
0x1c: {  	p1 =	slt.u32 s9, $0xF7A;
	s5 =	simm.s32 @!p2 $0x0  }
0x1d: {  	s5 =	simm.s32 @p1 $0x1;
	p0 =	seq.s32 s7, s2  }
0x1e: {  	s7 =	smul.u32 @!p0 $0xF7A, s2;
	p2 =	seq.s32 @!p0 s5, $0x0  }
0x1f: {  	s9 =	smul.u32 $0xF7A, s1;
	s8 =	simm.s32 @!p0 $0x1BF5;
	p2 =	por !p2, p0  }
0x20: {  	[sflag:s8] =	ssyncset.s32 @!p0 $0xFFFFF086;
	s6 =	sadd.s32 @!p0 s3, s7;
	s7 =	simm.s32 @!p0 $0x108  }
0x21: {  	s3 =	sadd.s32 s3, s9;
	s6 =	sadd.s32 @!p0 $0x88, s6;
	s7 =	simm.s32 @p2 $0x1082  }
0x22: {  	[simem:s7], [sflag:s8] =	dma.local @!p0 [hbm:s6], $0xF7A  }
0x23: {  	s9 =	sor.u32 $0xD0000000, s2;
	s6 =	simm.s32 $0x108;
	_ =	swait.ge @!p0 [sflag:s8], $0x0  }
0x24: {  	s3 =	sadd.s32 $0x88, s3;
	s6 =	simm.s32 @!p1 $0x1082;
	[sflag:s4] =	ssyncset.s32 $0xFFFFF086  }
0x25: {  	[simem:s6], [sflag:s4] =	dma.local [hbm:s3], $0xF7A  }
0x26: {  	[smem:$0x3F8F] =	sst s1;
	(tag) =	ssettag s2;
	_ =	strace s9  }
0x27: {  	s1 =	sld [smem:$0x3F9F]  }
0x28: {  	s2 =	sld [smem:$0x3FA0]  }
0x29: {  	s4 =	sld [smem:$0x3FA2]  }
0x2a: {  	p0 =	seq.s32 s5, $0x0;
	s5 =	sld [smem:$0x3FA3]  }
0x2b: {  	s6 =	sld [smem:$0x3FA4]  }
0x2c: {  	s7 =	sld [smem:$0x3FA5]  }
0x2d: {  	s3 =	simm.s32 $0x108;
	s8 =	sld [smem:$0x3FA6]  }
0x2e: {  	s3 =	simm.s32 @!p0 $0x1082;
	s9 =	sld [smem:$0x3FA7]  }
0x2f: {  	lr =	sadd.s32 s0, s3;
	s0 =	sld [smem:$0x3F9E]  }
0x30: {  	s3 =	sld [smem:$0x3FA1]  }
0x31: {  	[smem:$0x3FAA] =	sst s10  }
0x32: {  	s10 =	sld [smem:$0x3FA8];
	_ =	sdelay $0x3  }
0x33: {  	p0 =	seq.s32 s10, $0x1;
	s10 =	sld [smem:$0x3FAA];
	_ =	sdelay $0x3  }
0x34: {  	[smem:$0x3FAA] =	sst s10  }
0x35: {  	s10 =	sld [smem:$0x3FA9];
	_ =	sdelay $0x3  }
0x36: {  	p1 =	seq.s32 s10, $0x1;
	s10 =	sld [smem:$0x3FAA];
	_ =	sdelay $0x3  }
0x37: {  	[smem:$0x3FAA] =	sst s10  }
0x38: {  	s10 =	sld [smem:$0x3FAB]  }
0x39: {  	_ = 	snop;
	(pc) =	sbr.ind lr, $3  }
0x3a: {  	_ = 	snop  }
0x3b: {  	_ = 	snop  }
0x3c: {  	p2 =	seq.s32 s10, $0x1;
	s10 =	sld [smem:$0x3FAA]  }
0x3d: {  	_ =	shalt  }
0x3e: {  	_ =	shalt  }
0x3f: {  	_ =	shalt  }
0x40: {  	_ =	shalt  }
0x41: {  	_ =	shalt  }
0x42: {  	_ =	shalt  }
0x43: {  	_ =	shalt  }
0x44: {  	_ =	shalt  }
0x45: {  	_ =	shalt  }
0x46: {  	_ =	shalt  }
0x47: {  	_ =	shalt  }
0x48: {  	_ =	shalt  }
0x49: {  	_ =	shalt  }
0x4a: {  	_ =	shalt  }
0x4b: {  	_ =	shalt  }
0x4c: {  	_ =	shalt  }
0x4d: {  	_ =	shalt  }
0x4e: {  	_ =	shalt  }
0x4f: {  	_ =	shalt  }
0x50: {  	_ =	shalt  }
0x51: {  	_ =	shalt  }
0x52: {  	_ =	shalt  }
0x53: {  	_ =	shalt  }
0x54: {  	_ =	shalt  }
0x55: {  	_ =	shalt  }
0x56: {  	_ =	shalt  }
0x57: {  	_ =	shalt  }
0x58: {  	_ =	shalt  }
0x59: {  	_ =	shalt  }
0x5a: {  	_ =	shalt  }
0x5b: {  	_ =	shalt  }
0x5c: {  	_ =	shalt  }
0x5d: {  	_ =	shalt  }
0x5e: {  	_ =	shalt  }
0x5f: {  	_ =	shalt  }
0x60: {  	_ =	shalt  }
0x61: {  	_ =	shalt  }
0x62: {  	_ =	shalt  }
0x63: {  	_ =	shalt  }
0x64: {  	_ =	shalt  }
0x65: {  	_ =	shalt  }
0x66: {  	_ =	shalt  }
0x67: {  	_ =	shalt  }
0x68: {  	_ =	shalt  }
0x69: {  	_ =	shalt  }
0x6a: {  	_ =	shalt  }
0x6b: {  	_ =	shalt  }
0x6c: {  	_ =	shalt  }
0x6d: {  	_ =	shalt  }
0x6e: {  	_ =	shalt  }
0x6f: {  	_ =	shalt  }
0x70: {  	_ =	shalt  }
0x71: {  	_ =	shalt  }
0x72: {  	_ =	shalt  }
0x73: {  	_ =	shalt  }
0x74: {  	_ =	shalt  }
0x75: {  	_ =	shalt  }
0x76: {  	_ =	shalt  }
0x77: {  	_ =	shalt  }
0x78: {  	_ =	shalt  }
0x79: {  	_ =	shalt  }
0x7a: {  	_ =	shalt  }
0x7b: {  	_ =	shalt  }
0x7c: {  	_ =	shalt  }
0x7d: {  	_ =	shalt  }
0x7e: {  	_ =	shalt  }
0x7f: {  	_ =	shalt  }
0x80: {  	_ =	shalt  }
0x81: {  	_ =	shalt  }
0x82: {  	_ =	shalt  }
0x83: {  	_ =	shalt  }
0x84: {  	_ =	shalt  }
0x85: {  	_ =	shalt  }
0x86: {  	_ =	shalt  }
0x87: {  	_ =	shalt  }
.Lfunc_end0:
.L_simem_size_0:
called_computation.2_lowered:
.L_overlay_start_0:
0x88: {  	s2 =	sld [smem:$0x3FD9]  }
0x89: {  	s3 =	sld [smem:$0x3FFE];
	_ =	sdelay $0x1  }
0x8a: {  	s1 =	srdreg.scid  }
0x8b: {  	s0 =	sand.u32 $0x1, s1  }
0x8c: {  	s17 =	sshll.u32 s0, $0xA;
	s2 =	sadd.s32 s3, s2  }
0x8d: {  	s2 =	sadd.s32 s2, s17  }
0x8e: {  	[smem:$0x3FB6] =	sst s2  }
0x8f: {  	_ = 	snop  }
0x90: {  	s2 =	sld [smem:$0x3FD0];
	(tm) =	ssettm $0x1  }
0x91: {  	s18 =	sld [smem:$0x3FFB];
	_ =	sdelay $0x3  }
0x92: {  	_ =	strace s18  }
0x93: {  	s3 =	sld [smem:$0x3FFC];
	_ =	sdelay $0x3  }
0x94: {  	_ =	strace s3  }
0x95: {  	s3 =	sld [smem:$0x3FFD];
	_ =	sdelay $0x3  }
0x96: {  	_ =	strace s3  }
0x97: {  	_ =	strace $0x8FFFFFFF  }
0x98: {  	s19 =	sld [smem:$0x3FDB];
	_ =	sdelay $0x1  }
0x99: {  	s4 =	simm.s32 $_scs_section_size  }
0x9a: {  	s5 =	simm.s32 $_size__tile_overlayer_lowered;
	s6 =	simm.s32 $_tile_overlayer_lowered  }
0x9b: {  	s22 =	simm.s32 $0x1BFF;
	s21 =	sshll.u32 s6, $0x1;
	s3 =	sadd.s32 s4, s19  }
0x9c: {  	s7 =	simm.s32 $0x0;
	s20 =	sshll.u32 s5, $0x1;
	s5 =	sadd.s32 s21, s3  }
0x9d: {  	[timem:s7], [sflag:s22] =	dma.local [hbm:s5], s20  }
0x9e: {  	_ =	swait.ge [sflag:s22], s20  }
0x9f: {  	s4 =	ssub.s32 $0x0, s20;
	[sflag:s22] =	ssyncset.done $0x0  }
0xa0: {  	[sflag:s22] =	ssyncadd.s32 s4;
	_ =	sdelay $0x1  }
0xa1: {  	s23 =	simm.s32 $0x1B8B  }
0xa2: {  	_ =	swait.ge [sflag:s23], $0x1  }
0xa3: {  	[sflag:s23] =	ssyncset.done $0x0  }
0xa4: {  	s25 =	simm.s32 $0x1B8E;
	s24 =	sld [smem:$0x3FFE];
	[sflag:s23] =	ssyncadd.s32 $0xFFFFFFFF  }
0xa5: {  	s26 =	simm.s32 $execute0_lowered;
	[smem:$0x3FD2] =	sst s25  }
0xa6: {  	s5 =	sshll.u32 s26, $0x1;
	_ =	strace $0x8000004C;
	[dreg:$0x1] =	wrdreg $0xFFFFFFFF  }
0xa7: {  	s28 =	simm.s32 $_size_execute0_lowered;
	s3 =	sadd.s32 s3, s5;
	[dreg:$0x0] =	wrdreg $0x0  }
0xa8: {  	s5 =	sshll.u32 s28, $0x1;
	[dreg:$0x2] =	wrdreg s3  }
0xa9: {  	[dreg:$0x3] =	wrdreg s5  }
0xaa: {  	[dreg:$0x4] =	wrdreg $0xC0  }
0xab: {  	_ =	task [dreg:s7], $0x5FFFF  }
0xac: {  	[dreg:$0x1] =	wrdreg $0xFFFFFFFF  }
0xad: {  	[dreg:$0x0] =	wrdreg $0x60  }
0xae: {  	[dreg:$0x2] =	wrdreg s24  }
0xaf: {  	[dreg:$0x3] =	wrdreg s2  }
0xb0: {  	[dreg:$0x4] =	wrdreg $0xC8000  }
0xb1: {  	[dreg:$0x5] =	wrdreg $0x9  }
0xb2: {  	_ =	task.clear_ibuf [dreg:s7], $0x6FFFF;
	_ =	strace $0x9000004C  }
0xb3: {  	s29 =	simm.s32 $0x9;
	_ =	strace $0x8000004E  }
0xb4: {  	_ =	swait.ge [sflag:s29], $0x1  }
0xb5: {  	[sflag:s29] =	ssyncadd.s32 $0xFFFFFFFF  }
0xb6: {  	_ =	strace $0x9000004E  }
0xb7: {  	_ =	sfence  }
0xb8: {  	s30 =	sld [smem:$0x0];
	_ =	sdelay $0x2  }
0xb9: {  	s31 =	sshll.u32 s1, $0xD;
	s1 =	sshrl.u32 s1, $0x2  }
0xba: {  	s3 =	sand.u32 $0x4000, s31;
	s1 =	sadd.s32 s1, s30  }
0xbb: {  	s0 =	sor.u32 s3, s0;
	s1 =	sshll.u32 s1, $0x11  }
0xbc: {  	s0 =	sor.u32 s1, s0  }
0xbd: {  	s0 =	sadd.s32 $0x8F2B, s0  }
0xbe: {  	[sflag:s0] =	ssyncadd.remote.s32 $0x1  }
0xbf: {  	_ =	sfence.sel $0xFFFF  }
0xc0: {  	[dreg:$0x0] =	wrdreg $0xFFFFFFFF;
	(pc) =	sbr.abs _section_cstart, $3  }
0xc1: {  	[dreg:$0x1] =	wrdreg $0xFFFFFFFF  }
0xc2: {  	_ =	task.clear_ibuf [dreg:s7], $0x2FFFF;
	_ =	strace $0x9FFFFFFF  }
0xc3: {  	(tm) =	ssettm $0x7FFFFFFF  }
tec
execute0_lowered:
.L_overlay_start_1:
0x0: {  	(tag) =	ssettag $0x1  }
0x1: {  	s0 =	rddreg [dreg:$0x0]  }
0x2: {  	s2 =	rddreg [dreg:$0x1]  }
0x3: {  	s3 =	srdreg.scid;
	s11 =	stileid.u32  }
0x4: {  	s1 =	rddreg [dreg:$0x2];
	s28 =	simm.s32 $0xA000;
	s7 =	smul.u32 $0xA00, s11  }
0x5: {  	s29 =	simm.s32 $0xA800;
	s31 =	simm.s32 $0xB000;
	s8 =	smul.u32 $0xA000, s11  }
0x6: {  	s4 =	sand.u32 $0x1, s3;
	s3 =	simm.s32 $0x0;
	s19 =	smul.u32 $0x5000, s11  }
0x7: {  	s30 =	simm.s32 $0x2;
	s5 =	smul.u32 $0x50000, s4;
	[smem:$0x7FF] =	sst s3  }
0x8: {  	s4 =	ssub.s32 $0x2, s4;
	_ =	strace $0x8000004D;
	s9 =	sadd.s32 s7, s0  }
0x9: {  	s10 =	sshrl.u32 s4, $0x1;
	s8 =	sshrl.u32 s8, $0x2;
	s12 =	sshrl.u32 s19, $0x1  }
0xa: {  	s2 =	sadd.s32 s2, s7;
	s17 =	sadd.s32 $0x1000, s19;
	s20 =	sadd.s32 $0x2000, s19  }
0xb: {  	s23 =	sadd.s32 $0x3000, s19;
	s25 =	sadd.s32 $0x4000, s19;
	s6 =	sshrl.u32 s5, $0x4  }
0xc: {  	s10 =	ssub.s32 s4, s10;
	s4 =	sadd.s32 s8, s1;
	s11 =	sadd.s32 $0x5400, s9  }
0xd: {  	[dreg:$0x5] =	wrdreg s2;
	s13 =	sadd.s32 s12, s1;
	s16 =	sadd.s32 s5, s19  }
0xe: {  	s18 =	sshrl.u32 s17, $0x1;
	s21 =	sadd.s32 s5, s20;
	s22 =	sshrl.u32 s20, $0x1  }
0xf: {  	s24 =	sshrl.u32 s23, $0x1;
	s26 =	sshrl.u32 s25, $0x1;
	[dreg:$0x4] =	wrdreg s11  }
0x10: {  	s6 =	sadd.s32 s6, s0;
	s0 =	sadd.s32 $0x41400, s0;
	[dreg:$0x6] =	wrdreg s13  }
0x11: {  	s14 =	smax.u32 s10, $0x1;
	s15 =	sadd.s32 $0x800, s4;
	s11 =	sadd.s32 $0x1000, s4  }
0x12: {  	s12 =	sadd.s32 $0x1800, s4;
	s2 =	sshrl.u32 s16, $0x4;
	s13 =	sadd.s32 $0x2000, s4  }
0x13: {  	s19 =	sadd.s32 s24, s1;
	s24 =	simm.s32 $0x5;
	[dreg:$0x7] =	wrdreg s14  }
0x14: {  	s7 =	sadd.s32 $0x37400, s6;
	[dreg:$0x8] =	wrdreg s15;
	s14 =	sadd.s32 s0, s2  }
0x15: {  	s2 =	sadd.s32 s5, s17;
	s15 =	sadd.s32 s18, s1;
	s6 =	sshrl.u32 s21, $0x4  }
0x16: {  	s17 =	sadd.s32 s22, s1;
	s21 =	sadd.s32 s26, s1;
	s26 =	simm.s32 $0x80  }
0x17: {  	s2 =	sshrl.u32 s2, $0x4;
	s18 =	sadd.s32 s0, s6;
	s6 =	simm.s32 $0x0  }
0x18: {  	s16 =	sadd.s32 s0, s2;
	s2 =	sadd.s32 s5, s23;
	s5 =	sadd.s32 s5, s25  }
0x19: {  	s23 =	simm.s32 $0xC000;
	s2 =	sshrl.u32 s2, $0x4;
	s5 =	sshrl.u32 s5, $0x4  }
0x1a: {  	s25 =	simm.s32 $0x1;
	s20 =	sadd.s32 s0, s2;
	s22 =	sadd.s32 s0, s5  }
0x1b: {  	v0 =	vimm.bf16 $0.0e+00;
	s2 =	simm.s32 $0xB800;
	s0 =	simm.s32 $0x3;
	s5 =	simm.s32 $0x4  }
.LBB2_1:
0x1c: {  	s8 =	simm.s32 $0x40;
	s9 =	simm.s32 $0x0  }
.LBB2_2:
0x1d: {  	p0 =	sne.s32 s8, $0x1FC0;
	[tilespmem:s9+$0xC000] =	vst v0;
	s9 =	smov.u32 s8;
	s8 =	sadd.s32 $0x40, s8  }
.Ltmp0:
0x1e: {  	(pc) =	sbr.rel @p0 .LBB2_2-.Ltmp0, $2  }
0x1f: {  	_ =	sdelay $0x2  }
0x20: {  	s9 =	sshra.s32 s9, $0x2  }
0x21: {  	[tilespmem:s9+$0xC000] =	vst v0  }
0x22: {  	[spmem:s4] =	stream.linear.scatter [tilespmem:s23], [sflag:$0x5], $0x800, $0x38;
	[tilespmem:$0xF000] =	vst v63  }
0x23: {  	_ =	swait.ge [sflag:s24], $0x800  }
0x24: {  	[sflag:s24] =	ssyncset.done $0x0  }
0x25: {  	s8 =	rddreg [dreg:$0x8];
	[sflag:s24] =	ssyncadd.s32 $0xFFFFF800  }
0x26: {  	[spmem:s8] =	stream.linear.scatter [tilespmem:s23], [sflag:$0x5], $0x800, $0x38;
	[tilespmem:$0xF000] =	vst v63  }
0x27: {  	_ =	swait.ge [sflag:s24], $0x800  }
0x28: {  	[sflag:s24] =	ssyncset.done $0x0  }
0x29: {  	[sflag:s24] =	ssyncadd.s32 $0xFFFFF800  }
0x2a: {  	[spmem:s11] =	stream.linear.scatter [tilespmem:s23], [sflag:$0x5], $0x800, $0x38;
	[tilespmem:$0xF000] =	vst v63  }
0x2b: {  	_ =	swait.ge [sflag:s24], $0x800  }
0x2c: {  	[sflag:s24] =	ssyncset.done $0x0  }
0x2d: {  	[sflag:s24] =	ssyncadd.s32 $0xFFFFF800  }
0x2e: {  	[spmem:s12] =	stream.linear.scatter [tilespmem:s23], [sflag:$0x5], $0x800, $0x38;
	[tilespmem:$0xF000] =	vst v63  }
0x2f: {  	_ =	swait.ge [sflag:s24], $0x800  }
0x30: {  	[sflag:s24] =	ssyncset.done $0x0  }
0x31: {  	[sflag:s24] =	ssyncadd.s32 $0xFFFFF800  }
0x32: {  	[spmem:s13] =	stream.linear.scatter [tilespmem:s23], [sflag:$0x5], $0x800, $0x38;
	[tilespmem:$0xF000] =	vst v63  }
0x33: {  	_ =	swait.ge [sflag:s24], $0x800  }
0x34: {  	[sflag:s24] =	ssyncset.done $0x0  }
0x35: {  	[sflag:s24] =	ssyncadd.s32 $0xFFFFF800  }
0x36: {  	[bflag:$0x0] =	sbarrier.arrive $0xFFFF  }
0x37: {  	s8 =	simm.s32 $0x0;
	s10 =	rddreg [dreg:$0x4]  }
0x38: {  	[tilespmem:s8], [sflag:$0x5] =	stream.linear.gather [hbm4b:s10+s8], $0x5000, $0x38;
	[tilespmem:$0xF000] =	vst v63  }
0x39: {  	_ =	swait.ge [sflag:s24], $0x5000  }
0x3a: {  	[sflag:s24] =	ssyncset.done $0x0  }
0x3b: {  	s10 =	simm.s32 $0x5000;
	s9 =	rddreg [dreg:$0x5];
	[sflag:s24] =	ssyncadd.s32 $0xFFFFB000  }
0x3c: {  	[tilespmem:s10], [sflag:$0x5] =	stream.linear.gather [hbm4b:s9+s8], $0x5000, $0x38;
	[tilespmem:$0xF000] =	vst v63  }
0x3d: {  	_ =	swait.ge [sflag:s24], $0x5000  }
0x3e: {  	[sflag:s24] =	ssyncset.done $0x0  }
0x3f: {  	[sflag:s24] =	ssyncadd.s32 $0xFFFFB000  }
0x40: {  	[tilespmem:s28], [sflag:$0x1] =	stream.indirect.gather [hbm4b:s7+s26], $0x10, s8, s26, $0xb8;
	[tilespmem:$0xF000] =	vst v63  }
0x41: {  	_ = 	snop  }
0x42: {  	[tilespmem:s29], [sflag:$0x2] =	stream.indirect.gather [hbm4b:s7+s26], $0x10, s26, s26, $0xb8;
	[tilespmem:$0xF000] =	vst v63  }
0x43: {  	s10 =	simm.s32 $0x100  }
0x44: {  	[tilespmem:s31], [sflag:$0x3] =	stream.indirect.gather [hbm4b:s7+s26], $0x10, s10, s26, $0xb8;
	[tilespmem:$0xF000] =	vst v63  }
0x45: {  	s9 =	simm.s32 $0x180  }
0x46: {  	[tilespmem:s2], [sflag:$0x4] =	stream.indirect.gather [hbm4b:s7+s26], $0x10, s9, s26, $0xb8;
	[tilespmem:$0xF000] =	vst v63  }
0x47: {  	_ =	swait.ge [sflag:s25], $0x800  }
0x48: {  	[sflag:s25] =	ssyncset.done $0x0  }
0x49: {  	s10 =	simm.s32 $0x5000;
	[sflag:s25] =	ssyncadd.s32 $0xFFFFF800  }
0x4a: {  	[spmem:s1] =	stream.indirect.scatter.add.bf16 [tilespmem:s28], [sflag:$0x5], $0x10, s10, s26, $0xb8;
	[tilespmem:$0xF000] =	vst v63  }
0x4b: {  	_ =	swait.ge [sflag:s24], $0x800  }
0x4c: {  	[sflag:s24] =	ssyncset.done $0x0  }
0x4d: {  	s9 =	simm.s32 $0x200;
	[sflag:s24] =	ssyncadd.s32 $0xFFFFF800  }
0x4e: {  	[tilespmem:s28], [sflag:$0x1] =	stream.indirect.gather [hbm4b:s7+s26], $0x10, s9, s26, $0xb8;
	[tilespmem:$0xF000] =	vst v63  }
0x4f: {  	_ =	swait.ge [sflag:s30], $0x800  }
0x50: {  	[sflag:s30] =	ssyncset.done $0x0  }
0x51: {  	s10 =	simm.s32 $0x5080;
	[sflag:s30] =	ssyncadd.s32 $0xFFFFF800  }
0x52: {  	[spmem:s1] =	stream.indirect.scatter.add.bf16 [tilespmem:s29], [sflag:$0x5], $0x10, s10, s26, $0xb8;
	[tilespmem:$0xF000] =	vst v63  }
0x53: {  	_ =	swait.ge [sflag:s24], $0x800  }
0x54: {  	[sflag:s24] =	ssyncset.done $0x0  }
0x55: {  	s9 =	simm.s32 $0x280;
	[sflag:s24] =	ssyncadd.s32 $0xFFFFF800  }
0x56: {  	[tilespmem:s29], [sflag:$0x2] =	stream.indirect.gather [hbm4b:s7+s26], $0x10, s9, s26, $0xb8;
	[tilespmem:$0xF000] =	vst v63  }
0x57: {  	_ =	swait.ge [sflag:s0], $0x800  }
0x58: {  	[sflag:s0] =	ssyncset.done $0x0  }
0x59: {  	s10 =	simm.s32 $0x5100;
	[sflag:s0] =	ssyncadd.s32 $0xFFFFF800  }
0x5a: {  	[spmem:s1] =	stream.indirect.scatter.add.bf16 [tilespmem:s31], [sflag:$0x5], $0x10, s10, s26, $0xb8;
	[tilespmem:$0xF000] =	vst v63  }
0x5b: {  	_ =	swait.ge [sflag:s24], $0x800  }
0x5c: {  	[sflag:s24] =	ssyncset.done $0x0  }
0x5d: {  	s9 =	simm.s32 $0x300;
	[sflag:s24] =	ssyncadd.s32 $0xFFFFF800  }
0x5e: {  	[tilespmem:s31], [sflag:$0x3] =	stream.indirect.gather [hbm4b:s7+s26], $0x10, s9, s26, $0xb8;
	[tilespmem:$0xF000] =	vst v63  }
0x5f: {  	_ =	swait.ge [sflag:s5], $0x800  }
0x60: {  	[sflag:s5] =	ssyncset.done $0x0  }
0x61: {  	s10 =	simm.s32 $0x5180;
	[sflag:s5] =	ssyncadd.s32 $0xFFFFF800  }
0x62: {  	[spmem:s1] =	stream.indirect.scatter.add.bf16 [tilespmem:s2], [sflag:$0x5], $0x10, s10, s26, $0xb8;
	[tilespmem:$0xF000] =	vst v63  }
0x63: {  	_ =	swait.ge [sflag:s24], $0x800  }
0x64: {  	[sflag:s24] =	ssyncset.done $0x0  }
0x65: {  	s8 =	simm.s32 $0x800;
	s9 =	simm.s32 $0x380;
	[sflag:s24] =	ssyncadd.s32 $0xFFFFF800  }
.LBB2_4:
0x66: {  	[tilespmem:s2], [sflag:$0x4] =	stream.indirect.gather [hbm4b:s7+s26], $0x10, s9, s26, $0xb8;
	[tilespmem:$0xF000] =	vst v63  }
0x67: {  	s9 =	smov.u32 s8  }
0x68: {  	p0 =	sne.s32 s8, $0x13000;
	s8 =	sadd.s32 $0x800, s8;
	_ =	swait.ge [sflag:s25], $0x800  }
0x69: {  	s9 =	sshra.s32 s9, $0x2;
	[sflag:s25] =	ssyncset.done $0x0  }
0x6a: {  	s10 =	sadd.s32 $0x5000, s9;
	[sflag:s25] =	ssyncadd.s32 $0xFFFFF800  }
0x6b: {  	[spmem:s1] =	stream.indirect.scatter.add.bf16 [tilespmem:s28], [sflag:$0x5], $0x10, s10, s26, $0xb8;
	[tilespmem:$0xF000] =	vst v63  }
0x6c: {  	_ =	swait.ge [sflag:s24], $0x800  }
0x6d: {  	[sflag:s24] =	ssyncset.done $0x0  }
0x6e: {  	s10 =	sadd.s32 $0x200, s9;
	[sflag:s24] =	ssyncadd.s32 $0xFFFFF800  }
0x6f: {  	[tilespmem:s28], [sflag:$0x1] =	stream.indirect.gather [hbm4b:s7+s26], $0x10, s10, s26, $0xb8;
	[tilespmem:$0xF000] =	vst v63  }
0x70: {  	_ =	swait.ge [sflag:s30], $0x800  }
0x71: {  	[sflag:s30] =	ssyncset.done $0x0  }
0x72: {  	s10 =	sadd.s32 $0x5080, s9;
	[sflag:s30] =	ssyncadd.s32 $0xFFFFF800  }
0x73: {  	[spmem:s1] =	stream.indirect.scatter.add.bf16 [tilespmem:s29], [sflag:$0x5], $0x10, s10, s26, $0xb8;
	[tilespmem:$0xF000] =	vst v63  }
0x74: {  	_ =	swait.ge [sflag:s24], $0x800  }
0x75: {  	[sflag:s24] =	ssyncset.done $0x0  }
0x76: {  	s10 =	sadd.s32 $0x280, s9;
	[sflag:s24] =	ssyncadd.s32 $0xFFFFF800  }
0x77: {  	[tilespmem:s29], [sflag:$0x2] =	stream.indirect.gather [hbm4b:s7+s26], $0x10, s10, s26, $0xb8;
	[tilespmem:$0xF000] =	vst v63  }
0x78: {  	_ =	swait.ge [sflag:s0], $0x800  }
0x79: {  	[sflag:s0] =	ssyncset.done $0x0  }
0x7a: {  	s10 =	sadd.s32 $0x5100, s9;
	[sflag:s0] =	ssyncadd.s32 $0xFFFFF800  }
0x7b: {  	[spmem:s1] =	stream.indirect.scatter.add.bf16 [tilespmem:s31], [sflag:$0x5], $0x10, s10, s26, $0xb8;
	[tilespmem:$0xF000] =	vst v63  }
0x7c: {  	_ =	swait.ge [sflag:s24], $0x800  }
0x7d: {  	[sflag:s24] =	ssyncset.done $0x0  }
0x7e: {  	s10 =	sadd.s32 $0x300, s9;
	[sflag:s24] =	ssyncadd.s32 $0xFFFFF800  }
0x7f: {  	[tilespmem:s31], [sflag:$0x3] =	stream.indirect.gather [hbm4b:s7+s26], $0x10, s10, s26, $0xb8;
	[tilespmem:$0xF000] =	vst v63  }
0x80: {  	_ =	swait.ge [sflag:s5], $0x800  }
0x81: {  	[sflag:s5] =	ssyncset.done $0x0  }
.Ltmp1:
0x82: {  	s10 =	sadd.s32 $0x5180, s9;
	[sflag:s5] =	ssyncadd.s32 $0xFFFFF800;
	(pc) =	sbr.rel @p0 .LBB2_4-.Ltmp1, $4  }
0x83: {  	[spmem:s1] =	stream.indirect.scatter.add.bf16 [tilespmem:s2], [sflag:$0x5], $0x10, s10, s26, $0xb8;
	[tilespmem:$0xF000] =	vst v63  }
0x84: {  	_ =	swait.ge [sflag:s24], $0x800  }
0x85: {  	[sflag:s24] =	ssyncset.done $0x0  }
0x86: {  	s9 =	sadd.s32 $0x380, s9;
	[sflag:s24] =	ssyncadd.s32 $0xFFFFF800  }
0x87: {  	[tilespmem:s2], [sflag:$0x4] =	stream.indirect.gather [hbm4b:s7+s26], $0x10, s9, s26, $0xb8;
	[tilespmem:$0xF000] =	vst v63  }
0x88: {  	_ =	swait.ge [sflag:s25], $0x800  }
0x89: {  	[sflag:s25] =	ssyncset.done $0x0  }
0x8a: {  	s8 =	simm.s32 $0x9E00;
	[sflag:s25] =	ssyncadd.s32 $0xFFFFF800  }
0x8b: {  	[spmem:s1] =	stream.indirect.scatter.add.bf16 [tilespmem:s28], [sflag:$0x5], $0x10, s8, s26, $0xb8;
	[tilespmem:$0xF000] =	vst v63  }
0x8c: {  	_ =	swait.ge [sflag:s24], $0x800  }
0x8d: {  	[sflag:s24] =	ssyncset.done $0x0  }
0x8e: {  	[sflag:s24] =	ssyncadd.s32 $0xFFFFF800  }
0x8f: {  	_ =	swait.ge [sflag:s30], $0x800  }
0x90: {  	[sflag:s30] =	ssyncset.done $0x0  }
0x91: {  	s10 =	simm.s32 $0x9E80;
	[sflag:s30] =	ssyncadd.s32 $0xFFFFF800  }
0x92: {  	[spmem:s1] =	stream.indirect.scatter.add.bf16 [tilespmem:s29], [sflag:$0x5], $0x10, s10, s26, $0xb8;
	[tilespmem:$0xF000] =	vst v63  }
0x93: {  	_ =	swait.ge [sflag:s24], $0x800  }
0x94: {  	[sflag:s24] =	ssyncset.done $0x0  }
0x95: {  	[sflag:s24] =	ssyncadd.s32 $0xFFFFF800  }
0x96: {  	_ =	swait.ge [sflag:s0], $0x800  }
0x97: {  	[sflag:s0] =	ssyncset.done $0x0  }
0x98: {  	s9 =	simm.s32 $0x9F00;
	[sflag:s0] =	ssyncadd.s32 $0xFFFFF800  }
0x99: {  	[spmem:s1] =	stream.indirect.scatter.add.bf16 [tilespmem:s31], [sflag:$0x5], $0x10, s9, s26, $0xb8;
	[tilespmem:$0xF000] =	vst v63  }
0x9a: {  	_ =	swait.ge [sflag:s24], $0x800  }
0x9b: {  	[sflag:s24] =	ssyncset.done $0x0  }
0x9c: {  	[sflag:s24] =	ssyncadd.s32 $0xFFFFF800  }
0x9d: {  	_ =	swait.ge [sflag:s5], $0x800  }
0x9e: {  	[sflag:s5] =	ssyncset.done $0x0  }
0x9f: {  	s10 =	simm.s32 $0x9F80;
	[sflag:s5] =	ssyncadd.s32 $0xFFFFF800  }
0xa0: {  	[spmem:s1] =	stream.indirect.scatter.add.bf16 [tilespmem:s2], [sflag:$0x5], $0x10, s10, s26, $0xb8;
	[tilespmem:$0xF000] =	vst v63  }
0xa1: {  	_ =	swait.ge [sflag:s24], $0x800  }
0xa2: {  	[sflag:s24] =	ssyncset.done $0x0  }
0xa3: {  	[sflag:s24] =	ssyncadd.s32 $0xFFFFF800  }
0xa4: {  	[bflag:$0x0] =	sbarrier.arrive $0xFFFF  }
0xa5: {  	s9 =	rddreg [dreg:$0x6]  }
0xa6: {  	[tilespmem:s23], [sflag:$0x5] =	stream.linear.gather [spmem:s9], $0x800, $0x38;
	[tilespmem:$0xF000] =	vst v63  }
0xa7: {  	_ =	swait.ge [sflag:s24], $0x800  }
0xa8: {  	[sflag:s24] =	ssyncset.done $0x0  }
0xa9: {  	[sflag:s24] =	ssyncadd.s32 $0xFFFFF800  }
0xaa: {  	[hbm4b:s14+s3] =	stream.linear.scatter [tilespmem:s23], [sflag:$0x5], $0x800, $0x38;
	[tilespmem:$0xF000] =	vst v63  }
0xab: {  	_ =	swait.ge [sflag:s24], $0x800  }
0xac: {  	[sflag:s24] =	ssyncset.done $0x0  }
0xad: {  	[sflag:s24] =	ssyncadd.s32 $0xFFFFF800  }
0xae: {  	[tilespmem:s23], [sflag:$0x5] =	stream.linear.gather [spmem:s15], $0x800, $0x38;
	[tilespmem:$0xF000] =	vst v63  }
0xaf: {  	_ =	swait.ge [sflag:s24], $0x800  }
0xb0: {  	[sflag:s24] =	ssyncset.done $0x0  }
0xb1: {  	[sflag:s24] =	ssyncadd.s32 $0xFFFFF800  }
0xb2: {  	[hbm4b:s16+s3] =	stream.linear.scatter [tilespmem:s23], [sflag:$0x5], $0x800, $0x38;
	[tilespmem:$0xF000] =	vst v63  }
0xb3: {  	_ =	swait.ge [sflag:s24], $0x800  }
0xb4: {  	[sflag:s24] =	ssyncset.done $0x0  }
0xb5: {  	[sflag:s24] =	ssyncadd.s32 $0xFFFFF800  }
0xb6: {  	[tilespmem:s23], [sflag:$0x5] =	stream.linear.gather [spmem:s17], $0x800, $0x38;
	[tilespmem:$0xF000] =	vst v63  }
0xb7: {  	_ =	swait.ge [sflag:s24], $0x800  }
0xb8: {  	[sflag:s24] =	ssyncset.done $0x0  }
0xb9: {  	[sflag:s24] =	ssyncadd.s32 $0xFFFFF800  }
0xba: {  	[hbm4b:s18+s3] =	stream.linear.scatter [tilespmem:s23], [sflag:$0x5], $0x800, $0x38;
	[tilespmem:$0xF000] =	vst v63  }
0xbb: {  	_ =	swait.ge [sflag:s24], $0x800  }
0xbc: {  	[sflag:s24] =	ssyncset.done $0x0  }
0xbd: {  	[sflag:s24] =	ssyncadd.s32 $0xFFFFF800  }
0xbe: {  	[tilespmem:s23], [sflag:$0x5] =	stream.linear.gather [spmem:s19], $0x800, $0x38;
	[tilespmem:$0xF000] =	vst v63  }
0xbf: {  	_ =	swait.ge [sflag:s24], $0x800  }
0xc0: {  	[sflag:s24] =	ssyncset.done $0x0  }
0xc1: {  	[sflag:s24] =	ssyncadd.s32 $0xFFFFF800  }
0xc2: {  	[hbm4b:s20+s3] =	stream.linear.scatter [tilespmem:s23], [sflag:$0x5], $0x800, $0x38;
	[tilespmem:$0xF000] =	vst v63  }
0xc3: {  	_ =	swait.ge [sflag:s24], $0x800  }
0xc4: {  	[sflag:s24] =	ssyncset.done $0x0  }
0xc5: {  	[sflag:s24] =	ssyncadd.s32 $0xFFFFF800  }
0xc6: {  	[tilespmem:s23], [sflag:$0x5] =	stream.linear.gather [spmem:s21], $0x800, $0x38;
	[tilespmem:$0xF000] =	vst v63  }
0xc7: {  	_ =	swait.ge [sflag:s24], $0x800  }
0xc8: {  	[sflag:s24] =	ssyncset.done $0x0  }
0xc9: {  	[sflag:s24] =	ssyncadd.s32 $0xFFFFF800  }
0xca: {  	[hbm4b:s22+s3] =	stream.linear.scatter [tilespmem:s23], [sflag:$0x5], $0x800, $0x38;
	[tilespmem:$0xF000] =	vst v63  }
0xcb: {  	_ =	swait.ge [sflag:s24], $0x800  }
0xcc: {  	s6 =	sadd.s32 $0x1, s6;
	s10 =	rddreg [dreg:$0x7]  }
0xcd: {  	p0 =	sne.s32 s6, s10  }
.Ltmp2:
0xce: {  	_ = 	snop;
	(pc) =	sbr.rel @p0 .LBB2_1-.Ltmp2, $3  }
0xcf: {  	_ =	sdelay $0x1  }
0xd0: {  	[sflag:s24] =	ssyncset.done $0x0  }
0xd1: {  	[sflag:s24] =	ssyncadd.s32 $0xFFFFF800  }
0xd2: {  	_ =	sfence.sel $0x180000  }
0xd3: {  	[bflag:$0x0] =	sbarrier.arrive $0xFFFF  }
0xd4: {  	_ =	strace $0x9000004D  }
0xd5: {  	s0 =	stileid.u32;
	[bflag:$0x2] =	sbarrier.arrive $0xFFFF  }
0xd6: {  	p0 =	sne.s32 s0, $0x0;
	s0 =	rddreg [dreg:$0x3]  }
0xd7: {  	s0 =	sadd.s32 @!p0 $0x100000, s0  }
0xd8: {  	[sflag:s0] =	ssyncadd.tile.s32 @!p0 $0x1;
	_ =	shalt  }
.Lfunc_end2:
_tile_overlayer_lowered:
.L_overlay_start_2:
0xd9: {  	(tag) =	ssettag $0x2  }
0xda: {  	s0 =	rddreg [dreg:$0x0];
	s2 =	stileid.u32  }
0xdb: {  	s1 =	rddreg [dreg:$0x1];
	p0 =	sne.s32 s2, $0x0  }
0xdc: {  	s3 =	rddreg [dreg:$0x2];
	[bflag:$0x3] =	sbarrier.arrive $0xFFFF;
	s2 =	simm.s32 @!p0 $0x1C05  }
0xdd: {  	[timem:s3], [sflag:s2] =	dma.local @!p0 [hbm:s0], s1  }
0xde: {  	s0 =	simm.s32 @!p0 $0x5  }
0xdf: {  	_ =	swait.ge @!p0 [sflag:s0], s1  }
0xe0: {  	s1 =	ssub.s32 @!p0 $0x0, s1;
	[sflag:s0] =	ssyncset.done @!p0 $0x0  }
0xe1: {  	[sflag:s0] =	ssyncadd.s32 @!p0 s1  }
0xe2: {  	[bflag:$0x3] =	sbarrier.arrive $0xFFFF  }
0xe3: {  	_ =	shalt  }

// kernel: kernel.8.cloned.1.call-start
scs
__scs_entry_jumppad:
0x0: {  	(pc) =	sbr.rel $0x88, $3  }
0x1: {  	(tag) =	ssettag $0x0;
	lr =	simm.s32 $0x1  }
0x2: {  	[smem:$0x3F8F] =	sst lr;
	_ =	strace $0xD0000000  }
0x3: {  	_ = 	snop  }
0x4: {  	_ = 	snop  }
0x5: {  	_ = 	snop  }
0x6: {  	_ = 	snop  }
0x7: {  	_ = 	snop  }
__scs_overlays_trampoline_lowered:
0x8: {  	[smem:$0x3F9E] =	sst s0  }
0x9: {  	[smem:$0x3F9F] =	sst s1  }
0xa: {  	[smem:$0x3FA0] =	sst s2  }
0xb: {  	[smem:$0x3FA1] =	sst s3  }
0xc: {  	[smem:$0x3FA2] =	sst s4  }
0xd: {  	[smem:$0x3FA3] =	sst s5  }
0xe: {  	[smem:$0x3FA4] =	sst s6  }
0xf: {  	[smem:$0x3FA5] =	sst s7  }
0x10: {  	[smem:$0x3FA6] =	sst s8  }
0x11: {  	[smem:$0x3FA7] =	sst s9;
	s0 =	simm.s32 @!p0 $0x0  }
0x12: {  	s1 =	sld [smem:$0x3F8D];
	s0 =	simm.s32 @p0 $0x1  }
0x13: {  	[smem:$0x3FA8] =	sst s0;
	s0 =	simm.s32 @!p1 $0x0  }
0x14: {  	s2 =	sld [smem:$0x3F8C];
	s0 =	simm.s32 @p1 $0x1  }
0x15: {  	[smem:$0x3FA9] =	sst s0;
	s0 =	simm.s32 @!p2 $0x0  }
0x16: {  	s3 =	sld [smem:$0x3FDB];
	s0 =	simm.s32 @p2 $0x1  }
0x17: {  	s4 =	simm.s32 $0x1BF5;
	[smem:$0x3FAB] =	sst s0  }
0x18: {  	s0 =	sld [smem:$0x3F8E];
	_ =	swait.ge [sflag:s4], $0x0  }
0x19: {  	s7 =	sld [smem:$0x3F8F]  }
0x1a: {  	s8 =	sadd.s32 $0xFFFFE003, lr  }
0x1b: {  	s9 =	sadd.s32 $0xFFFFFEF7, lr;
	s5 =	simm.s32 $0xFFFFFFFF;
	p2 =	slt.u32 s8, $0xFFFFF086  }
0x1c: {  	p1 =	slt.u32 s9, $0xF7A;
	s5 =	simm.s32 @!p2 $0x0  }
0x1d: {  	s5 =	simm.s32 @p1 $0x1;
	p0 =	seq.s32 s7, s2  }
0x1e: {  	s7 =	smul.u32 @!p0 $0xF7A, s2;
	p2 =	seq.s32 @!p0 s5, $0x0  }
0x1f: {  	s9 =	smul.u32 $0xF7A, s1;
	s8 =	simm.s32 @!p0 $0x1BF5;
	p2 =	por !p2, p0  }
0x20: {  	[sflag:s8] =	ssyncset.s32 @!p0 $0xFFFFF086;
	s6 =	sadd.s32 @!p0 s3, s7;
	s7 =	simm.s32 @!p0 $0x108  }
0x21: {  	s3 =	sadd.s32 s3, s9;
	s6 =	sadd.s32 @!p0 $0x88, s6;
	s7 =	simm.s32 @p2 $0x1082  }
0x22: {  	[simem:s7], [sflag:s8] =	dma.local @!p0 [hbm:s6], $0xF7A  }
0x23: {  	s9 =	sor.u32 $0xD0000000, s2;
	s6 =	simm.s32 $0x108;
	_ =	swait.ge @!p0 [sflag:s8], $0x0  }
0x24: {  	s3 =	sadd.s32 $0x88, s3;
	s6 =	simm.s32 @!p1 $0x1082;
	[sflag:s4] =	ssyncset.s32 $0xFFFFF086  }
0x25: {  	[simem:s6], [sflag:s4] =	dma.local [hbm:s3], $0xF7A  }
0x26: {  	[smem:$0x3F8F] =	sst s1;
	(tag) =	ssettag s2;
	_ =	strace s9  }
0x27: {  	s1 =	sld [smem:$0x3F9F]  }
0x28: {  	s2 =	sld [smem:$0x3FA0]  }
0x29: {  	s4 =	sld [smem:$0x3FA2]  }
0x2a: {  	p0 =	seq.s32 s5, $0x0;
	s5 =	sld [smem:$0x3FA3]  }
0x2b: {  	s6 =	sld [smem:$0x3FA4]  }
0x2c: {  	s7 =	sld [smem:$0x3FA5]  }
0x2d: {  	s3 =	simm.s32 $0x108;
	s8 =	sld [smem:$0x3FA6]  }
0x2e: {  	s3 =	simm.s32 @!p0 $0x1082;
	s9 =	sld [smem:$0x3FA7]  }
0x2f: {  	lr =	sadd.s32 s0, s3;
	s0 =	sld [smem:$0x3F9E]  }
0x30: {  	s3 =	sld [smem:$0x3FA1]  }
0x31: {  	[smem:$0x3FAA] =	sst s10  }
0x32: {  	s10 =	sld [smem:$0x3FA8];
	_ =	sdelay $0x3  }
0x33: {  	p0 =	seq.s32 s10, $0x1;
	s10 =	sld [smem:$0x3FAA];
	_ =	sdelay $0x3  }
0x34: {  	[smem:$0x3FAA] =	sst s10  }
0x35: {  	s10 =	sld [smem:$0x3FA9];
	_ =	sdelay $0x3  }
0x36: {  	p1 =	seq.s32 s10, $0x1;
	s10 =	sld [smem:$0x3FAA];
	_ =	sdelay $0x3  }
0x37: {  	[smem:$0x3FAA] =	sst s10  }
0x38: {  	s10 =	sld [smem:$0x3FAB]  }
0x39: {  	_ = 	snop;
	(pc) =	sbr.ind lr, $3  }
0x3a: {  	_ = 	snop  }
0x3b: {  	_ = 	snop  }
0x3c: {  	p2 =	seq.s32 s10, $0x1;
	s10 =	sld [smem:$0x3FAA]  }
0x3d: {  	_ =	shalt  }
0x3e: {  	_ =	shalt  }
0x3f: {  	_ =	shalt  }
0x40: {  	_ =	shalt  }
0x41: {  	_ =	shalt  }
0x42: {  	_ =	shalt  }
0x43: {  	_ =	shalt  }
0x44: {  	_ =	shalt  }
0x45: {  	_ =	shalt  }
0x46: {  	_ =	shalt  }
0x47: {  	_ =	shalt  }
0x48: {  	_ =	shalt  }
0x49: {  	_ =	shalt  }
0x4a: {  	_ =	shalt  }
0x4b: {  	_ =	shalt  }
0x4c: {  	_ =	shalt  }
0x4d: {  	_ =	shalt  }
0x4e: {  	_ =	shalt  }
0x4f: {  	_ =	shalt  }
0x50: {  	_ =	shalt  }
0x51: {  	_ =	shalt  }
0x52: {  	_ =	shalt  }
0x53: {  	_ =	shalt  }
0x54: {  	_ =	shalt  }
0x55: {  	_ =	shalt  }
0x56: {  	_ =	shalt  }
0x57: {  	_ =	shalt  }
0x58: {  	_ =	shalt  }
0x59: {  	_ =	shalt  }
0x5a: {  	_ =	shalt  }
0x5b: {  	_ =	shalt  }
0x5c: {  	_ =	shalt  }
0x5d: {  	_ =	shalt  }
0x5e: {  	_ =	shalt  }
0x5f: {  	_ =	shalt  }
0x60: {  	_ =	shalt  }
0x61: {  	_ =	shalt  }
0x62: {  	_ =	shalt  }
0x63: {  	_ =	shalt  }
0x64: {  	_ =	shalt  }
0x65: {  	_ =	shalt  }
0x66: {  	_ =	shalt  }
0x67: {  	_ =	shalt  }
0x68: {  	_ =	shalt  }
0x69: {  	_ =	shalt  }
0x6a: {  	_ =	shalt  }
0x6b: {  	_ =	shalt  }
0x6c: {  	_ =	shalt  }
0x6d: {  	_ =	shalt  }
0x6e: {  	_ =	shalt  }
0x6f: {  	_ =	shalt  }
0x70: {  	_ =	shalt  }
0x71: {  	_ =	shalt  }
0x72: {  	_ =	shalt  }
0x73: {  	_ =	shalt  }
0x74: {  	_ =	shalt  }
0x75: {  	_ =	shalt  }
0x76: {  	_ =	shalt  }
0x77: {  	_ =	shalt  }
0x78: {  	_ =	shalt  }
0x79: {  	_ =	shalt  }
0x7a: {  	_ =	shalt  }
0x7b: {  	_ =	shalt  }
0x7c: {  	_ =	shalt  }
0x7d: {  	_ =	shalt  }
0x7e: {  	_ =	shalt  }
0x7f: {  	_ =	shalt  }
0x80: {  	_ =	shalt  }
0x81: {  	_ =	shalt  }
0x82: {  	_ =	shalt  }
0x83: {  	_ =	shalt  }
0x84: {  	_ =	shalt  }
0x85: {  	_ =	shalt  }
0x86: {  	_ =	shalt  }
0x87: {  	_ =	shalt  }
.Lfunc_end0:
.L_simem_size_0:
called_computation_lowered:
.L_overlay_start_0:
0x88: {  	s2 =	sld [smem:$0x3FD9]  }
0x89: {  	s3 =	sld [smem:$0x3FFE];
	_ =	sdelay $0x1  }
0x8a: {  	s1 =	srdreg.scid  }
0x8b: {  	s0 =	sand.u32 $0x1, s1  }
0x8c: {  	s17 =	sshll.u32 s0, $0xA;
	s2 =	sadd.s32 s3, s2  }
0x8d: {  	s2 =	sadd.s32 s2, s17  }
0x8e: {  	[smem:$0x3FB6] =	sst s2  }
0x8f: {  	_ = 	snop  }
0x90: {  	s2 =	sld [smem:$0x3FD0];
	(tm) =	ssettm $0x1  }
0x91: {  	s18 =	sld [smem:$0x3FFB];
	_ =	sdelay $0x3  }
0x92: {  	_ =	strace s18  }
0x93: {  	s3 =	sld [smem:$0x3FFC];
	_ =	sdelay $0x3  }
0x94: {  	_ =	strace s3  }
0x95: {  	s3 =	sld [smem:$0x3FFD];
	_ =	sdelay $0x3  }
0x96: {  	_ =	strace s3  }
0x97: {  	_ =	strace $0x8FFFFFFF  }
0x98: {  	s19 =	sld [smem:$0x3FDB];
	_ =	sdelay $0x1  }
0x99: {  	s4 =	simm.s32 $_scs_section_size  }
0x9a: {  	s5 =	simm.s32 $_size__tile_overlayer_lowered;
	s6 =	simm.s32 $_tile_overlayer_lowered  }
0x9b: {  	s22 =	simm.s32 $0x1BFF;
	s21 =	sshll.u32 s6, $0x1;
	s3 =	sadd.s32 s4, s19  }
0x9c: {  	s7 =	simm.s32 $0x0;
	s20 =	sshll.u32 s5, $0x1;
	s5 =	sadd.s32 s21, s3  }
0x9d: {  	[timem:s7], [sflag:s22] =	dma.local [hbm:s5], s20  }
0x9e: {  	_ =	swait.ge [sflag:s22], s20  }
0x9f: {  	s4 =	ssub.s32 $0x0, s20;
	[sflag:s22] =	ssyncset.done $0x0  }
0xa0: {  	[sflag:s22] =	ssyncadd.s32 s4;
	_ =	sdelay $0x1  }
0xa1: {  	s23 =	simm.s32 $0x1B8B  }
0xa2: {  	_ =	swait.ge [sflag:s23], $0x1  }
0xa3: {  	[sflag:s23] =	ssyncset.done $0x0  }
0xa4: {  	s25 =	simm.s32 $0x1B8E;
	s24 =	sld [smem:$0x3FFE];
	[sflag:s23] =	ssyncadd.s32 $0xFFFFFFFF  }
0xa5: {  	s26 =	simm.s32 $execute0_lowered;
	[smem:$0x3FD2] =	sst s25  }
0xa6: {  	s5 =	sshll.u32 s26, $0x1;
	_ =	strace $0x80000046;
	[dreg:$0x1] =	wrdreg $0xFFFFFFFF  }
0xa7: {  	s28 =	simm.s32 $_size_execute0_lowered;
	s3 =	sadd.s32 s3, s5;
	[dreg:$0x0] =	wrdreg $0x0  }
0xa8: {  	s5 =	sshll.u32 s28, $0x1;
	[dreg:$0x2] =	wrdreg s3  }
0xa9: {  	[dreg:$0x3] =	wrdreg s5  }
0xaa: {  	[dreg:$0x4] =	wrdreg $0xC0  }
0xab: {  	_ =	task [dreg:s7], $0x5FFFF  }
0xac: {  	[dreg:$0x1] =	wrdreg $0xFFFFFFFF  }
0xad: {  	[dreg:$0x0] =	wrdreg $0x60  }
0xae: {  	[dreg:$0x2] =	wrdreg s2  }
0xaf: {  	[dreg:$0x3] =	wrdreg s24  }
0xb0: {  	[dreg:$0x4] =	wrdreg $0x29000  }
0xb1: {  	[dreg:$0x5] =	wrdreg $0x9  }
0xb2: {  	_ =	task.clear_ibuf [dreg:s7], $0x6FFFF;
	_ =	strace $0x90000046  }
0xb3: {  	s29 =	simm.s32 $0x9;
	_ =	strace $0x80000048  }
0xb4: {  	_ =	swait.ge [sflag:s29], $0x1  }
0xb5: {  	[sflag:s29] =	ssyncadd.s32 $0xFFFFFFFF  }
0xb6: {  	_ =	strace $0x90000048  }
0xb7: {  	_ =	sfence  }
0xb8: {  	s30 =	sld [smem:$0x0];
	_ =	sdelay $0x2  }
0xb9: {  	s31 =	sshll.u32 s1, $0xD;
	s1 =	sshrl.u32 s1, $0x2  }
0xba: {  	s3 =	sand.u32 $0x4000, s31;
	s1 =	sadd.s32 s1, s30  }
0xbb: {  	s0 =	sor.u32 s3, s0;
	s1 =	sshll.u32 s1, $0x11  }
0xbc: {  	s0 =	sor.u32 s1, s0  }
0xbd: {  	s0 =	sadd.s32 $0x8F2B, s0  }
0xbe: {  	[sflag:s0] =	ssyncadd.remote.s32 $0x1  }
0xbf: {  	_ =	sfence.sel $0xFFFF  }
0xc0: {  	[dreg:$0x0] =	wrdreg $0xFFFFFFFF;
	(pc) =	sbr.abs _section_cstart, $3  }
0xc1: {  	[dreg:$0x1] =	wrdreg $0xFFFFFFFF  }
0xc2: {  	_ =	task.clear_ibuf [dreg:s7], $0x2FFFF;
	_ =	strace $0x9FFFFFFF  }
0xc3: {  	(tm) =	ssettm $0x7FFFFFFF  }
tec
execute0_lowered:
.L_overlay_start_1:
0x0: {  	(tag) =	ssettag $0x1  }
0x1: {  	s0 =	rddreg [dreg:$0x0]  }
0x2: {  	s2 =	rddreg [dreg:$0x1]  }
0x3: {  	s1 =	rddreg [dreg:$0x2]  }
0x4: {  	s3 =	srdreg.scid;
	s9 =	stileid.u32;
	s21 =	simm.s32 $0x2880  }
0x5: {  	s22 =	simm.s32 $0x5;
	s23 =	simm.s32 $0x80;
	s28 =	simm.s32 $0x1  }
0x6: {  	s29 =	simm.s32 $0x2;
	s30 =	simm.s32 $0x3;
	s31 =	simm.s32 $0x4  }
0x7: {  	s6 =	sand.u32 $0x1, s3;
	s3 =	simm.s32 $0x0;
	s5 =	smul.u32 $0xA00, s9  }
0x8: {  	s17 =	smul.u32 $0x280, s9;
	s2 =	sadd.s32 $0x4A00, s2;
	s4 =	sshll.u32 s6, $0x4  }
0x9: {  	[smem:$0x7FF] =	sst s3;
	s7 =	ssub.s32 $0x2, s6;
	s25 =	smul.u32 $0x2800, s6  }
0xa: {  	s4 =	sor.u32 s9, s4;
	_ =	strace $0x80000047;
	s24 =	sshrl.u32 s7, $0x1  }
0xb: {  	s5 =	sshrl.u32 s5, $0x2;
	s6 =	sadd.s32 s17, s1;
	s13 =	sadd.s32 $0x80, s17  }
0xc: {  	s15 =	sadd.s32 $0x100, s17;
	s18 =	sadd.s32 $0x180, s17;
	s20 =	sadd.s32 $0x200, s17  }
0xd: {  	s8 =	smul.u32 $0x500, s4;
	s7 =	ssub.s32 s7, s24;
	s4 =	sadd.s32 s5, s1  }
0xe: {  	s12 =	sadd.s32 s25, s17;
	s14 =	sadd.s32 s25, s13;
	s13 =	sadd.s32 s13, s1  }
0xf: {  	s16 =	sadd.s32 s25, s15;
	s15 =	sadd.s32 s15, s1;
	s19 =	sadd.s32 s25, s18  }
0x10: {  	s17 =	sadd.s32 s18, s1;
	s24 =	simm.s32 $0x2800;
	s7 =	smax.u32 s7, $0x1  }
0x11: {  	s9 =	sadd.s32 $0x100, s4;
	s10 =	sadd.s32 $0x180, s4;
	s11 =	sadd.s32 $0x200, s4  }
0x12: {  	s12 =	sshrl.u32 s12, $0x3;
	s14 =	sshrl.u32 s14, $0x3;
	s16 =	sshrl.u32 s16, $0x3  }
0x13: {  	s26 =	sshrl.u32 s19, $0x3;
	s19 =	sadd.s32 s20, s1;
	s5 =	sadd.s32 s0, s8  }
0x14: {  	s8 =	sadd.s32 $0x80, s4;
	s12 =	sadd.s32 s2, s12;
	s0 =	sadd.s32 s25, s20  }
0x15: {  	s14 =	sadd.s32 s2, s14;
	s16 =	sadd.s32 s2, s16;
	s0 =	sshrl.u32 s0, $0x3  }
0x16: {  	v0 =	vimm.f32 $1.000000000e+00;
	v1 =	vimm.f32 $0.0e+00;
	s18 =	sadd.s32 s2, s26;
	s20 =	sadd.s32 s2, s0;
	s0 =	simm.s32 $0x0  }
.LBB2_1:
0x17: {  	[tilespmem:$0x2800] =	vst v0  }
0x18: {  	[tilespmem:$0x2880] =	vst v1  }
0x19: {  	[tilespmem:$0x2810] =	vst v0  }
0x1a: {  	[tilespmem:$0x2890] =	vst v1  }
0x1b: {  	[tilespmem:$0x2820] =	vst v0  }
0x1c: {  	[tilespmem:$0x28A0] =	vst v1  }
0x1d: {  	[tilespmem:$0x2830] =	vst v0  }
0x1e: {  	[tilespmem:$0x28B0] =	vst v1  }
0x1f: {  	[tilespmem:$0x2840] =	vst v0  }
0x20: {  	[tilespmem:$0x28C0] =	vst v1  }
0x21: {  	[tilespmem:$0x2850] =	vst v0  }
0x22: {  	[tilespmem:$0x28D0] =	vst v1  }
0x23: {  	[tilespmem:$0x2860] =	vst v0  }
0x24: {  	[tilespmem:$0x28E0] =	vst v1  }
0x25: {  	[tilespmem:$0x2870] =	vst v0  }
0x26: {  	[tilespmem:$0x28F0] =	vst v1  }
0x27: {  	[spmem:s4] =	stream.linear.scatter [tilespmem:s21], [sflag:$0x5], $0x80, $0x38;
	[tilespmem:$0x2B80] =	vst v63  }
0x28: {  	_ =	swait.ge [sflag:s22], $0x80  }
0x29: {  	[sflag:s22] =	ssyncset.done $0x0  }
0x2a: {  	[sflag:s22] =	ssyncadd.s32 $0xFFFFFF80  }
0x2b: {  	[spmem:s8] =	stream.linear.scatter [tilespmem:s21], [sflag:$0x5], $0x80, $0x38;
	[tilespmem:$0x2B80] =	vst v63  }
0x2c: {  	_ =	swait.ge [sflag:s22], $0x80  }
0x2d: {  	[sflag:s22] =	ssyncset.done $0x0  }
0x2e: {  	[sflag:s22] =	ssyncadd.s32 $0xFFFFFF80  }
0x2f: {  	[spmem:s9] =	stream.linear.scatter [tilespmem:s21], [sflag:$0x5], $0x80, $0x38;
	[tilespmem:$0x2B80] =	vst v63  }
0x30: {  	_ =	swait.ge [sflag:s22], $0x80  }
0x31: {  	[sflag:s22] =	ssyncset.done $0x0  }
0x32: {  	[sflag:s22] =	ssyncadd.s32 $0xFFFFFF80  }
0x33: {  	[spmem:s10] =	stream.linear.scatter [tilespmem:s21], [sflag:$0x5], $0x80, $0x38;
	[tilespmem:$0x2B80] =	vst v63  }
0x34: {  	_ =	swait.ge [sflag:s22], $0x80  }
0x35: {  	[sflag:s22] =	ssyncset.done $0x0  }
0x36: {  	[sflag:s22] =	ssyncadd.s32 $0xFFFFFF80  }
0x37: {  	[spmem:s11] =	stream.linear.scatter [tilespmem:s21], [sflag:$0x5], $0x80, $0x38;
	[tilespmem:$0x2B80] =	vst v63  }
0x38: {  	_ =	swait.ge [sflag:s22], $0x80  }
0x39: {  	[sflag:s22] =	ssyncset.done $0x0  }
0x3a: {  	[sflag:s22] =	ssyncadd.s32 $0xFFFFFF80  }
0x3b: {  	[bflag:$0x0] =	sbarrier.arrive $0xFFFF  }
0x3c: {  	[tilespmem:s3], [sflag:$0x5] =	stream.linear.gather [hbm4b:s5+s3], $0x2800, $0x38;
	[tilespmem:$0x2B80] =	vst v63  }
0x3d: {  	_ =	swait.ge [sflag:s22], $0x2800  }
0x3e: {  	[sflag:s22] =	ssyncset.done $0x0  }
0x3f: {  	[sflag:s22] =	ssyncadd.s32 $0xFFFFD800  }
0x40: {  	[spmem:s1] =	stream.indirect.scatter.add.f32 [tilespmem:s24], [sflag:$0x1], $0x1, s3, s23, $0xb8;
	[tilespmem:$0x2B80] =	vst v63  }
0x41: {  	_ = 	snop  }
0x42: {  	[spmem:s1] =	stream.indirect.scatter.add.f32 [tilespmem:s24], [sflag:$0x2], $0x1, s23, s23, $0xb8;
	[tilespmem:$0x2B80] =	vst v63  }
0x43: {  	s2 =	simm.s32 $0x100  }
0x44: {  	[spmem:s1] =	stream.indirect.scatter.add.f32 [tilespmem:s24], [sflag:$0x3], $0x1, s2, s23, $0xb8;
	[tilespmem:$0x2B80] =	vst v63  }
0x45: {  	s25 =	simm.s32 $0x180  }
0x46: {  	[spmem:s1] =	stream.indirect.scatter.add.f32 [tilespmem:s24], [sflag:$0x4], $0x1, s25, s23, $0xb8;
	[tilespmem:$0x2B80] =	vst v63  }
0x47: {  	_ =	swait.ge [sflag:s28], $0x80  }
0x48: {  	[sflag:s28] =	ssyncset.done $0x0  }
0x49: {  	s26 =	simm.s32 $0x200;
	[sflag:s28] =	ssyncadd.s32 $0xFFFFFF80  }
0x4a: {  	[spmem:s1] =	stream.indirect.scatter.add.f32 [tilespmem:s24], [sflag:$0x1], $0x1, s26, s23, $0xb8;
	[tilespmem:$0x2B80] =	vst v63  }
0x4b: {  	_ =	swait.ge [sflag:s29], $0x80  }
0x4c: {  	[sflag:s29] =	ssyncset.done $0x0  }
0x4d: {  	s25 =	simm.s32 $0x280;
	[sflag:s29] =	ssyncadd.s32 $0xFFFFFF80  }
0x4e: {  	[spmem:s1] =	stream.indirect.scatter.add.f32 [tilespmem:s24], [sflag:$0x2], $0x1, s25, s23, $0xb8;
	[tilespmem:$0x2B80] =	vst v63  }
0x4f: {  	_ =	swait.ge [sflag:s30], $0x80  }
0x50: {  	[sflag:s30] =	ssyncset.done $0x0  }
0x51: {  	s26 =	simm.s32 $0x300;
	[sflag:s30] =	ssyncadd.s32 $0xFFFFFF80  }
0x52: {  	[spmem:s1] =	stream.indirect.scatter.add.f32 [tilespmem:s24], [sflag:$0x3], $0x1, s26, s23, $0xb8;
	[tilespmem:$0x2B80] =	vst v63  }
0x53: {  	_ =	swait.ge [sflag:s31], $0x80  }
0x54: {  	[sflag:s31] =	ssyncset.done $0x0  }
0x55: {  	s2 =	simm.s32 $0xFFFF7000;
	s25 =	simm.s32 $0x380;
	[sflag:s31] =	ssyncadd.s32 $0xFFFFFF80  }
.LBB2_2:
0x56: {  	[spmem:s1] =	stream.indirect.scatter.add.f32 [tilespmem:s24], [sflag:$0x4], $0x1, s25, s23, $0xb8;
	[tilespmem:$0x2B80] =	vst v63  }
0x57: {  	s25 =	smov.u32 s2  }
0x58: {  	p0 =	sne.s32 s2, $0xFFFFF800;
	s2 =	sadd.s32 $0x800, s2;
	_ =	swait.ge [sflag:s28], $0x80  }
0x59: {  	s25 =	sshra.s32 s25, $0x2;
	[sflag:s28] =	ssyncset.done $0x0  }
0x5a: {  	s26 =	sadd.s32 $0x2800, s25;
	[sflag:s28] =	ssyncadd.s32 $0xFFFFFF80  }
0x5b: {  	[spmem:s1] =	stream.indirect.scatter.add.f32 [tilespmem:s24], [sflag:$0x1], $0x1, s26, s23, $0xb8;
	[tilespmem:$0x2B80] =	vst v63  }
0x5c: {  	_ =	swait.ge [sflag:s29], $0x80  }
0x5d: {  	[sflag:s29] =	ssyncset.done $0x0  }
0x5e: {  	s26 =	sadd.s32 $0x2880, s25;
	[sflag:s29] =	ssyncadd.s32 $0xFFFFFF80  }
0x5f: {  	[spmem:s1] =	stream.indirect.scatter.add.f32 [tilespmem:s24], [sflag:$0x2], $0x1, s26, s23, $0xb8;
	[tilespmem:$0x2B80] =	vst v63  }
0x60: {  	_ =	swait.ge [sflag:s30], $0x80  }
0x61: {  	[sflag:s30] =	ssyncset.done $0x0  }
.Ltmp0:
0x62: {  	s26 =	sadd.s32 $0x2900, s25;
	[sflag:s30] =	ssyncadd.s32 $0xFFFFFF80;
	(pc) =	sbr.rel @p0 .LBB2_2-.Ltmp0, $4  }
0x63: {  	[spmem:s1] =	stream.indirect.scatter.add.f32 [tilespmem:s24], [sflag:$0x3], $0x1, s26, s23, $0xb8;
	[tilespmem:$0x2B80] =	vst v63  }
0x64: {  	_ =	swait.ge [sflag:s31], $0x80  }
0x65: {  	[sflag:s31] =	ssyncset.done $0x0  }
0x66: {  	s25 =	sadd.s32 $0x2980, s25;
	[sflag:s31] =	ssyncadd.s32 $0xFFFFFF80  }
0x67: {  	[spmem:s1] =	stream.indirect.scatter.add.f32 [tilespmem:s24], [sflag:$0x4], $0x1, s25, s23, $0xb8;
	[tilespmem:$0x2B80] =	vst v63  }
0x68: {  	_ =	swait.ge [sflag:s28], $0x80  }
0x69: {  	[sflag:s28] =	ssyncset.done $0x0  }
0x6a: {  	[sflag:s28] =	ssyncadd.s32 $0xFFFFFF80  }
0x6b: {  	_ =	swait.ge [sflag:s29], $0x80  }
0x6c: {  	[sflag:s29] =	ssyncset.done $0x0  }
0x6d: {  	[sflag:s29] =	ssyncadd.s32 $0xFFFFFF80  }
0x6e: {  	_ =	swait.ge [sflag:s30], $0x80  }
0x6f: {  	[sflag:s30] =	ssyncset.done $0x0  }
0x70: {  	[sflag:s30] =	ssyncadd.s32 $0xFFFFFF80  }
0x71: {  	_ =	swait.ge [sflag:s31], $0x80  }
0x72: {  	[sflag:s31] =	ssyncset.done $0x0  }
0x73: {  	[sflag:s31] =	ssyncadd.s32 $0xFFFFFF80  }
0x74: {  	[bflag:$0x0] =	sbarrier.arrive $0xFFFF  }
0x75: {  	[tilespmem:s21], [sflag:$0x5] =	stream.linear.gather [spmem:s6], $0x80, $0x38;
	[tilespmem:$0x2B80] =	vst v63  }
0x76: {  	_ =	swait.ge [sflag:s22], $0x80  }
0x77: {  	[sflag:s22] =	ssyncset.done $0x0  }
0x78: {  	[sflag:s22] =	ssyncadd.s32 $0xFFFFFF80  }
0x79: {  	[hbm4b:s12+s3] =	stream.linear.scatter [tilespmem:s21], [sflag:$0x5], $0x80, $0x38;
	[tilespmem:$0x2B80] =	vst v63  }
0x7a: {  	_ =	swait.ge [sflag:s22], $0x80  }
0x7b: {  	[sflag:s22] =	ssyncset.done $0x0  }
0x7c: {  	[sflag:s22] =	ssyncadd.s32 $0xFFFFFF80  }
0x7d: {  	[tilespmem:s21], [sflag:$0x5] =	stream.linear.gather [spmem:s13], $0x80, $0x38;
	[tilespmem:$0x2B80] =	vst v63  }
0x7e: {  	_ =	swait.ge [sflag:s22], $0x80  }
0x7f: {  	[sflag:s22] =	ssyncset.done $0x0  }
0x80: {  	[sflag:s22] =	ssyncadd.s32 $0xFFFFFF80  }
0x81: {  	[hbm4b:s14+s3] =	stream.linear.scatter [tilespmem:s21], [sflag:$0x5], $0x80, $0x38;
	[tilespmem:$0x2B80] =	vst v63  }
0x82: {  	_ =	swait.ge [sflag:s22], $0x80  }
0x83: {  	[sflag:s22] =	ssyncset.done $0x0  }
0x84: {  	[sflag:s22] =	ssyncadd.s32 $0xFFFFFF80  }
0x85: {  	[tilespmem:s21], [sflag:$0x5] =	stream.linear.gather [spmem:s15], $0x80, $0x38;
	[tilespmem:$0x2B80] =	vst v63  }
0x86: {  	_ =	swait.ge [sflag:s22], $0x80  }
0x87: {  	[sflag:s22] =	ssyncset.done $0x0  }
0x88: {  	[sflag:s22] =	ssyncadd.s32 $0xFFFFFF80  }
0x89: {  	[hbm4b:s16+s3] =	stream.linear.scatter [tilespmem:s21], [sflag:$0x5], $0x80, $0x38;
	[tilespmem:$0x2B80] =	vst v63  }
0x8a: {  	_ =	swait.ge [sflag:s22], $0x80  }
0x8b: {  	[sflag:s22] =	ssyncset.done $0x0  }
0x8c: {  	[sflag:s22] =	ssyncadd.s32 $0xFFFFFF80  }
0x8d: {  	[tilespmem:s21], [sflag:$0x5] =	stream.linear.gather [spmem:s17], $0x80, $0x38;
	[tilespmem:$0x2B80] =	vst v63  }
0x8e: {  	_ =	swait.ge [sflag:s22], $0x80  }
0x8f: {  	[sflag:s22] =	ssyncset.done $0x0  }
0x90: {  	[sflag:s22] =	ssyncadd.s32 $0xFFFFFF80  }
0x91: {  	[hbm4b:s18+s3] =	stream.linear.scatter [tilespmem:s21], [sflag:$0x5], $0x80, $0x38;
	[tilespmem:$0x2B80] =	vst v63  }
0x92: {  	_ =	swait.ge [sflag:s22], $0x80  }
0x93: {  	[sflag:s22] =	ssyncset.done $0x0  }
0x94: {  	[sflag:s22] =	ssyncadd.s32 $0xFFFFFF80  }
0x95: {  	[tilespmem:s21], [sflag:$0x5] =	stream.linear.gather [spmem:s19], $0x80, $0x38;
	[tilespmem:$0x2B80] =	vst v63  }
0x96: {  	s0 =	sadd.s32 $0x1, s0;
	_ =	swait.ge [sflag:s22], $0x80  }
0x97: {  	p0 =	sne.s32 s0, s7;
	[sflag:s22] =	ssyncset.done $0x0  }
.Ltmp1:
0x98: {  	[sflag:s22] =	ssyncadd.s32 $0xFFFFFF80;
	(pc) =	sbr.rel @p0 .LBB2_1-.Ltmp1, $4  }
0x99: {  	[hbm4b:s20+s3] =	stream.linear.scatter [tilespmem:s21], [sflag:$0x5], $0x80, $0x38;
	[tilespmem:$0x2B80] =	vst v63  }
0x9a: {  	_ =	swait.ge [sflag:s22], $0x80  }
0x9b: {  	[sflag:s22] =	ssyncset.done $0x0  }
0x9c: {  	[sflag:s22] =	ssyncadd.s32 $0xFFFFFF80  }
0x9d: {  	_ =	sfence.sel $0x180000  }
0x9e: {  	[bflag:$0x0] =	sbarrier.arrive $0xFFFF  }
0x9f: {  	_ =	strace $0x90000047  }
0xa0: {  	s0 =	stileid.u32;
	[bflag:$0x2] =	sbarrier.arrive $0xFFFF  }
0xa1: {  	p0 =	sne.s32 s0, $0x0;
	s0 =	rddreg [dreg:$0x3]  }
0xa2: {  	s0 =	sadd.s32 @!p0 $0x100000, s0  }
0xa3: {  	[sflag:s0] =	ssyncadd.tile.s32 @!p0 $0x1;
	_ =	shalt  }
.Lfunc_end2:
_tile_overlayer_lowered:
.L_overlay_start_2:
0xa4: {  	(tag) =	ssettag $0x2  }
0xa5: {  	s0 =	rddreg [dreg:$0x0];
	s2 =	stileid.u32  }
0xa6: {  	s1 =	rddreg [dreg:$0x1];
	p0 =	sne.s32 s2, $0x0  }
0xa7: {  	s3 =	rddreg [dreg:$0x2];
	[bflag:$0x3] =	sbarrier.arrive $0xFFFF;
	s2 =	simm.s32 @!p0 $0x1C05  }
0xa8: {  	[timem:s3], [sflag:s2] =	dma.local @!p0 [hbm:s0], s1  }
0xa9: {  	s0 =	simm.s32 @!p0 $0x5  }
0xaa: {  	_ =	swait.ge @!p0 [sflag:s0], s1  }
0xab: {  	s1 =	ssub.s32 @!p0 $0x0, s1;
	[sflag:s0] =	ssyncset.done @!p0 $0x0  }
0xac: {  	[sflag:s0] =	ssyncadd.s32 @!p0 s1  }
0xad: {  	[bflag:$0x3] =	sbarrier.arrive $0xFFFF  }
0xae: {  	_ =	shalt  }

</sc_bundles>
